<compile_context>
chip_gen: v7x
topology: tpu7x:2x2x1
jax: 0.10.2.dev20260603
libtpu: 0.0.44.dev20260713+nightly
codegen_flags: <defaults>
</compile_context>

<pallas_src>
import functools
import math

import jax
import jax.numpy as jnp
from jax import lax
from jax.experimental import pallas as pl
from jax.experimental.pallas import tpu as pltpu
from jax.experimental.pallas import tpu_sc as plsc

VOCAB = 1000000
D = 64
DP = 128
SCALE = math.sqrt(D)

NC = 2
NS = 16
NW = NC * NS

SEQ = 200
CH = 128
NB = 2


def _body(idx_hbm, table_hbm, out_hbm, idx_v, rows_g, rows_s, g0, g1, s0, s1):
    wid = lax.axis_index("s") * NC + lax.axis_index("c")
    gsem = (g0, g1)
    ssem = (s0, s1)

    pltpu.sync_copy(idx_hbm.at[:, pl.ds(wid * CH, CH)], idx_v)

    def issue_gather(j, b):
        pltpu.async_copy(table_hbm.at[idx_v.at[j]], rows_g.at[b], gsem[b])

    def wait_gather(b):
        pltpu.make_async_copy(table_hbm.at[pl.ds(0, CH)], rows_g.at[b], gsem[b]).wait()

    def issue_scatter(j, b):
        pltpu.async_copy(rows_s.at[b], out_hbm.at[wid, j], ssem[b])

    def wait_scatter(b):
        pltpu.make_async_copy(rows_s.at[b], out_hbm.at[wid, 0], ssem[b]).wait()

    def scale(b):
        @plsc.parallel_loop(0, CH, 1, unroll=4)
        def _(t):
            for k in range(DP // 16):
                sl = pl.ds(k * 16, 16)
                rows_s[b, t, sl] = rows_g[b, t, sl] * SCALE

    for b in range(NB):
        issue_gather(b, b)
    for b in range(NB):
        wait_gather(b)
        scale(b)
        issue_scatter(b, b)
        issue_gather(b + NB, b)

    def outer(g, carry):
        for b in range(NB):
            j = NB + g * NB + b
            wait_gather(b)
            wait_scatter(b)
            scale(b)
            issue_scatter(j, b)
            issue_gather(j + NB, b)
        return carry

    lax.fori_loop(0, (SEQ - 2 * NB) // NB, outer, 0)

    for b in range(NB):
        j = SEQ - NB + b
        wait_gather(b)
        wait_scatter(b)
        scale(b)
        issue_scatter(j, b)
    for b in range(NB):
        wait_scatter(b)


@jax.jit
def _lookup(x_idx, table):
    mesh = plsc.VectorSubcoreMesh(core_axis_name="c", subcore_axis_name="s")
    f = pl.kernel(
        _body,
        mesh=mesh,
        out_type=jax.ShapeDtypeStruct((NW, SEQ, CH, DP), jnp.float32),
        scratch_types=[
            pltpu.VMEM((SEQ, CH), jnp.int32),
            pltpu.VMEM((NB, CH, DP), jnp.float32),
            pltpu.VMEM((NB, CH, DP), jnp.float32),
            pltpu.SemaphoreType.DMA,
            pltpu.SemaphoreType.DMA,
            pltpu.SemaphoreType.DMA,
            pltpu.SemaphoreType.DMA,
        ],
        compiler_params=pltpu.CompilerParams(
            use_tc_tiling_on_sc=False, needs_layout_passes=False
        ),
    )
    return f(x_idx, table)


def kernel(x, weight):
    xT = x.astype(jnp.int32).T
    wp = jnp.pad(weight, ((0, 0), (0, DP - D)))
    out7 = _lookup(xT, wp)
    emb = out7.transpose(0, 2, 1, 3).reshape(4096, SEQ, DP)
    return emb[:, :, :D]

# --- scband reference (transcript-rebuilt; emitter-appended) ---
"""Pipeline reference for scband-token-embedding-33715493274181 (READ-ONLY COPY).

The authoritative reference and input builder live on the scoring server;
editing this copy changes nothing except your own understanding.
"""

import jax, jax.numpy as jnp
import numpy as np
import math

VOCAB = 1000000
D_MODEL = 64

def setup_inputs(seed: int = 0) -> dict:
    key = jax.random.key(seed)
    k_idx, k_w = jax.random.split(key)
    x = jax.random.randint(k_idx, (4096, 200), 0, VOCAB, dtype=jnp.int64 if jax.config.jax_enable_x64 else jnp.int32)
    weight = jax.random.normal(k_w, (VOCAB, D_MODEL), dtype=jnp.float32) * math.sqrt(2.0 / D_MODEL)
    return {"x": x, "weight": weight}

def reference(x, weight):
    # embedding lookup, scaled by sqrt(d_model); dropout is identity in eval/reference
    emb = jnp.take(weight, x, axis=0)
    return emb * math.sqrt(D_MODEL)

if __name__ == "__main__":
    import jax
    _d = setup_inputs()
    print(jax.jit(kernel)(*tuple(_d.values())))

</pallas_src>

<mosaic_0001>
#map = affine_map<(d0, d1) -> (0, 0)>
#map1 = affine_map<(d0, d1) -> (0, 0, 0, 0)>
module attributes {stable_mosaic.version = 14 : i64} {
  func.func @_body(%arg0: i32, %arg1: i32, %arg2: memref<200x4096xi32, #tpu.memory_space<hbm>>, %arg3: memref<1000000x128xf32, #tpu.memory_space<hbm>>, %arg4: memref<32x200x128x128xf32, #tpu.memory_space<hbm>>, %arg5: memref<200x128xi32, #tpu.memory_space<vmem>>, %arg6: memref<2x128x128xf32, #tpu.memory_space<vmem>>, %arg7: memref<2x128x128xf32, #tpu.memory_space<vmem>>, %arg8: memref<!tpu.dma_semaphore, #tpu.memory_space<semaphore_mem>>, %arg9: memref<!tpu.dma_semaphore, #tpu.memory_space<semaphore_mem>>, %arg10: memref<!tpu.dma_semaphore, #tpu.memory_space<semaphore_mem>>, %arg11: memref<!tpu.dma_semaphore, #tpu.memory_space<semaphore_mem>>) attributes {dimension_semantics = [#tpu.dimension_semantics<core_parallel>, #tpu.dimension_semantics<subcore_parallel>], iteration_bounds = array<i64: 2, 16>, scalar_prefetch = 0 : i64, scratch_operands = 7 : i64, tpu.core_type = #tpu.core_type<sc_vector_subcore>, window_params = [{transform_indices = #map}, {transform_indices = #map}, {transform_indices = #map1}]} {
    %mul3A = arith.constant 2 : i32
    %mul3A_0 = arith.muli %arg1, %mul3A : i32
    %add3A = arith.addi %mul3A_0, %arg0 : i32
    %mul3A_1 = arith.constant 128 : i32
    %mul3A_2 = arith.muli %add3A, %mul3A_1 : i32
    "tpu.region"() ({
      %run_scoped3A = tpu.sem_alloc : memref<!tpu.dma_semaphore, #tpu.memory_space<semaphore_mem>>
      %dma_start3A_269 = arith.constant 0 : i32
      %dma_start3A_270 = tpu.memref_slice %arg2[%dma_start3A_269, %mul3A_2] : memref<200x4096xi32, #tpu.memory_space<hbm>> -> memref<200x128xi32, #tpu.memory_space<hbm>>
      %dma_start3A_271 = arith.constant 0 : i32
      %dma_start3A_272 = tpu.memref_slice %arg2[%dma_start3A_271, %mul3A_2] : memref<200x4096xi32, #tpu.memory_space<hbm>> -> memref<200x128xi32, #tpu.memory_space<hbm>>
      tpu.enqueue_dma source(%dma_start3A_272 : memref<200x128xi32, #tpu.memory_space<hbm>>) target(%arg5 : memref<200x128xi32, #tpu.memory_space<vmem>>) target_semaphore(%run_scoped3A : memref<!tpu.dma_semaphore, #tpu.memory_space<semaphore_mem>>)
      %dma_wait3A_273 = arith.constant 0 : i32
      %dma_wait3A_274 = tpu.memref_slice %arg2[%dma_wait3A_273, %mul3A_2] : memref<200x4096xi32, #tpu.memory_space<hbm>> -> memref<200x128xi32, #tpu.memory_space<hbm>>
      %dma_wait3A_275 = arith.constant 0 : i32
      %dma_wait3A_276 = tpu.memref_slice %arg2[%dma_wait3A_275, %mul3A_2] : memref<200x4096xi32, #tpu.memory_space<hbm>> -> memref<200x128xi32, #tpu.memory_space<hbm>>
      tpu.wait_dma2 semaphore(%run_scoped3A : memref<!tpu.dma_semaphore, #tpu.memory_space<semaphore_mem>>) src(%dma_wait3A_276 : memref<200x128xi32, #tpu.memory_space<hbm>>) dst(%arg5 : memref<200x128xi32, #tpu.memory_space<vmem>>)
      tpu.yield
    }) : () -> ()
    %dma_start3A = arith.constant 0 : i32
    %dma_start3A_3 = arith.constant 0 : i32
    %dma_start3A_4 = arith.constant 0 : i32
    %dma_start3A_5 = arith.constant 0 : i32
    %dma_start3A_6 = tpu.memref_slice %arg6[%dma_start3A_3, %dma_start3A_4, %dma_start3A_5] : memref<2x128x128xf32, #tpu.memory_space<vmem>> -> memref<1x128x128xf32, #tpu.memory_space<vmem>>
    %dma_start3A_7 = tpu.memref_squeeze %dma_start3A_6 : memref<1x128x128xf32, #tpu.memory_space<vmem>> -> memref<128x128xf32, #tpu.memory_space<vmem>>
    %dma_start3A_8 = arith.constant 0 : i32
    %dma_start3A_9 = tpu.memref_slice %arg5[%dma_start3A, %dma_start3A_8] : memref<200x128xi32, #tpu.memory_space<vmem>> -> memref<1x128xi32, #tpu.memory_space<vmem>>
    %dma_start3A_10 = tpu.memref_squeeze %dma_start3A_9 : memref<1x128xi32, #tpu.memory_space<vmem>> -> memref<128xi32, #tpu.memory_space<vmem>>
    %dma_start3A_11 = arith.constant 0 : i32
    %dma_start3A_12 = arith.constant 0 : i32
    %dma_start3A_13 = tpu.memref_slice %arg3[%dma_start3A_11, %dma_start3A_12] : memref<1000000x128xf32, #tpu.memory_space<hbm>> -> memref<1000000x128xf32, #tpu.memory_space<hbm>>
    tpu.enqueue_indirect_dma source(%dma_start3A_13 : memref<1000000x128xf32, #tpu.memory_space<hbm>>) target(%dma_start3A_7 : memref<128x128xf32, #tpu.memory_space<vmem>>) offsets(%dma_start3A_10 : memref<128xi32, #tpu.memory_space<vmem>>) semaphore(%arg8 : memref<!tpu.dma_semaphore, #tpu.memory_space<semaphore_mem>>)
    %dma_start3A_14 = arith.constant 1 : i32
    %dma_start3A_15 = arith.constant 1 : i32
    %dma_start3A_16 = arith.constant 0 : i32
    %dma_start3A_17 = arith.constant 0 : i32
    %dma_start3A_18 = tpu.memref_slice %arg6[%dma_start3A_15, %dma_start3A_16, %dma_start3A_17] : memref<2x128x128xf32, #tpu.memory_space<vmem>> -> memref<1x128x128xf32, #tpu.memory_space<vmem>>
    %dma_start3A_19 = tpu.memref_squeeze %dma_start3A_18 : memref<1x128x128xf32, #tpu.memory_space<vmem>> -> memref<128x128xf32, #tpu.memory_space<vmem>>
    %dma_start3A_20 = arith.constant 0 : i32
    %dma_start3A_21 = tpu.memref_slice %arg5[%dma_start3A_14, %dma_start3A_20] : memref<200x128xi32, #tpu.memory_space<vmem>> -> memref<1x128xi32, #tpu.memory_space<vmem>>
    %dma_start3A_22 = tpu.memref_squeeze %dma_start3A_21 : memref<1x128xi32, #tpu.memory_space<vmem>> -> memref<128xi32, #tpu.memory_space<vmem>>
    %dma_start3A_23 = arith.constant 0 : i32
    %dma_start3A_24 = arith.constant 0 : i32
    %dma_start3A_25 = tpu.memref_slice %arg3[%dma_start3A_23, %dma_start3A_24] : memref<1000000x128xf32, #tpu.memory_space<hbm>> -> memref<1000000x128xf32, #tpu.memory_space<hbm>>
    tpu.enqueue_indirect_dma source(%dma_start3A_25 : memref<1000000x128xf32, #tpu.memory_space<hbm>>) target(%dma_start3A_19 : memref<128x128xf32, #tpu.memory_space<vmem>>) offsets(%dma_start3A_22 : memref<128xi32, #tpu.memory_space<vmem>>) semaphore(%arg9 : memref<!tpu.dma_semaphore, #tpu.memory_space<semaphore_mem>>)
    %dma_wait3A = arith.constant 0 : i32
    %dma_wait3A_26 = arith.constant 0 : i32
    %dma_wait3A_27 = arith.constant 0 : i32
    %dma_wait3A_28 = tpu.memref_slice %arg6[%dma_wait3A, %dma_wait3A_26, %dma_wait3A_27] : memref<2x128x128xf32, #tpu.memory_space<vmem>> -> memref<1x128x128xf32, #tpu.memory_space<vmem>>
    %dma_wait3A_29 = tpu.memref_squeeze %dma_wait3A_28 : memref<1x128x128xf32, #tpu.memory_space<vmem>> -> memref<128x128xf32, #tpu.memory_space<vmem>>
    %dma_wait3A_30 = arith.constant 0 : i32
    %dma_wait3A_31 = arith.constant 0 : i32
    %dma_wait3A_32 = tpu.memref_slice %arg3[%dma_wait3A_30, %dma_wait3A_31] : memref<1000000x128xf32, #tpu.memory_space<hbm>> -> memref<128x128xf32, #tpu.memory_space<hbm>>
    %dma_wait3A_33 = arith.constant 0 : i32
    %dma_wait3A_34 = arith.constant 0 : i32
    %dma_wait3A_35 = tpu.memref_slice %arg6[%dma_wait3A, %dma_wait3A_33, %dma_wait3A_34] : memref<2x128x128xf32, #tpu.memory_space<vmem>> -> memref<1x128x128xf32, #tpu.memory_space<vmem>>
    %dma_wait3A_36 = tpu.memref_squeeze %dma_wait3A_35 : memref<1x128x128xf32, #tpu.memory_space<vmem>> -> memref<128x128xf32, #tpu.memory_space<vmem>>
    %dma_wait3A_37 = arith.constant 0 : i32
    %dma_wait3A_38 = arith.constant 0 : i32
    %dma_wait3A_39 = tpu.memref_slice %arg3[%dma_wait3A_37, %dma_wait3A_38] : memref<1000000x128xf32, #tpu.memory_space<hbm>> -> memref<128x128xf32, #tpu.memory_space<hbm>>
    tpu.wait_dma2 semaphore(%arg8 : memref<!tpu.dma_semaphore, #tpu.memory_space<semaphore_mem>>) src(%dma_wait3A_39 : memref<128x128xf32, #tpu.memory_space<hbm>>) dst(%dma_wait3A_36 : memref<128x128xf32, #tpu.memory_space<vmem>>)
    %parallel_loop3A = arith.constant 0 : i32
    %parallel_loop3A_40 = arith.constant 128 : i32
    %parallel_loop3A_41 = arith.constant 1 : i32
    scf.for %parallel_loop3A_269 = %parallel_loop3A to %parallel_loop3A_40 step %parallel_loop3A_41  : i32 {
      %parallel_loop3A_270 = arith.constant 0 : i32
      %parallel_loop3A_271 = arith.index_cast %parallel_loop3A_270 : i32 to index
      %parallel_loop3A_272 = arith.index_cast %parallel_loop3A_269 : i32 to index
      %parallel_loop3A_273 = arith.constant 0 : index
      %parallel_loop3A_274 = tpu.vector_load %arg6[%parallel_loop3A_271, %parallel_loop3A_272, %parallel_loop3A_273] {strides = array<i32>} : memref<2x128x128xf32, #tpu.memory_space<vmem>>, vector<16xf32>,
      %parallel_loop3A_275 = arith.constant 8.000000e+00 : f32
      %parallel_loop3A_276 = vector.broadcast %parallel_loop3A_275 : f32 to vector<16xf32>
      %parallel_loop3A_277 = arith.mulf %parallel_loop3A_274, %parallel_loop3A_276 : vector<16xf32>
      %parallel_loop3A_278 = arith.constant 0 : i32
      %parallel_loop3A_279 = arith.index_cast %parallel_loop3A_278 : i32 to index
      %parallel_loop3A_280 = arith.index_cast %parallel_loop3A_269 : i32 to index
      %parallel_loop3A_281 = arith.constant 0 : index
      %parallel_loop3A_282 = tpu.vector_load %arg7[%parallel_loop3A_279, %parallel_loop3A_280, %parallel_loop3A_281] {strides = array<i32>} : memref<2x128x128xf32, #tpu.memory_space<vmem>>, vector<16xf32>,
      tpu.vector_store %arg7[%parallel_loop3A_279, %parallel_loop3A_280, %parallel_loop3A_281], %parallel_loop3A_277 {strides = array<i32>} : memref<2x128x128xf32, #tpu.memory_space<vmem>>, vector<16xf32>,
      %parallel_loop3A_283 = arith.constant 0 : i32
      %parallel_loop3A_284 = arith.index_cast %parallel_loop3A_283 : i32 to index
      %parallel_loop3A_285 = arith.index_cast %parallel_loop3A_269 : i32 to index
      %parallel_loop3A_286 = arith.constant 16 : index
      %parallel_loop3A_287 = tpu.vector_load %arg6[%parallel_loop3A_284, %parallel_loop3A_285, %parallel_loop3A_286] {strides = array<i32>} : memref<2x128x128xf32, #tpu.memory_space<vmem>>, vector<16xf32>,
      %parallel_loop3A_288 = arith.constant 8.000000e+00 : f32
      %parallel_loop3A_289 = vector.broadcast %parallel_loop3A_288 : f32 to vector<16xf32>
      %parallel_loop3A_290 = arith.mulf %parallel_loop3A_287, %parallel_loop3A_289 : vector<16xf32>
      %parallel_loop3A_291 = arith.constant 0 : i32
      %parallel_loop3A_292 = arith.index_cast %parallel_loop3A_291 : i32 to index
      %parallel_loop3A_293 = arith.index_cast %parallel_loop3A_269 : i32 to index
      %parallel_loop3A_294 = arith.constant 16 : index
      %parallel_loop3A_295 = tpu.vector_load %arg7[%parallel_loop3A_292, %parallel_loop3A_293, %parallel_loop3A_294] {strides = array<i32>} : memref<2x128x128xf32, #tpu.memory_space<vmem>>, vector<16xf32>,
      tpu.vector_store %arg7[%parallel_loop3A_292, %parallel_loop3A_293, %parallel_loop3A_294], %parallel_loop3A_290 {strides = array<i32>} : memref<2x128x128xf32, #tpu.memory_space<vmem>>, vector<16xf32>,
      %parallel_loop3A_296 = arith.constant 0 : i32
      %parallel_loop3A_297 = arith.index_cast %parallel_loop3A_296 : i32 to index
      %parallel_loop3A_298 = arith.index_cast %parallel_loop3A_269 : i32 to index
      %parallel_loop3A_299 = arith.constant 32 : index
      %parallel_loop3A_300 = tpu.vector_load %arg6[%parallel_loop3A_297, %parallel_loop3A_298, %parallel_loop3A_299] {strides = array<i32>} : memref<2x128x128xf32, #tpu.memory_space<vmem>>, vector<16xf32>,
      %parallel_loop3A_301 = arith.constant 8.000000e+00 : f32
      %parallel_loop3A_302 = vector.broadcast %parallel_loop3A_301 : f32 to vector<16xf32>
      %parallel_loop3A_303 = arith.mulf %parallel_loop3A_300, %parallel_loop3A_302 : vector<16xf32>
      %parallel_loop3A_304 = arith.constant 0 : i32
      %parallel_loop3A_305 = arith.index_cast %parallel_loop3A_304 : i32 to index
      %parallel_loop3A_306 = arith.index_cast %parallel_loop3A_269 : i32 to index
      %parallel_loop3A_307 = arith.constant 32 : index
      %parallel_loop3A_308 = tpu.vector_load %arg7[%parallel_loop3A_305, %parallel_loop3A_306, %parallel_loop3A_307] {strides = array<i32>} : memref<2x128x128xf32, #tpu.memory_space<vmem>>, vector<16xf32>,
      tpu.vector_store %arg7[%parallel_loop3A_305, %parallel_loop3A_306, %parallel_loop3A_307], %parallel_loop3A_303 {strides = array<i32>} : memref<2x128x128xf32, #tpu.memory_space<vmem>>, vector<16xf32>,
      %parallel_loop3A_309 = arith.constant 0 : i32
      %parallel_loop3A_310 = arith.index_cast %parallel_loop3A_309 : i32 to index
      %parallel_loop3A_311 = arith.index_cast %parallel_loop3A_269 : i32 to index
      %parallel_loop3A_312 = arith.constant 48 : index
      %parallel_loop3A_313 = tpu.vector_load %arg6[%parallel_loop3A_310, %parallel_loop3A_311, %parallel_loop3A_312] {strides = array<i32>} : memref<2x128x128xf32, #tpu.memory_space<vmem>>, vector<16xf32>,
      %parallel_loop3A_314 = arith.constant 8.000000e+00 : f32
      %parallel_loop3A_315 = vector.broadcast %parallel_loop3A_314 : f32 to vector<16xf32>
      %parallel_loop3A_316 = arith.mulf %parallel_loop3A_313, %parallel_loop3A_315 : vector<16xf32>
      %parallel_loop3A_317 = arith.constant 0 : i32
      %parallel_loop3A_318 = arith.index_cast %parallel_loop3A_317 : i32 to index
      %parallel_loop3A_319 = arith.index_cast %parallel_loop3A_269 : i32 to index
      %parallel_loop3A_320 = arith.constant 48 : index
      %parallel_loop3A_321 = tpu.vector_load %arg7[%parallel_loop3A_318, %parallel_loop3A_319, %parallel_loop3A_320] {strides = array<i32>} : memref<2x128x128xf32, #tpu.memory_space<vmem>>, vector<16xf32>,
      tpu.vector_store %arg7[%parallel_loop3A_318, %parallel_loop3A_319, %parallel_loop3A_320], %parallel_loop3A_316 {strides = array<i32>} : memref<2x128x128xf32, #tpu.memory_space<vmem>>, vector<16xf32>,
      %parallel_loop3A_322 = arith.constant 0 : i32
      %parallel_loop3A_323 = arith.index_cast %parallel_loop3A_322 : i32 to index
      %parallel_loop3A_324 = arith.index_cast %parallel_loop3A_269 : i32 to index
      %parallel_loop3A_325 = arith.constant 64 : index
      %parallel_loop3A_326 = tpu.vector_load %arg6[%parallel_loop3A_323, %parallel_loop3A_324, %parallel_loop3A_325] {strides = array<i32>} : memref<2x128x128xf32, #tpu.memory_space<vmem>>, vector<16xf32>,
      %parallel_loop3A_327 = arith.constant 8.000000e+00 : f32
      %parallel_loop3A_328 = vector.broadcast %parallel_loop3A_327 : f32 to vector<16xf32>
      %parallel_loop3A_329 = arith.mulf %parallel_loop3A_326, %parallel_loop3A_328 : vector<16xf32>
      %parallel_loop3A_330 = arith.constant 0 : i32
      %parallel_loop3A_331 = arith.index_cast %parallel_loop3A_330 : i32 to index
      %parallel_loop3A_332 = arith.index_cast %parallel_loop3A_269 : i32 to index
      %parallel_loop3A_333 = arith.constant 64 : index
      %parallel_loop3A_334 = tpu.vector_load %arg7[%parallel_loop3A_331, %parallel_loop3A_332, %parallel_loop3A_333] {strides = array<i32>} : memref<2x128x128xf32, #tpu.memory_space<vmem>>, vector<16xf32>,
      tpu.vector_store %arg7[%parallel_loop3A_331, %parallel_loop3A_332, %parallel_loop3A_333], %parallel_loop3A_329 {strides = array<i32>} : memref<2x128x128xf32, #tpu.memory_space<vmem>>, vector<16xf32>,
      %parallel_loop3A_335 = arith.constant 0 : i32
      %parallel_loop3A_336 = arith.index_cast %parallel_loop3A_335 : i32 to index
      %parallel_loop3A_337 = arith.index_cast %parallel_loop3A_269 : i32 to index
      %parallel_loop3A_338 = arith.constant 80 : index
      %parallel_loop3A_339 = tpu.vector_load %arg6[%parallel_loop3A_336, %parallel_loop3A_337, %parallel_loop3A_338] {strides = array<i32>} : memref<2x128x128xf32, #tpu.memory_space<vmem>>, vector<16xf32>,
      %parallel_loop3A_340 = arith.constant 8.000000e+00 : f32
      %parallel_loop3A_341 = vector.broadcast %parallel_loop3A_340 : f32 to vector<16xf32>
      %parallel_loop3A_342 = arith.mulf %parallel_loop3A_339, %parallel_loop3A_341 : vector<16xf32>
      %parallel_loop3A_343 = arith.constant 0 : i32
      %parallel_loop3A_344 = arith.index_cast %parallel_loop3A_343 : i32 to index
      %parallel_loop3A_345 = arith.index_cast %parallel_loop3A_269 : i32 to index
      %parallel_loop3A_346 = arith.constant 80 : index
      %parallel_loop3A_347 = tpu.vector_load %arg7[%parallel_loop3A_344, %parallel_loop3A_345, %parallel_loop3A_346] {strides = array<i32>} : memref<2x128x128xf32, #tpu.memory_space<vmem>>, vector<16xf32>,
      tpu.vector_store %arg7[%parallel_loop3A_344, %parallel_loop3A_345, %parallel_loop3A_346], %parallel_loop3A_342 {strides = array<i32>} : memref<2x128x128xf32, #tpu.memory_space<vmem>>, vector<16xf32>,
      %parallel_loop3A_348 = arith.constant 0 : i32
      %parallel_loop3A_349 = arith.index_cast %parallel_loop3A_348 : i32 to index
      %parallel_loop3A_350 = arith.index_cast %parallel_loop3A_269 : i32 to index
      %parallel_loop3A_351 = arith.constant 96 : index
      %parallel_loop3A_352 = tpu.vector_load %arg6[%parallel_loop3A_349, %parallel_loop3A_350, %parallel_loop3A_351] {strides = array<i32>} : memref<2x128x128xf32, #tpu.memory_space<vmem>>, vector<16xf32>,
      %parallel_loop3A_353 = arith.constant 8.000000e+00 : f32
      %parallel_loop3A_354 = vector.broadcast %parallel_loop3A_353 : f32 to vector<16xf32>
      %parallel_loop3A_355 = arith.mulf %parallel_loop3A_352, %parallel_loop3A_354 : vector<16xf32>
      %parallel_loop3A_356 = arith.constant 0 : i32
      %parallel_loop3A_357 = arith.index_cast %parallel_loop3A_356 : i32 to index
      %parallel_loop3A_358 = arith.index_cast %parallel_loop3A_269 : i32 to index
      %parallel_loop3A_359 = arith.constant 96 : index
      %parallel_loop3A_360 = tpu.vector_load %arg7[%parallel_loop3A_357, %parallel_loop3A_358, %parallel_loop3A_359] {strides = array<i32>} : memref<2x128x128xf32, #tpu.memory_space<vmem>>, vector<16xf32>,
      tpu.vector_store %arg7[%parallel_loop3A_357, %parallel_loop3A_358, %parallel_loop3A_359], %parallel_loop3A_355 {strides = array<i32>} : memref<2x128x128xf32, #tpu.memory_space<vmem>>, vector<16xf32>,
      %parallel_loop3A_361 = arith.constant 0 : i32
      %parallel_loop3A_362 = arith.index_cast %parallel_loop3A_361 : i32 to index
      %parallel_loop3A_363 = arith.index_cast %parallel_loop3A_269 : i32 to index
      %parallel_loop3A_364 = arith.constant 112 : index
      %parallel_loop3A_365 = tpu.vector_load %arg6[%parallel_loop3A_362, %parallel_loop3A_363, %parallel_loop3A_364] {strides = array<i32>} : memref<2x128x128xf32, #tpu.memory_space<vmem>>, vector<16xf32>,
      %parallel_loop3A_366 = arith.constant 8.000000e+00 : f32
      %parallel_loop3A_367 = vector.broadcast %parallel_loop3A_366 : f32 to vector<16xf32>
      %parallel_loop3A_368 = arith.mulf %parallel_loop3A_365, %parallel_loop3A_367 : vector<16xf32>
      %parallel_loop3A_369 = arith.constant 0 : i32
      %parallel_loop3A_370 = arith.index_cast %parallel_loop3A_369 : i32 to index
      %parallel_loop3A_371 = arith.index_cast %parallel_loop3A_269 : i32 to index
      %parallel_loop3A_372 = arith.constant 112 : index
      %parallel_loop3A_373 = tpu.vector_load %arg7[%parallel_loop3A_370, %parallel_loop3A_371, %parallel_loop3A_372] {strides = array<i32>} : memref<2x128x128xf32, #tpu.memory_space<vmem>>, vector<16xf32>,
      tpu.vector_store %arg7[%parallel_loop3A_370, %parallel_loop3A_371, %parallel_loop3A_372], %parallel_loop3A_368 {strides = array<i32>} : memref<2x128x128xf32, #tpu.memory_space<vmem>>, vector<16xf32>,
    } {sc.loop_unroll_factor = 4 : i64, sc.parallel_access}
    %dma_start3A_42 = arith.constant 0 : i32
    %dma_start3A_43 = arith.constant 0 : i32
    %dma_start3A_44 = arith.constant 0 : i32
    %dma_start3A_45 = arith.constant 0 : i32
    %dma_start3A_46 = tpu.memref_slice %arg7[%dma_start3A_42, %dma_start3A_44, %dma_start3A_45] : memref<2x128x128xf32, #tpu.memory_space<vmem>> -> memref<1x128x128xf32, #tpu.memory_space<vmem>>
    %dma_start3A_47 = tpu.memref_squeeze %dma_start3A_46 : memref<1x128x128xf32, #tpu.memory_space<vmem>> -> memref<128x128xf32, #tpu.memory_space<vmem>>
    %dma_start3A_48 = arith.constant 0 : i32
    %dma_start3A_49 = arith.constant 0 : i32
    %dma_start3A_50 = tpu.memref_slice %arg4[%add3A, %dma_start3A_43, %dma_start3A_48, %dma_start3A_49] : memref<32x200x128x128xf32, #tpu.memory_space<hbm>> -> memref<1x1x128x128xf32, #tpu.memory_space<hbm>>
    %dma_start3A_51 = tpu.memref_squeeze %dma_start3A_50 : memref<1x1x128x128xf32, #tpu.memory_space<hbm>> -> memref<128x128xf32, #tpu.memory_space<hbm>>
    %dma_start3A_52 = arith.constant 0 : i32
    %dma_start3A_53 = arith.constant 0 : i32
    %dma_start3A_54 = tpu.memref_slice %arg4[%add3A, %dma_start3A_43, %dma_start3A_52, %dma_start3A_53] : memref<32x200x128x128xf32, #tpu.memory_space<hbm>> -> memref<1x1x128x128xf32, #tpu.memory_space<hbm>>
    %dma_start3A_55 = tpu.memref_squeeze %dma_start3A_54 : memref<1x1x128x128xf32, #tpu.memory_space<hbm>> -> memref<128x128xf32, #tpu.memory_space<hbm>>
    %dma_start3A_56 = arith.constant 0 : i32
    %dma_start3A_57 = arith.constant 0 : i32
    %dma_start3A_58 = tpu.memref_slice %arg7[%dma_start3A_42, %dma_start3A_56, %dma_start3A_57] : memref<2x128x128xf32, #tpu.memory_space<vmem>> -> memref<1x128x128xf32, #tpu.memory_space<vmem>>
    %dma_start3A_59 = tpu.memref_squeeze %dma_start3A_58 : memref<1x128x128xf32, #tpu.memory_space<vmem>> -> memref<128x128xf32, #tpu.memory_space<vmem>>
    tpu.enqueue_dma source(%dma_start3A_59 : memref<128x128xf32, #tpu.memory_space<vmem>>) target(%dma_start3A_55 : memref<128x128xf32, #tpu.memory_space<hbm>>) target_semaphore(%arg10 : memref<!tpu.dma_semaphore, #tpu.memory_space<semaphore_mem>>)
    %dma_start3A_60 = arith.constant 2 : i32
    %dma_start3A_61 = arith.constant 0 : i32
    %dma_start3A_62 = arith.constant 0 : i32
    %dma_start3A_63 = arith.constant 0 : i32
    %dma_start3A_64 = tpu.memref_slice %arg6[%dma_start3A_61, %dma_start3A_62, %dma_start3A_63] : memref<2x128x128xf32, #tpu.memory_space<vmem>> -> memref<1x128x128xf32, #tpu.memory_space<vmem>>
    %dma_start3A_65 = tpu.memref_squeeze %dma_start3A_64 : memref<1x128x128xf32, #tpu.memory_space<vmem>> -> memref<128x128xf32, #tpu.memory_space<vmem>>
    %dma_start3A_66 = arith.constant 0 : i32
    %dma_start3A_67 = tpu.memref_slice %arg5[%dma_start3A_60, %dma_start3A_66] : memref<200x128xi32, #tpu.memory_space<vmem>> -> memref<1x128xi32, #tpu.memory_space<vmem>>
    %dma_start3A_68 = tpu.memref_squeeze %dma_start3A_67 : memref<1x128xi32, #tpu.memory_space<vmem>> -> memref<128xi32, #tpu.memory_space<vmem>>
    %dma_start3A_69 = arith.constant 0 : i32
    %dma_start3A_70 = arith.constant 0 : i32
    %dma_start3A_71 = tpu.memref_slice %arg3[%dma_start3A_69, %dma_start3A_70] : memref<1000000x128xf32, #tpu.memory_space<hbm>> -> memref<1000000x128xf32, #tpu.memory_space<hbm>>
    tpu.enqueue_indirect_dma source(%dma_start3A_71 : memref<1000000x128xf32, #tpu.memory_space<hbm>>) target(%dma_start3A_65 : memref<128x128xf32, #tpu.memory_space<vmem>>) offsets(%dma_start3A_68 : memref<128xi32, #tpu.memory_space<vmem>>) semaphore(%arg8 : memref<!tpu.dma_semaphore, #tpu.memory_space<semaphore_mem>>)
    %dma_wait3A_72 = arith.constant 1 : i32
    %dma_wait3A_73 = arith.constant 0 : i32
    %dma_wait3A_74 = arith.constant 0 : i32
    %dma_wait3A_75 = tpu.memref_slice %arg6[%dma_wait3A_72, %dma_wait3A_73, %dma_wait3A_74] : memref<2x128x128xf32, #tpu.memory_space<vmem>> -> memref<1x128x128xf32, #tpu.memory_space<vmem>>
    %dma_wait3A_76 = tpu.memref_squeeze %dma_wait3A_75 : memref<1x128x128xf32, #tpu.memory_space<vmem>> -> memref<128x128xf32, #tpu.memory_space<vmem>>
    %dma_wait3A_77 = arith.constant 0 : i32
    %dma_wait3A_78 = arith.constant 0 : i32
    %dma_wait3A_79 = tpu.memref_slice %arg3[%dma_wait3A_77, %dma_wait3A_78] : memref<1000000x128xf32, #tpu.memory_space<hbm>> -> memref<128x128xf32, #tpu.memory_space<hbm>>
    %dma_wait3A_80 = arith.constant 0 : i32
    %dma_wait3A_81 = arith.constant 0 : i32
    %dma_wait3A_82 = tpu.memref_slice %arg6[%dma_wait3A_72, %dma_wait3A_80, %dma_wait3A_81] : memref<2x128x128xf32, #tpu.memory_space<vmem>> -> memref<1x128x128xf32, #tpu.memory_space<vmem>>
    %dma_wait3A_83 = tpu.memref_squeeze %dma_wait3A_82 : memref<1x128x128xf32, #tpu.memory_space<vmem>> -> memref<128x128xf32, #tpu.memory_space<vmem>>
    %dma_wait3A_84 = arith.constant 0 : i32
    %dma_wait3A_85 = arith.constant 0 : i32
    %dma_wait3A_86 = tpu.memref_slice %arg3[%dma_wait3A_84, %dma_wait3A_85] : memref<1000000x128xf32, #tpu.memory_space<hbm>> -> memref<128x128xf32, #tpu.memory_space<hbm>>
    tpu.wait_dma2 semaphore(%arg9 : memref<!tpu.dma_semaphore, #tpu.memory_space<semaphore_mem>>) src(%dma_wait3A_86 : memref<128x128xf32, #tpu.memory_space<hbm>>) dst(%dma_wait3A_83 : memref<128x128xf32, #tpu.memory_space<vmem>>)
    %parallel_loop3A_87 = arith.constant 0 : i32
    %parallel_loop3A_88 = arith.constant 128 : i32
    %parallel_loop3A_89 = arith.constant 1 : i32
    scf.for %parallel_loop3A_269 = %parallel_loop3A_87 to %parallel_loop3A_88 step %parallel_loop3A_89  : i32 {
      %parallel_loop3A_270 = arith.constant 1 : i32
      %parallel_loop3A_271 = arith.index_cast %parallel_loop3A_270 : i32 to index
      %parallel_loop3A_272 = arith.index_cast %parallel_loop3A_269 : i32 to index
      %parallel_loop3A_273 = arith.constant 0 : index
      %parallel_loop3A_274 = tpu.vector_load %arg6[%parallel_loop3A_271, %parallel_loop3A_272, %parallel_loop3A_273] {strides = array<i32>} : memref<2x128x128xf32, #tpu.memory_space<vmem>>, vector<16xf32>,
      %parallel_loop3A_275 = arith.constant 8.000000e+00 : f32
      %parallel_loop3A_276 = vector.broadcast %parallel_loop3A_275 : f32 to vector<16xf32>
      %parallel_loop3A_277 = arith.mulf %parallel_loop3A_274, %parallel_loop3A_276 : vector<16xf32>
      %parallel_loop3A_278 = arith.constant 1 : i32
      %parallel_loop3A_279 = arith.index_cast %parallel_loop3A_278 : i32 to index
      %parallel_loop3A_280 = arith.index_cast %parallel_loop3A_269 : i32 to index
      %parallel_loop3A_281 = arith.constant 0 : index
      %parallel_loop3A_282 = tpu.vector_load %arg7[%parallel_loop3A_279, %parallel_loop3A_280, %parallel_loop3A_281] {strides = array<i32>} : memref<2x128x128xf32, #tpu.memory_space<vmem>>, vector<16xf32>,
      tpu.vector_store %arg7[%parallel_loop3A_279, %parallel_loop3A_280, %parallel_loop3A_281], %parallel_loop3A_277 {strides = array<i32>} : memref<2x128x128xf32, #tpu.memory_space<vmem>>, vector<16xf32>,
      %parallel_loop3A_283 = arith.constant 1 : i32
      %parallel_loop3A_284 = arith.index_cast %parallel_loop3A_283 : i32 to index
      %parallel_loop3A_285 = arith.index_cast %parallel_loop3A_269 : i32 to index
      %parallel_loop3A_286 = arith.constant 16 : index
      %parallel_loop3A_287 = tpu.vector_load %arg6[%parallel_loop3A_284, %parallel_loop3A_285, %parallel_loop3A_286] {strides = array<i32>} : memref<2x128x128xf32, #tpu.memory_space<vmem>>, vector<16xf32>,
      %parallel_loop3A_288 = arith.constant 8.000000e+00 : f32
      %parallel_loop3A_289 = vector.broadcast %parallel_loop3A_288 : f32 to vector<16xf32>
      %parallel_loop3A_290 = arith.mulf %parallel_loop3A_287, %parallel_loop3A_289 : vector<16xf32>
      %parallel_loop3A_291 = arith.constant 1 : i32
      %parallel_loop3A_292 = arith.index_cast %parallel_loop3A_291 : i32 to index
      %parallel_loop3A_293 = arith.index_cast %parallel_loop3A_269 : i32 to index
      %parallel_loop3A_294 = arith.constant 16 : index
      %parallel_loop3A_295 = tpu.vector_load %arg7[%parallel_loop3A_292, %parallel_loop3A_293, %parallel_loop3A_294] {strides = array<i32>} : memref<2x128x128xf32, #tpu.memory_space<vmem>>, vector<16xf32>,
      tpu.vector_store %arg7[%parallel_loop3A_292, %parallel_loop3A_293, %parallel_loop3A_294], %parallel_loop3A_290 {strides = array<i32>} : memref<2x128x128xf32, #tpu.memory_space<vmem>>, vector<16xf32>,
      %parallel_loop3A_296 = arith.constant 1 : i32
      %parallel_loop3A_297 = arith.index_cast %parallel_loop3A_296 : i32 to index
      %parallel_loop3A_298 = arith.index_cast %parallel_loop3A_269 : i32 to index
      %parallel_loop3A_299 = arith.constant 32 : index
      %parallel_loop3A_300 = tpu.vector_load %arg6[%parallel_loop3A_297, %parallel_loop3A_298, %parallel_loop3A_299] {strides = array<i32>} : memref<2x128x128xf32, #tpu.memory_space<vmem>>, vector<16xf32>,
      %parallel_loop3A_301 = arith.constant 8.000000e+00 : f32
      %parallel_loop3A_302 = vector.broadcast %parallel_loop3A_301 : f32 to vector<16xf32>
      %parallel_loop3A_303 = arith.mulf %parallel_loop3A_300, %parallel_loop3A_302 : vector<16xf32>
      %parallel_loop3A_304 = arith.constant 1 : i32
      %parallel_loop3A_305 = arith.index_cast %parallel_loop3A_304 : i32 to index
      %parallel_loop3A_306 = arith.index_cast %parallel_loop3A_269 : i32 to index
      %parallel_loop3A_307 = arith.constant 32 : index
      %parallel_loop3A_308 = tpu.vector_load %arg7[%parallel_loop3A_305, %parallel_loop3A_306, %parallel_loop3A_307] {strides = array<i32>} : memref<2x128x128xf32, #tpu.memory_space<vmem>>, vector<16xf32>,
      tpu.vector_store %arg7[%parallel_loop3A_305, %parallel_loop3A_306, %parallel_loop3A_307], %parallel_loop3A_303 {strides = array<i32>} : memref<2x128x128xf32, #tpu.memory_space<vmem>>, vector<16xf32>,
      %parallel_loop3A_309 = arith.constant 1 : i32
      %parallel_loop3A_310 = arith.index_cast %parallel_loop3A_309 : i32 to index
      %parallel_loop3A_311 = arith.index_cast %parallel_loop3A_269 : i32 to index
      %parallel_loop3A_312 = arith.constant 48 : index
      %parallel_loop3A_313 = tpu.vector_load %arg6[%parallel_loop3A_310, %parallel_loop3A_311, %parallel_loop3A_312] {strides = array<i32>} : memref<2x128x128xf32, #tpu.memory_space<vmem>>, vector<16xf32>,
      %parallel_loop3A_314 = arith.constant 8.000000e+00 : f32
      %parallel_loop3A_315 = vector.broadcast %parallel_loop3A_314 : f32 to vector<16xf32>
      %parallel_loop3A_316 = arith.mulf %parallel_loop3A_313, %parallel_loop3A_315 : vector<16xf32>
      %parallel_loop3A_317 = arith.constant 1 : i32
      %parallel_loop3A_318 = arith.index_cast %parallel_loop3A_317 : i32 to index
      %parallel_loop3A_319 = arith.index_cast %parallel_loop3A_269 : i32 to index
      %parallel_loop3A_320 = arith.constant 48 : index
      %parallel_loop3A_321 = tpu.vector_load %arg7[%parallel_loop3A_318, %parallel_loop3A_319, %parallel_loop3A_320] {strides = array<i32>} : memref<2x128x128xf32, #tpu.memory_space<vmem>>, vector<16xf32>,
      tpu.vector_store %arg7[%parallel_loop3A_318, %parallel_loop3A_319, %parallel_loop3A_320], %parallel_loop3A_316 {strides = array<i32>} : memref<2x128x128xf32, #tpu.memory_space<vmem>>, vector<16xf32>,
      %parallel_loop3A_322 = arith.constant 1 : i32
      %parallel_loop3A_323 = arith.index_cast %parallel_loop3A_322 : i32 to index
      %parallel_loop3A_324 = arith.index_cast %parallel_loop3A_269 : i32 to index
      %parallel_loop3A_325 = arith.constant 64 : index
      %parallel_loop3A_326 = tpu.vector_load %arg6[%parallel_loop3A_323, %parallel_loop3A_324, %parallel_loop3A_325] {strides = array<i32>} : memref<2x128x128xf32, #tpu.memory_space<vmem>>, vector<16xf32>,
      %parallel_loop3A_327 = arith.constant 8.000000e+00 : f32
      %parallel_loop3A_328 = vector.broadcast %parallel_loop3A_327 : f32 to vector<16xf32>
      %parallel_loop3A_329 = arith.mulf %parallel_loop3A_326, %parallel_loop3A_328 : vector<16xf32>
      %parallel_loop3A_330 = arith.constant 1 : i32
      %parallel_loop3A_331 = arith.index_cast %parallel_loop3A_330 : i32 to index
      %parallel_loop3A_332 = arith.index_cast %parallel_loop3A_269 : i32 to index
      %parallel_loop3A_333 = arith.constant 64 : index
      %parallel_loop3A_334 = tpu.vector_load %arg7[%parallel_loop3A_331, %parallel_loop3A_332, %parallel_loop3A_333] {strides = array<i32>} : memref<2x128x128xf32, #tpu.memory_space<vmem>>, vector<16xf32>,
      tpu.vector_store %arg7[%parallel_loop3A_331, %parallel_loop3A_332, %parallel_loop3A_333], %parallel_loop3A_329 {strides = array<i32>} : memref<2x128x128xf32, #tpu.memory_space<vmem>>, vector<16xf32>,
      %parallel_loop3A_335 = arith.constant 1 : i32
      %parallel_loop3A_336 = arith.index_cast %parallel_loop3A_335 : i32 to index
      %parallel_loop3A_337 = arith.index_cast %parallel_loop3A_269 : i32 to index
      %parallel_loop3A_338 = arith.constant 80 : index
      %parallel_loop3A_339 = tpu.vector_load %arg6[%parallel_loop3A_336, %parallel_loop3A_337, %parallel_loop3A_338] {strides = array<i32>} : memref<2x128x128xf32, #tpu.memory_space<vmem>>, vector<16xf32>,
      %parallel_loop3A_340 = arith.constant 8.000000e+00 : f32
      %parallel_loop3A_341 = vector.broadcast %parallel_loop3A_340 : f32 to vector<16xf32>
      %parallel_loop3A_342 = arith.mulf %parallel_loop3A_339, %parallel_loop3A_341 : vector<16xf32>
      %parallel_loop3A_343 = arith.constant 1 : i32
      %parallel_loop3A_344 = arith.index_cast %parallel_loop3A_343 : i32 to index
      %parallel_loop3A_345 = arith.index_cast %parallel_loop3A_269 : i32 to index
      %parallel_loop3A_346 = arith.constant 80 : index
      %parallel_loop3A_347 = tpu.vector_load %arg7[%parallel_loop3A_344, %parallel_loop3A_345, %parallel_loop3A_346] {strides = array<i32>} : memref<2x128x128xf32, #tpu.memory_space<vmem>>, vector<16xf32>,
      tpu.vector_store %arg7[%parallel_loop3A_344, %parallel_loop3A_345, %parallel_loop3A_346], %parallel_loop3A_342 {strides = array<i32>} : memref<2x128x128xf32, #tpu.memory_space<vmem>>, vector<16xf32>,
      %parallel_loop3A_348 = arith.constant 1 : i32
      %parallel_loop3A_349 = arith.index_cast %parallel_loop3A_348 : i32 to index
      %parallel_loop3A_350 = arith.index_cast %parallel_loop3A_269 : i32 to index
      %parallel_loop3A_351 = arith.constant 96 : index
      %parallel_loop3A_352 = tpu.vector_load %arg6[%parallel_loop3A_349, %parallel_loop3A_350, %parallel_loop3A_351] {strides = array<i32>} : memref<2x128x128xf32, #tpu.memory_space<vmem>>, vector<16xf32>,
      %parallel_loop3A_353 = arith.constant 8.000000e+00 : f32
      %parallel_loop3A_354 = vector.broadcast %parallel_loop3A_353 : f32 to vector<16xf32>
      %parallel_loop3A_355 = arith.mulf %parallel_loop3A_352, %parallel_loop3A_354 : vector<16xf32>
      %parallel_loop3A_356 = arith.constant 1 : i32
      %parallel_loop3A_357 = arith.index_cast %parallel_loop3A_356 : i32 to index
      %parallel_loop3A_358 = arith.index_cast %parallel_loop3A_269 : i32 to index
      %parallel_loop3A_359 = arith.constant 96 : index
      %parallel_loop3A_360 = tpu.vector_load %arg7[%parallel_loop3A_357, %parallel_loop3A_358, %parallel_loop3A_359] {strides = array<i32>} : memref<2x128x128xf32, #tpu.memory_space<vmem>>, vector<16xf32>,
      tpu.vector_store %arg7[%parallel_loop3A_357, %parallel_loop3A_358, %parallel_loop3A_359], %parallel_loop3A_355 {strides = array<i32>} : memref<2x128x128xf32, #tpu.memory_space<vmem>>, vector<16xf32>,
      %parallel_loop3A_361 = arith.constant 1 : i32
      %parallel_loop3A_362 = arith.index_cast %parallel_loop3A_361 : i32 to index
      %parallel_loop3A_363 = arith.index_cast %parallel_loop3A_269 : i32 to index
      %parallel_loop3A_364 = arith.constant 112 : index
      %parallel_loop3A_365 = tpu.vector_load %arg6[%parallel_loop3A_362, %parallel_loop3A_363, %parallel_loop3A_364] {strides = array<i32>} : memref<2x128x128xf32, #tpu.memory_space<vmem>>, vector<16xf32>,
      %parallel_loop3A_366 = arith.constant 8.000000e+00 : f32
      %parallel_loop3A_367 = vector.broadcast %parallel_loop3A_366 : f32 to vector<16xf32>
      %parallel_loop3A_368 = arith.mulf %parallel_loop3A_365, %parallel_loop3A_367 : vector<16xf32>
      %parallel_loop3A_369 = arith.constant 1 : i32
      %parallel_loop3A_370 = arith.index_cast %parallel_loop3A_369 : i32 to index
      %parallel_loop3A_371 = arith.index_cast %parallel_loop3A_269 : i32 to index
      %parallel_loop3A_372 = arith.constant 112 : index
      %parallel_loop3A_373 = tpu.vector_load %arg7[%parallel_loop3A_370, %parallel_loop3A_371, %parallel_loop3A_372] {strides = array<i32>} : memref<2x128x128xf32, #tpu.memory_space<vmem>>, vector<16xf32>,
      tpu.vector_store %arg7[%parallel_loop3A_370, %parallel_loop3A_371, %parallel_loop3A_372], %parallel_loop3A_368 {strides = array<i32>} : memref<2x128x128xf32, #tpu.memory_space<vmem>>, vector<16xf32>,
    } {sc.loop_unroll_factor = 4 : i64, sc.parallel_access}
    %dma_start3A_90 = arith.constant 1 : i32
    %dma_start3A_91 = arith.constant 1 : i32
    %dma_start3A_92 = arith.constant 0 : i32
    %dma_start3A_93 = arith.constant 0 : i32
    %dma_start3A_94 = tpu.memref_slice %arg7[%dma_start3A_90, %dma_start3A_92, %dma_start3A_93] : memref<2x128x128xf32, #tpu.memory_space<vmem>> -> memref<1x128x128xf32, #tpu.memory_space<vmem>>
    %dma_start3A_95 = tpu.memref_squeeze %dma_start3A_94 : memref<1x128x128xf32, #tpu.memory_space<vmem>> -> memref<128x128xf32, #tpu.memory_space<vmem>>
    %dma_start3A_96 = arith.constant 0 : i32
    %dma_start3A_97 = arith.constant 0 : i32
    %dma_start3A_98 = tpu.memref_slice %arg4[%add3A, %dma_start3A_91, %dma_start3A_96, %dma_start3A_97] : memref<32x200x128x128xf32, #tpu.memory_space<hbm>> -> memref<1x1x128x128xf32, #tpu.memory_space<hbm>>
    %dma_start3A_99 = tpu.memref_squeeze %dma_start3A_98 : memref<1x1x128x128xf32, #tpu.memory_space<hbm>> -> memref<128x128xf32, #tpu.memory_space<hbm>>
    %dma_start3A_100 = arith.constant 0 : i32
    %dma_start3A_101 = arith.constant 0 : i32
    %dma_start3A_102 = tpu.memref_slice %arg4[%add3A, %dma_start3A_91, %dma_start3A_100, %dma_start3A_101] : memref<32x200x128x128xf32, #tpu.memory_space<hbm>> -> memref<1x1x128x128xf32, #tpu.memory_space<hbm>>
    %dma_start3A_103 = tpu.memref_squeeze %dma_start3A_102 : memref<1x1x128x128xf32, #tpu.memory_space<hbm>> -> memref<128x128xf32, #tpu.memory_space<hbm>>
    %dma_start3A_104 = arith.constant 0 : i32
    %dma_start3A_105 = arith.constant 0 : i32
    %dma_start3A_106 = tpu.memref_slice %arg7[%dma_start3A_90, %dma_start3A_104, %dma_start3A_105] : memref<2x128x128xf32, #tpu.memory_space<vmem>> -> memref<1x128x128xf32, #tpu.memory_space<vmem>>
    %dma_start3A_107 = tpu.memref_squeeze %dma_start3A_106 : memref<1x128x128xf32, #tpu.memory_space<vmem>> -> memref<128x128xf32, #tpu.memory_space<vmem>>
    tpu.enqueue_dma source(%dma_start3A_107 : memref<128x128xf32, #tpu.memory_space<vmem>>) target(%dma_start3A_103 : memref<128x128xf32, #tpu.memory_space<hbm>>) target_semaphore(%arg11 : memref<!tpu.dma_semaphore, #tpu.memory_space<semaphore_mem>>)
    %dma_start3A_108 = arith.constant 3 : i32
    %dma_start3A_109 = arith.constant 1 : i32
    %dma_start3A_110 = arith.constant 0 : i32
    %dma_start3A_111 = arith.constant 0 : i32
    %dma_start3A_112 = tpu.memref_slice %arg6[%dma_start3A_109, %dma_start3A_110, %dma_start3A_111] : memref<2x128x128xf32, #tpu.memory_space<vmem>> -> memref<1x128x128xf32, #tpu.memory_space<vmem>>
    %dma_start3A_113 = tpu.memref_squeeze %dma_start3A_112 : memref<1x128x128xf32, #tpu.memory_space<vmem>> -> memref<128x128xf32, #tpu.memory_space<vmem>>
    %dma_start3A_114 = arith.constant 0 : i32
    %dma_start3A_115 = tpu.memref_slice %arg5[%dma_start3A_108, %dma_start3A_114] : memref<200x128xi32, #tpu.memory_space<vmem>> -> memref<1x128xi32, #tpu.memory_space<vmem>>
    %dma_start3A_116 = tpu.memref_squeeze %dma_start3A_115 : memref<1x128xi32, #tpu.memory_space<vmem>> -> memref<128xi32, #tpu.memory_space<vmem>>
    %dma_start3A_117 = arith.constant 0 : i32
    %dma_start3A_118 = arith.constant 0 : i32
    %dma_start3A_119 = tpu.memref_slice %arg3[%dma_start3A_117, %dma_start3A_118] : memref<1000000x128xf32, #tpu.memory_space<hbm>> -> memref<1000000x128xf32, #tpu.memory_space<hbm>>
    tpu.enqueue_indirect_dma source(%dma_start3A_119 : memref<1000000x128xf32, #tpu.memory_space<hbm>>) target(%dma_start3A_113 : memref<128x128xf32, #tpu.memory_space<vmem>>) offsets(%dma_start3A_116 : memref<128xi32, #tpu.memory_space<vmem>>) semaphore(%arg9 : memref<!tpu.dma_semaphore, #tpu.memory_space<semaphore_mem>>)
    %scan3A = arith.constant 0 : i32
    %scan3A_120 = arith.constant 0 : i32
    %scan3A_121 = arith.constant 98 : i32
    %scan3A_122 = arith.addi %scan3A_120, %scan3A_121 : i32
    %scan3A_123 = arith.constant 1 : i32
    scf.for %scan3A_269 = %scan3A_120 to %scan3A_122 step %scan3A_123  : i32 {
      %mul3A_270 = arith.constant 2 : i32
      %mul3A_271 = arith.muli %scan3A_269, %mul3A_270 : i32
      %add3A_272 = arith.constant 2 : i32
      %add3A_273 = arith.addi %add3A_272, %mul3A_271 : i32
      %add3A_274 = arith.constant 0 : i32
      %add3A_275 = arith.addi %add3A_273, %add3A_274 : i32
      %dma_wait3A_276 = arith.constant 0 : i32
      %dma_wait3A_277 = arith.constant 0 : i32
      %dma_wait3A_278 = arith.constant 0 : i32
      %dma_wait3A_279 = tpu.memref_slice %arg6[%dma_wait3A_276, %dma_wait3A_277, %dma_wait3A_278] : memref<2x128x128xf32, #tpu.memory_space<vmem>> -> memref<1x128x128xf32, #tpu.memory_space<vmem>>
      %dma_wait3A_280 = tpu.memref_squeeze %dma_wait3A_279 : memref<1x128x128xf32, #tpu.memory_space<vmem>> -> memref<128x128xf32, #tpu.memory_space<vmem>>
      %dma_wait3A_281 = arith.constant 0 : i32
      %dma_wait3A_282 = arith.constant 0 : i32
      %dma_wait3A_283 = tpu.memref_slice %arg3[%dma_wait3A_281, %dma_wait3A_282] : memref<1000000x128xf32, #tpu.memory_space<hbm>> -> memref<128x128xf32, #tpu.memory_space<hbm>>
      %dma_wait3A_284 = arith.constant 0 : i32
      %dma_wait3A_285 = arith.constant 0 : i32
      %dma_wait3A_286 = tpu.memref_slice %arg6[%dma_wait3A_276, %dma_wait3A_284, %dma_wait3A_285] : memref<2x128x128xf32, #tpu.memory_space<vmem>> -> memref<1x128x128xf32, #tpu.memory_space<vmem>>
      %dma_wait3A_287 = tpu.memref_squeeze %dma_wait3A_286 : memref<1x128x128xf32, #tpu.memory_space<vmem>> -> memref<128x128xf32, #tpu.memory_space<vmem>>
      %dma_wait3A_288 = arith.constant 0 : i32
      %dma_wait3A_289 = arith.constant 0 : i32
      %dma_wait3A_290 = tpu.memref_slice %arg3[%dma_wait3A_288, %dma_wait3A_289] : memref<1000000x128xf32, #tpu.memory_space<hbm>> -> memref<128x128xf32, #tpu.memory_space<hbm>>
      tpu.wait_dma2 semaphore(%arg8 : memref<!tpu.dma_semaphore, #tpu.memory_space<semaphore_mem>>) src(%dma_wait3A_290 : memref<128x128xf32, #tpu.memory_space<hbm>>) dst(%dma_wait3A_287 : memref<128x128xf32, #tpu.memory_space<vmem>>)
      %dma_wait3A_291 = arith.constant 0 : i32
      %dma_wait3A_292 = arith.constant 0 : i32
      %dma_wait3A_293 = arith.constant 0 : i32
      %dma_wait3A_294 = arith.constant 0 : i32
      %dma_wait3A_295 = tpu.memref_slice %arg7[%dma_wait3A_291, %dma_wait3A_293, %dma_wait3A_294] : memref<2x128x128xf32, #tpu.memory_space<vmem>> -> memref<1x128x128xf32, #tpu.memory_space<vmem>>
      %dma_wait3A_296 = tpu.memref_squeeze %dma_wait3A_295 : memref<1x128x128xf32, #tpu.memory_space<vmem>> -> memref<128x128xf32, #tpu.memory_space<vmem>>
      %dma_wait3A_297 = arith.constant 0 : i32
      %dma_wait3A_298 = arith.constant 0 : i32
      %dma_wait3A_299 = tpu.memref_slice %arg4[%add3A, %dma_wait3A_292, %dma_wait3A_297, %dma_wait3A_298] : memref<32x200x128x128xf32, #tpu.memory_space<hbm>> -> memref<1x1x128x128xf32, #tpu.memory_space<hbm>>
      %dma_wait3A_300 = tpu.memref_squeeze %dma_wait3A_299 : memref<1x1x128x128xf32, #tpu.memory_space<hbm>> -> memref<128x128xf32, #tpu.memory_space<hbm>>
      %dma_wait3A_301 = arith.constant 0 : i32
      %dma_wait3A_302 = arith.constant 0 : i32
      %dma_wait3A_303 = tpu.memref_slice %arg4[%add3A, %dma_wait3A_292, %dma_wait3A_301, %dma_wait3A_302] : memref<32x200x128x128xf32, #tpu.memory_space<hbm>> -> memref<1x1x128x128xf32, #tpu.memory_space<hbm>>
      %dma_wait3A_304 = tpu.memref_squeeze %dma_wait3A_303 : memref<1x1x128x128xf32, #tpu.memory_space<hbm>> -> memref<128x128xf32, #tpu.memory_space<hbm>>
      %dma_wait3A_305 = arith.constant 0 : i32
      %dma_wait3A_306 = arith.constant 0 : i32
      %dma_wait3A_307 = tpu.memref_slice %arg7[%dma_wait3A_291, %dma_wait3A_305, %dma_wait3A_306] : memref<2x128x128xf32, #tpu.memory_space<vmem>> -> memref<1x128x128xf32, #tpu.memory_space<vmem>>
      %dma_wait3A_308 = tpu.memref_squeeze %dma_wait3A_307 : memref<1x128x128xf32, #tpu.memory_space<vmem>> -> memref<128x128xf32, #tpu.memory_space<vmem>>
      tpu.wait_dma2 semaphore(%arg10 : memref<!tpu.dma_semaphore, #tpu.memory_space<semaphore_mem>>) src(%dma_wait3A_308 : memref<128x128xf32, #tpu.memory_space<vmem>>) dst(%dma_wait3A_304 : memref<128x128xf32, #tpu.memory_space<hbm>>)
      %parallel_loop3A_309 = arith.constant 0 : i32
      %parallel_loop3A_310 = arith.constant 128 : i32
      %parallel_loop3A_311 = arith.constant 1 : i32
      scf.for %parallel_loop3A_414 = %parallel_loop3A_309 to %parallel_loop3A_310 step %parallel_loop3A_311  : i32 {
        %parallel_loop3A_415 = arith.constant 0 : i32
        %parallel_loop3A_416 = arith.index_cast %parallel_loop3A_415 : i32 to index
        %parallel_loop3A_417 = arith.index_cast %parallel_loop3A_414 : i32 to index
        %parallel_loop3A_418 = arith.constant 0 : index
        %parallel_loop3A_419 = tpu.vector_load %arg6[%parallel_loop3A_416, %parallel_loop3A_417, %parallel_loop3A_418] {strides = array<i32>} : memref<2x128x128xf32, #tpu.memory_space<vmem>>, vector<16xf32>,
        %parallel_loop3A_420 = arith.constant 8.000000e+00 : f32
        %parallel_loop3A_421 = vector.broadcast %parallel_loop3A_420 : f32 to vector<16xf32>
        %parallel_loop3A_422 = arith.mulf %parallel_loop3A_419, %parallel_loop3A_421 : vector<16xf32>
        %parallel_loop3A_423 = arith.constant 0 : i32
        %parallel_loop3A_424 = arith.index_cast %parallel_loop3A_423 : i32 to index
        %parallel_loop3A_425 = arith.index_cast %parallel_loop3A_414 : i32 to index
        %parallel_loop3A_426 = arith.constant 0 : index
        %parallel_loop3A_427 = tpu.vector_load %arg7[%parallel_loop3A_424, %parallel_loop3A_425, %parallel_loop3A_426] {strides = array<i32>} : memref<2x128x128xf32, #tpu.memory_space<vmem>>, vector<16xf32>,
        tpu.vector_store %arg7[%parallel_loop3A_424, %parallel_loop3A_425, %parallel_loop3A_426], %parallel_loop3A_422 {strides = array<i32>} : memref<2x128x128xf32, #tpu.memory_space<vmem>>, vector<16xf32>,
        %parallel_loop3A_428 = arith.constant 0 : i32
        %parallel_loop3A_429 = arith.index_cast %parallel_loop3A_428 : i32 to index
        %parallel_loop3A_430 = arith.index_cast %parallel_loop3A_414 : i32 to index
        %parallel_loop3A_431 = arith.constant 16 : index
        %parallel_loop3A_432 = tpu.vector_load %arg6[%parallel_loop3A_429, %parallel_loop3A_430, %parallel_loop3A_431] {strides = array<i32>} : memref<2x128x128xf32, #tpu.memory_space<vmem>>, vector<16xf32>,
        %parallel_loop3A_433 = arith.constant 8.000000e+00 : f32
        %parallel_loop3A_434 = vector.broadcast %parallel_loop3A_433 : f32 to vector<16xf32>
        %parallel_loop3A_435 = arith.mulf %parallel_loop3A_432, %parallel_loop3A_434 : vector<16xf32>
        %parallel_loop3A_436 = arith.constant 0 : i32
        %parallel_loop3A_437 = arith.index_cast %parallel_loop3A_436 : i32 to index
        %parallel_loop3A_438 = arith.index_cast %parallel_loop3A_414 : i32 to index
        %parallel_loop3A_439 = arith.constant 16 : index
        %parallel_loop3A_440 = tpu.vector_load %arg7[%parallel_loop3A_437, %parallel_loop3A_438, %parallel_loop3A_439] {strides = array<i32>} : memref<2x128x128xf32, #tpu.memory_space<vmem>>, vector<16xf32>,
        tpu.vector_store %arg7[%parallel_loop3A_437, %parallel_loop3A_438, %parallel_loop3A_439], %parallel_loop3A_435 {strides = array<i32>} : memref<2x128x128xf32, #tpu.memory_space<vmem>>, vector<16xf32>,
        %parallel_loop3A_441 = arith.constant 0 : i32
        %parallel_loop3A_442 = arith.index_cast %parallel_loop3A_441 : i32 to index
        %parallel_loop3A_443 = arith.index_cast %parallel_loop3A_414 : i32 to index
        %parallel_loop3A_444 = arith.constant 32 : index
        %parallel_loop3A_445 = tpu.vector_load %arg6[%parallel_loop3A_442, %parallel_loop3A_443, %parallel_loop3A_444] {strides = array<i32>} : memref<2x128x128xf32, #tpu.memory_space<vmem>>, vector<16xf32>,
        %parallel_loop3A_446 = arith.constant 8.000000e+00 : f32
        %parallel_loop3A_447 = vector.broadcast %parallel_loop3A_446 : f32 to vector<16xf32>
        %parallel_loop3A_448 = arith.mulf %parallel_loop3A_445, %parallel_loop3A_447 : vector<16xf32>
        %parallel_loop3A_449 = arith.constant 0 : i32
        %parallel_loop3A_450 = arith.index_cast %parallel_loop3A_449 : i32 to index
        %parallel_loop3A_451 = arith.index_cast %parallel_loop3A_414 : i32 to index
        %parallel_loop3A_452 = arith.constant 32 : index
        %parallel_loop3A_453 = tpu.vector_load %arg7[%parallel_loop3A_450, %parallel_loop3A_451, %parallel_loop3A_452] {strides = array<i32>} : memref<2x128x128xf32, #tpu.memory_space<vmem>>, vector<16xf32>,
        tpu.vector_store %arg7[%parallel_loop3A_450, %parallel_loop3A_451, %parallel_loop3A_452], %parallel_loop3A_448 {strides = array<i32>} : memref<2x128x128xf32, #tpu.memory_space<vmem>>, vector<16xf32>,
        %parallel_loop3A_454 = arith.constant 0 : i32
        %parallel_loop3A_455 = arith.index_cast %parallel_loop3A_454 : i32 to index
        %parallel_loop3A_456 = arith.index_cast %parallel_loop3A_414 : i32 to index
        %parallel_loop3A_457 = arith.constant 48 : index
        %parallel_loop3A_458 = tpu.vector_load %arg6[%parallel_loop3A_455, %parallel_loop3A_456, %parallel_loop3A_457] {strides = array<i32>} : memref<2x128x128xf32, #tpu.memory_space<vmem>>, vector<16xf32>,
        %parallel_loop3A_459 = arith.constant 8.000000e+00 : f32
        %parallel_loop3A_460 = vector.broadcast %parallel_loop3A_459 : f32 to vector<16xf32>
        %parallel_loop3A_461 = arith.mulf %parallel_loop3A_458, %parallel_loop3A_460 : vector<16xf32>
        %parallel_loop3A_462 = arith.constant 0 : i32
        %parallel_loop3A_463 = arith.index_cast %parallel_loop3A_462 : i32 to index
        %parallel_loop3A_464 = arith.index_cast %parallel_loop3A_414 : i32 to index
        %parallel_loop3A_465 = arith.constant 48 : index
        %parallel_loop3A_466 = tpu.vector_load %arg7[%parallel_loop3A_463, %parallel_loop3A_464, %parallel_loop3A_465] {strides = array<i32>} : memref<2x128x128xf32, #tpu.memory_space<vmem>>, vector<16xf32>,
        tpu.vector_store %arg7[%parallel_loop3A_463, %parallel_loop3A_464, %parallel_loop3A_465], %parallel_loop3A_461 {strides = array<i32>} : memref<2x128x128xf32, #tpu.memory_space<vmem>>, vector<16xf32>,
        %parallel_loop3A_467 = arith.constant 0 : i32
        %parallel_loop3A_468 = arith.index_cast %parallel_loop3A_467 : i32 to index
        %parallel_loop3A_469 = arith.index_cast %parallel_loop3A_414 : i32 to index
        %parallel_loop3A_470 = arith.constant 64 : index
        %parallel_loop3A_471 = tpu.vector_load %arg6[%parallel_loop3A_468, %parallel_loop3A_469, %parallel_loop3A_470] {strides = array<i32>} : memref<2x128x128xf32, #tpu.memory_space<vmem>>, vector<16xf32>,
        %parallel_loop3A_472 = arith.constant 8.000000e+00 : f32
        %parallel_loop3A_473 = vector.broadcast %parallel_loop3A_472 : f32 to vector<16xf32>
        %parallel_loop3A_474 = arith.mulf %parallel_loop3A_471, %parallel_loop3A_473 : vector<16xf32>
        %parallel_loop3A_475 = arith.constant 0 : i32
        %parallel_loop3A_476 = arith.index_cast %parallel_loop3A_475 : i32 to index
        %parallel_loop3A_477 = arith.index_cast %parallel_loop3A_414 : i32 to index
        %parallel_loop3A_478 = arith.constant 64 : index
        %parallel_loop3A_479 = tpu.vector_load %arg7[%parallel_loop3A_476, %parallel_loop3A_477, %parallel_loop3A_478] {strides = array<i32>} : memref<2x128x128xf32, #tpu.memory_space<vmem>>, vector<16xf32>,
        tpu.vector_store %arg7[%parallel_loop3A_476, %parallel_loop3A_477, %parallel_loop3A_478], %parallel_loop3A_474 {strides = array<i32>} : memref<2x128x128xf32, #tpu.memory_space<vmem>>, vector<16xf32>,
        %parallel_loop3A_480 = arith.constant 0 : i32
        %parallel_loop3A_481 = arith.index_cast %parallel_loop3A_480 : i32 to index
        %parallel_loop3A_482 = arith.index_cast %parallel_loop3A_414 : i32 to index
        %parallel_loop3A_483 = arith.constant 80 : index
        %parallel_loop3A_484 = tpu.vector_load %arg6[%parallel_loop3A_481, %parallel_loop3A_482, %parallel_loop3A_483] {strides = array<i32>} : memref<2x128x128xf32, #tpu.memory_space<vmem>>, vector<16xf32>,
        %parallel_loop3A_485 = arith.constant 8.000000e+00 : f32
        %parallel_loop3A_486 = vector.broadcast %parallel_loop3A_485 : f32 to vector<16xf32>
        %parallel_loop3A_487 = arith.mulf %parallel_loop3A_484, %parallel_loop3A_486 : vector<16xf32>
        %parallel_loop3A_488 = arith.constant 0 : i32
        %parallel_loop3A_489 = arith.index_cast %parallel_loop3A_488 : i32 to index
        %parallel_loop3A_490 = arith.index_cast %parallel_loop3A_414 : i32 to index
        %parallel_loop3A_491 = arith.constant 80 : index
        %parallel_loop3A_492 = tpu.vector_load %arg7[%parallel_loop3A_489, %parallel_loop3A_490, %parallel_loop3A_491] {strides = array<i32>} : memref<2x128x128xf32, #tpu.memory_space<vmem>>, vector<16xf32>,
        tpu.vector_store %arg7[%parallel_loop3A_489, %parallel_loop3A_490, %parallel_loop3A_491], %parallel_loop3A_487 {strides = array<i32>} : memref<2x128x128xf32, #tpu.memory_space<vmem>>, vector<16xf32>,
        %parallel_loop3A_493 = arith.constant 0 : i32
        %parallel_loop3A_494 = arith.index_cast %parallel_loop3A_493 : i32 to index
        %parallel_loop3A_495 = arith.index_cast %parallel_loop3A_414 : i32 to index
        %parallel_loop3A_496 = arith.constant 96 : index
        %parallel_loop3A_497 = tpu.vector_load %arg6[%parallel_loop3A_494, %parallel_loop3A_495, %parallel_loop3A_496] {strides = array<i32>} : memref<2x128x128xf32, #tpu.memory_space<vmem>>, vector<16xf32>,
        %parallel_loop3A_498 = arith.constant 8.000000e+00 : f32
        %parallel_loop3A_499 = vector.broadcast %parallel_loop3A_498 : f32 to vector<16xf32>
        %parallel_loop3A_500 = arith.mulf %parallel_loop3A_497, %parallel_loop3A_499 : vector<16xf32>
        %parallel_loop3A_501 = arith.constant 0 : i32
        %parallel_loop3A_502 = arith.index_cast %parallel_loop3A_501 : i32 to index
        %parallel_loop3A_503 = arith.index_cast %parallel_loop3A_414 : i32 to index
        %parallel_loop3A_504 = arith.constant 96 : index
        %parallel_loop3A_505 = tpu.vector_load %arg7[%parallel_loop3A_502, %parallel_loop3A_503, %parallel_loop3A_504] {strides = array<i32>} : memref<2x128x128xf32, #tpu.memory_space<vmem>>, vector<16xf32>,
        tpu.vector_store %arg7[%parallel_loop3A_502, %parallel_loop3A_503, %parallel_loop3A_504], %parallel_loop3A_500 {strides = array<i32>} : memref<2x128x128xf32, #tpu.memory_space<vmem>>, vector<16xf32>,
        %parallel_loop3A_506 = arith.constant 0 : i32
        %parallel_loop3A_507 = arith.index_cast %parallel_loop3A_506 : i32 to index
        %parallel_loop3A_508 = arith.index_cast %parallel_loop3A_414 : i32 to index
        %parallel_loop3A_509 = arith.constant 112 : index
        %parallel_loop3A_510 = tpu.vector_load %arg6[%parallel_loop3A_507, %parallel_loop3A_508, %parallel_loop3A_509] {strides = array<i32>} : memref<2x128x128xf32, #tpu.memory_space<vmem>>, vector<16xf32>,
        %parallel_loop3A_511 = arith.constant 8.000000e+00 : f32
        %parallel_loop3A_512 = vector.broadcast %parallel_loop3A_511 : f32 to vector<16xf32>
        %parallel_loop3A_513 = arith.mulf %parallel_loop3A_510, %parallel_loop3A_512 : vector<16xf32>
        %parallel_loop3A_514 = arith.constant 0 : i32
        %parallel_loop3A_515 = arith.index_cast %parallel_loop3A_514 : i32 to index
        %parallel_loop3A_516 = arith.index_cast %parallel_loop3A_414 : i32 to index
        %parallel_loop3A_517 = arith.constant 112 : index
        %parallel_loop3A_518 = tpu.vector_load %arg7[%parallel_loop3A_515, %parallel_loop3A_516, %parallel_loop3A_517] {strides = array<i32>} : memref<2x128x128xf32, #tpu.memory_space<vmem>>, vector<16xf32>,
        tpu.vector_store %arg7[%parallel_loop3A_515, %parallel_loop3A_516, %parallel_loop3A_517], %parallel_loop3A_513 {strides = array<i32>} : memref<2x128x128xf32, #tpu.memory_space<vmem>>, vector<16xf32>,
      } {sc.loop_unroll_factor = 4 : i64, sc.parallel_access}
      %dma_start3A_312 = arith.constant 0 : i32
      %dma_start3A_313 = arith.constant 0 : i32
      %dma_start3A_314 = arith.constant 0 : i32
      %dma_start3A_315 = tpu.memref_slice %arg7[%dma_start3A_312, %dma_start3A_313, %dma_start3A_314] : memref<2x128x128xf32, #tpu.memory_space<vmem>> -> memref<1x128x128xf32, #tpu.memory_space<vmem>>
      %dma_start3A_316 = tpu.memref_squeeze %dma_start3A_315 : memref<1x128x128xf32, #tpu.memory_space<vmem>> -> memref<128x128xf32, #tpu.memory_space<vmem>>
      %dma_start3A_317 = arith.constant 0 : i32
      %dma_start3A_318 = arith.constant 0 : i32
      %dma_start3A_319 = tpu.memref_slice %arg4[%add3A, %add3A_275, %dma_start3A_317, %dma_start3A_318] : memref<32x200x128x128xf32, #tpu.memory_space<hbm>> -> memref<1x1x128x128xf32, #tpu.memory_space<hbm>>
      %dma_start3A_320 = tpu.memref_squeeze %dma_start3A_319 : memref<1x1x128x128xf32, #tpu.memory_space<hbm>> -> memref<128x128xf32, #tpu.memory_space<hbm>>
      %dma_start3A_321 = arith.constant 0 : i32
      %dma_start3A_322 = arith.constant 0 : i32
      %dma_start3A_323 = tpu.memref_slice %arg4[%add3A, %add3A_275, %dma_start3A_321, %dma_start3A_322] : memref<32x200x128x128xf32, #tpu.memory_space<hbm>> -> memref<1x1x128x128xf32, #tpu.memory_space<hbm>>
      %dma_start3A_324 = tpu.memref_squeeze %dma_start3A_323 : memref<1x1x128x128xf32, #tpu.memory_space<hbm>> -> memref<128x128xf32, #tpu.memory_space<hbm>>
      %dma_start3A_325 = arith.constant 0 : i32
      %dma_start3A_326 = arith.constant 0 : i32
      %dma_start3A_327 = tpu.memref_slice %arg7[%dma_start3A_312, %dma_start3A_325, %dma_start3A_326] : memref<2x128x128xf32, #tpu.memory_space<vmem>> -> memref<1x128x128xf32, #tpu.memory_space<vmem>>
      %dma_start3A_328 = tpu.memref_squeeze %dma_start3A_327 : memref<1x128x128xf32, #tpu.memory_space<vmem>> -> memref<128x128xf32, #tpu.memory_space<vmem>>
      tpu.enqueue_dma source(%dma_start3A_328 : memref<128x128xf32, #tpu.memory_space<vmem>>) target(%dma_start3A_324 : memref<128x128xf32, #tpu.memory_space<hbm>>) target_semaphore(%arg10 : memref<!tpu.dma_semaphore, #tpu.memory_space<semaphore_mem>>)
      %add3A_329 = arith.constant 2 : i32
      %add3A_330 = arith.addi %add3A_275, %add3A_329 : i32
      %dma_start3A_331 = arith.constant 0 : i32
      %dma_start3A_332 = arith.constant 0 : i32
      %dma_start3A_333 = arith.constant 0 : i32
      %dma_start3A_334 = tpu.memref_slice %arg6[%dma_start3A_331, %dma_start3A_332, %dma_start3A_333] : memref<2x128x128xf32, #tpu.memory_space<vmem>> -> memref<1x128x128xf32, #tpu.memory_space<vmem>>
      %dma_start3A_335 = tpu.memref_squeeze %dma_start3A_334 : memref<1x128x128xf32, #tpu.memory_space<vmem>> -> memref<128x128xf32, #tpu.memory_space<vmem>>
      %dma_start3A_336 = arith.constant 0 : i32
      %dma_start3A_337 = tpu.memref_slice %arg5[%add3A_330, %dma_start3A_336] : memref<200x128xi32, #tpu.memory_space<vmem>> -> memref<1x128xi32, #tpu.memory_space<vmem>>
      %dma_start3A_338 = tpu.memref_squeeze %dma_start3A_337 : memref<1x128xi32, #tpu.memory_space<vmem>> -> memref<128xi32, #tpu.memory_space<vmem>>
      %dma_start3A_339 = arith.constant 0 : i32
      %dma_start3A_340 = arith.constant 0 : i32
      %dma_start3A_341 = tpu.memref_slice %arg3[%dma_start3A_339, %dma_start3A_340] : memref<1000000x128xf32, #tpu.memory_space<hbm>> -> memref<1000000x128xf32, #tpu.memory_space<hbm>>
      tpu.enqueue_indirect_dma source(%dma_start3A_341 : memref<1000000x128xf32, #tpu.memory_space<hbm>>) target(%dma_start3A_335 : memref<128x128xf32, #tpu.memory_space<vmem>>) offsets(%dma_start3A_338 : memref<128xi32, #tpu.memory_space<vmem>>) semaphore(%arg8 : memref<!tpu.dma_semaphore, #tpu.memory_space<semaphore_mem>>)
      %mul3A_342 = arith.constant 2 : i32
      %mul3A_343 = arith.muli %scan3A_269, %mul3A_342 : i32
      %add3A_344 = arith.constant 2 : i32
      %add3A_345 = arith.addi %add3A_344, %mul3A_343 : i32
      %add3A_346 = arith.constant 1 : i32
      %add3A_347 = arith.addi %add3A_345, %add3A_346 : i32
      %dma_wait3A_348 = arith.constant 1 : i32
      %dma_wait3A_349 = arith.constant 0 : i32
      %dma_wait3A_350 = arith.constant 0 : i32
      %dma_wait3A_351 = tpu.memref_slice %arg6[%dma_wait3A_348, %dma_wait3A_349, %dma_wait3A_350] : memref<2x128x128xf32, #tpu.memory_space<vmem>> -> memref<1x128x128xf32, #tpu.memory_space<vmem>>
      %dma_wait3A_352 = tpu.memref_squeeze %dma_wait3A_351 : memref<1x128x128xf32, #tpu.memory_space<vmem>> -> memref<128x128xf32, #tpu.memory_space<vmem>>
      %dma_wait3A_353 = arith.constant 0 : i32
      %dma_wait3A_354 = arith.constant 0 : i32
      %dma_wait3A_355 = tpu.memref_slice %arg3[%dma_wait3A_353, %dma_wait3A_354] : memref<1000000x128xf32, #tpu.memory_space<hbm>> -> memref<128x128xf32, #tpu.memory_space<hbm>>
      %dma_wait3A_356 = arith.constant 0 : i32
      %dma_wait3A_357 = arith.constant 0 : i32
      %dma_wait3A_358 = tpu.memref_slice %arg6[%dma_wait3A_348, %dma_wait3A_356, %dma_wait3A_357] : memref<2x128x128xf32, #tpu.memory_space<vmem>> -> memref<1x128x128xf32, #tpu.memory_space<vmem>>
      %dma_wait3A_359 = tpu.memref_squeeze %dma_wait3A_358 : memref<1x128x128xf32, #tpu.memory_space<vmem>> -> memref<128x128xf32, #tpu.memory_space<vmem>>
      %dma_wait3A_360 = arith.constant 0 : i32
      %dma_wait3A_361 = arith.constant 0 : i32
      %dma_wait3A_362 = tpu.memref_slice %arg3[%dma_wait3A_360, %dma_wait3A_361] : memref<1000000x128xf32, #tpu.memory_space<hbm>> -> memref<128x128xf32, #tpu.memory_space<hbm>>
      tpu.wait_dma2 semaphore(%arg9 : memref<!tpu.dma_semaphore, #tpu.memory_space<semaphore_mem>>) src(%dma_wait3A_362 : memref<128x128xf32, #tpu.memory_space<hbm>>) dst(%dma_wait3A_359 : memref<128x128xf32, #tpu.memory_space<vmem>>)
      %dma_wait3A_363 = arith.constant 1 : i32
      %dma_wait3A_364 = arith.constant 0 : i32
      %dma_wait3A_365 = arith.constant 0 : i32
      %dma_wait3A_366 = arith.constant 0 : i32
      %dma_wait3A_367 = tpu.memref_slice %arg7[%dma_wait3A_363, %dma_wait3A_365, %dma_wait3A_366] : memref<2x128x128xf32, #tpu.memory_space<vmem>> -> memref<1x128x128xf32, #tpu.memory_space<vmem>>
      %dma_wait3A_368 = tpu.memref_squeeze %dma_wait3A_367 : memref<1x128x128xf32, #tpu.memory_space<vmem>> -> memref<128x128xf32, #tpu.memory_space<vmem>>
      %dma_wait3A_369 = arith.constant 0 : i32
      %dma_wait3A_370 = arith.constant 0 : i32
      %dma_wait3A_371 = tpu.memref_slice %arg4[%add3A, %dma_wait3A_364, %dma_wait3A_369, %dma_wait3A_370] : memref<32x200x128x128xf32, #tpu.memory_space<hbm>> -> memref<1x1x128x128xf32, #tpu.memory_space<hbm>>
      %dma_wait3A_372 = tpu.memref_squeeze %dma_wait3A_371 : memref<1x1x128x128xf32, #tpu.memory_space<hbm>> -> memref<128x128xf32, #tpu.memory_space<hbm>>
      %dma_wait3A_373 = arith.constant 0 : i32
      %dma_wait3A_374 = arith.constant 0 : i32
      %dma_wait3A_375 = tpu.memref_slice %arg4[%add3A, %dma_wait3A_364, %dma_wait3A_373, %dma_wait3A_374] : memref<32x200x128x128xf32, #tpu.memory_space<hbm>> -> memref<1x1x128x128xf32, #tpu.memory_space<hbm>>
      %dma_wait3A_376 = tpu.memref_squeeze %dma_wait3A_375 : memref<1x1x128x128xf32, #tpu.memory_space<hbm>> -> memref<128x128xf32, #tpu.memory_space<hbm>>
      %dma_wait3A_377 = arith.constant 0 : i32
      %dma_wait3A_378 = arith.constant 0 : i32
      %dma_wait3A_379 = tpu.memref_slice %arg7[%dma_wait3A_363, %dma_wait3A_377, %dma_wait3A_378] : memref<2x128x128xf32, #tpu.memory_space<vmem>> -> memref<1x128x128xf32, #tpu.memory_space<vmem>>
      %dma_wait3A_380 = tpu.memref_squeeze %dma_wait3A_379 : memref<1x128x128xf32, #tpu.memory_space<vmem>> -> memref<128x128xf32, #tpu.memory_space<vmem>>
      tpu.wait_dma2 semaphore(%arg11 : memref<!tpu.dma_semaphore, #tpu.memory_space<semaphore_mem>>) src(%dma_wait3A_380 : memref<128x128xf32, #tpu.memory_space<vmem>>) dst(%dma_wait3A_376 : memref<128x128xf32, #tpu.memory_space<hbm>>)
      %parallel_loop3A_381 = arith.constant 0 : i32
      %parallel_loop3A_382 = arith.constant 128 : i32
      %parallel_loop3A_383 = arith.constant 1 : i32
      scf.for %parallel_loop3A_414 = %parallel_loop3A_381 to %parallel_loop3A_382 step %parallel_loop3A_383  : i32 {
        %parallel_loop3A_415 = arith.constant 1 : i32
        %parallel_loop3A_416 = arith.index_cast %parallel_loop3A_415 : i32 to index
        %parallel_loop3A_417 = arith.index_cast %parallel_loop3A_414 : i32 to index
        %parallel_loop3A_418 = arith.constant 0 : index
        %parallel_loop3A_419 = tpu.vector_load %arg6[%parallel_loop3A_416, %parallel_loop3A_417, %parallel_loop3A_418] {strides = array<i32>} : memref<2x128x128xf32, #tpu.memory_space<vmem>>, vector<16xf32>,
        %parallel_loop3A_420 = arith.constant 8.000000e+00 : f32
        %parallel_loop3A_421 = vector.broadcast %parallel_loop3A_420 : f32 to vector<16xf32>
        %parallel_loop3A_422 = arith.mulf %parallel_loop3A_419, %parallel_loop3A_421 : vector<16xf32>
        %parallel_loop3A_423 = arith.constant 1 : i32
        %parallel_loop3A_424 = arith.index_cast %parallel_loop3A_423 : i32 to index
        %parallel_loop3A_425 = arith.index_cast %parallel_loop3A_414 : i32 to index
        %parallel_loop3A_426 = arith.constant 0 : index
        %parallel_loop3A_427 = tpu.vector_load %arg7[%parallel_loop3A_424, %parallel_loop3A_425, %parallel_loop3A_426] {strides = array<i32>} : memref<2x128x128xf32, #tpu.memory_space<vmem>>, vector<16xf32>,
        tpu.vector_store %arg7[%parallel_loop3A_424, %parallel_loop3A_425, %parallel_loop3A_426], %parallel_loop3A_422 {strides = array<i32>} : memref<2x128x128xf32, #tpu.memory_space<vmem>>, vector<16xf32>,
        %parallel_loop3A_428 = arith.constant 1 : i32
        %parallel_loop3A_429 = arith.index_cast %parallel_loop3A_428 : i32 to index
        %parallel_loop3A_430 = arith.index_cast %parallel_loop3A_414 : i32 to index
        %parallel_loop3A_431 = arith.constant 16 : index
        %parallel_loop3A_432 = tpu.vector_load %arg6[%parallel_loop3A_429, %parallel_loop3A_430, %parallel_loop3A_431] {strides = array<i32>} : memref<2x128x128xf32, #tpu.memory_space<vmem>>, vector<16xf32>,
        %parallel_loop3A_433 = arith.constant 8.000000e+00 : f32
        %parallel_loop3A_434 = vector.broadcast %parallel_loop3A_433 : f32 to vector<16xf32>
        %parallel_loop3A_435 = arith.mulf %parallel_loop3A_432, %parallel_loop3A_434 : vector<16xf32>
        %parallel_loop3A_436 = arith.constant 1 : i32
        %parallel_loop3A_437 = arith.index_cast %parallel_loop3A_436 : i32 to index
        %parallel_loop3A_438 = arith.index_cast %parallel_loop3A_414 : i32 to index
        %parallel_loop3A_439 = arith.constant 16 : index
        %parallel_loop3A_440 = tpu.vector_load %arg7[%parallel_loop3A_437, %parallel_loop3A_438, %parallel_loop3A_439] {strides = array<i32>} : memref<2x128x128xf32, #tpu.memory_space<vmem>>, vector<16xf32>,
        tpu.vector_store %arg7[%parallel_loop3A_437, %parallel_loop3A_438, %parallel_loop3A_439], %parallel_loop3A_435 {strides = array<i32>} : memref<2x128x128xf32, #tpu.memory_space<vmem>>, vector<16xf32>,
        %parallel_loop3A_441 = arith.constant 1 : i32
        %parallel_loop3A_442 = arith.index_cast %parallel_loop3A_441 : i32 to index
        %parallel_loop3A_443 = arith.index_cast %parallel_loop3A_414 : i32 to index
        %parallel_loop3A_444 = arith.constant 32 : index
        %parallel_loop3A_445 = tpu.vector_load %arg6[%parallel_loop3A_442, %parallel_loop3A_443, %parallel_loop3A_444] {strides = array<i32>} : memref<2x128x128xf32, #tpu.memory_space<vmem>>, vector<16xf32>,
        %parallel_loop3A_446 = arith.constant 8.000000e+00 : f32
        %parallel_loop3A_447 = vector.broadcast %parallel_loop3A_446 : f32 to vector<16xf32>
        %parallel_loop3A_448 = arith.mulf %parallel_loop3A_445, %parallel_loop3A_447 : vector<16xf32>
        %parallel_loop3A_449 = arith.constant 1 : i32
        %parallel_loop3A_450 = arith.index_cast %parallel_loop3A_449 : i32 to index
        %parallel_loop3A_451 = arith.index_cast %parallel_loop3A_414 : i32 to index
        %parallel_loop3A_452 = arith.constant 32 : index
        %parallel_loop3A_453 = tpu.vector_load %arg7[%parallel_loop3A_450, %parallel_loop3A_451, %parallel_loop3A_452] {strides = array<i32>} : memref<2x128x128xf32, #tpu.memory_space<vmem>>, vector<16xf32>,
        tpu.vector_store %arg7[%parallel_loop3A_450, %parallel_loop3A_451, %parallel_loop3A_452], %parallel_loop3A_448 {strides = array<i32>} : memref<2x128x128xf32, #tpu.memory_space<vmem>>, vector<16xf32>,
        %parallel_loop3A_454 = arith.constant 1 : i32
        %parallel_loop3A_455 = arith.index_cast %parallel_loop3A_454 : i32 to index
        %parallel_loop3A_456 = arith.index_cast %parallel_loop3A_414 : i32 to index
        %parallel_loop3A_457 = arith.constant 48 : index
        %parallel_loop3A_458 = tpu.vector_load %arg6[%parallel_loop3A_455, %parallel_loop3A_456, %parallel_loop3A_457] {strides = array<i32>} : memref<2x128x128xf32, #tpu.memory_space<vmem>>, vector<16xf32>,
        %parallel_loop3A_459 = arith.constant 8.000000e+00 : f32
        %parallel_loop3A_460 = vector.broadcast %parallel_loop3A_459 : f32 to vector<16xf32>
        %parallel_loop3A_461 = arith.mulf %parallel_loop3A_458, %parallel_loop3A_460 : vector<16xf32>
        %parallel_loop3A_462 = arith.constant 1 : i32
        %parallel_loop3A_463 = arith.index_cast %parallel_loop3A_462 : i32 to index
        %parallel_loop3A_464 = arith.index_cast %parallel_loop3A_414 : i32 to index
        %parallel_loop3A_465 = arith.constant 48 : index
        %parallel_loop3A_466 = tpu.vector_load %arg7[%parallel_loop3A_463, %parallel_loop3A_464, %parallel_loop3A_465] {strides = array<i32>} : memref<2x128x128xf32, #tpu.memory_space<vmem>>, vector<16xf32>,
        tpu.vector_store %arg7[%parallel_loop3A_463, %parallel_loop3A_464, %parallel_loop3A_465], %parallel_loop3A_461 {strides = array<i32>} : memref<2x128x128xf32, #tpu.memory_space<vmem>>, vector<16xf32>,
        %parallel_loop3A_467 = arith.constant 1 : i32
        %parallel_loop3A_468 = arith.index_cast %parallel_loop3A_467 : i32 to index
        %parallel_loop3A_469 = arith.index_cast %parallel_loop3A_414 : i32 to index
        %parallel_loop3A_470 = arith.constant 64 : index
        %parallel_loop3A_471 = tpu.vector_load %arg6[%parallel_loop3A_468, %parallel_loop3A_469, %parallel_loop3A_470] {strides = array<i32>} : memref<2x128x128xf32, #tpu.memory_space<vmem>>, vector<16xf32>,
        %parallel_loop3A_472 = arith.constant 8.000000e+00 : f32
        %parallel_loop3A_473 = vector.broadcast %parallel_loop3A_472 : f32 to vector<16xf32>
        %parallel_loop3A_474 = arith.mulf %parallel_loop3A_471, %parallel_loop3A_473 : vector<16xf32>
        %parallel_loop3A_475 = arith.constant 1 : i32
        %parallel_loop3A_476 = arith.index_cast %parallel_loop3A_475 : i32 to index
        %parallel_loop3A_477 = arith.index_cast %parallel_loop3A_414 : i32 to index
        %parallel_loop3A_478 = arith.constant 64 : index
        %parallel_loop3A_479 = tpu.vector_load %arg7[%parallel_loop3A_476, %parallel_loop3A_477, %parallel_loop3A_478] {strides = array<i32>} : memref<2x128x128xf32, #tpu.memory_space<vmem>>, vector<16xf32>,
        tpu.vector_store %arg7[%parallel_loop3A_476, %parallel_loop3A_477, %parallel_loop3A_478], %parallel_loop3A_474 {strides = array<i32>} : memref<2x128x128xf32, #tpu.memory_space<vmem>>, vector<16xf32>,
        %parallel_loop3A_480 = arith.constant 1 : i32
        %parallel_loop3A_481 = arith.index_cast %parallel_loop3A_480 : i32 to index
        %parallel_loop3A_482 = arith.index_cast %parallel_loop3A_414 : i32 to index
        %parallel_loop3A_483 = arith.constant 80 : index
        %parallel_loop3A_484 = tpu.vector_load %arg6[%parallel_loop3A_481, %parallel_loop3A_482, %parallel_loop3A_483] {strides = array<i32>} : memref<2x128x128xf32, #tpu.memory_space<vmem>>, vector<16xf32>,
        %parallel_loop3A_485 = arith.constant 8.000000e+00 : f32
        %parallel_loop3A_486 = vector.broadcast %parallel_loop3A_485 : f32 to vector<16xf32>
        %parallel_loop3A_487 = arith.mulf %parallel_loop3A_484, %parallel_loop3A_486 : vector<16xf32>
        %parallel_loop3A_488 = arith.constant 1 : i32
        %parallel_loop3A_489 = arith.index_cast %parallel_loop3A_488 : i32 to index
        %parallel_loop3A_490 = arith.index_cast %parallel_loop3A_414 : i32 to index
        %parallel_loop3A_491 = arith.constant 80 : index
        %parallel_loop3A_492 = tpu.vector_load %arg7[%parallel_loop3A_489, %parallel_loop3A_490, %parallel_loop3A_491] {strides = array<i32>} : memref<2x128x128xf32, #tpu.memory_space<vmem>>, vector<16xf32>,
        tpu.vector_store %arg7[%parallel_loop3A_489, %parallel_loop3A_490, %parallel_loop3A_491], %parallel_loop3A_487 {strides = array<i32>} : memref<2x128x128xf32, #tpu.memory_space<vmem>>, vector<16xf32>,
        %parallel_loop3A_493 = arith.constant 1 : i32
        %parallel_loop3A_494 = arith.index_cast %parallel_loop3A_493 : i32 to index
        %parallel_loop3A_495 = arith.index_cast %parallel_loop3A_414 : i32 to index
        %parallel_loop3A_496 = arith.constant 96 : index
        %parallel_loop3A_497 = tpu.vector_load %arg6[%parallel_loop3A_494, %parallel_loop3A_495, %parallel_loop3A_496] {strides = array<i32>} : memref<2x128x128xf32, #tpu.memory_space<vmem>>, vector<16xf32>,
        %parallel_loop3A_498 = arith.constant 8.000000e+00 : f32
        %parallel_loop3A_499 = vector.broadcast %parallel_loop3A_498 : f32 to vector<16xf32>
        %parallel_loop3A_500 = arith.mulf %parallel_loop3A_497, %parallel_loop3A_499 : vector<16xf32>
        %parallel_loop3A_501 = arith.constant 1 : i32
        %parallel_loop3A_502 = arith.index_cast %parallel_loop3A_501 : i32 to index
        %parallel_loop3A_503 = arith.index_cast %parallel_loop3A_414 : i32 to index
        %parallel_loop3A_504 = arith.constant 96 : index
        %parallel_loop3A_505 = tpu.vector_load %arg7[%parallel_loop3A_502, %parallel_loop3A_503, %parallel_loop3A_504] {strides = array<i32>} : memref<2x128x128xf32, #tpu.memory_space<vmem>>, vector<16xf32>,
        tpu.vector_store %arg7[%parallel_loop3A_502, %parallel_loop3A_503, %parallel_loop3A_504], %parallel_loop3A_500 {strides = array<i32>} : memref<2x128x128xf32, #tpu.memory_space<vmem>>, vector<16xf32>,
        %parallel_loop3A_506 = arith.constant 1 : i32
        %parallel_loop3A_507 = arith.index_cast %parallel_loop3A_506 : i32 to index
        %parallel_loop3A_508 = arith.index_cast %parallel_loop3A_414 : i32 to index
        %parallel_loop3A_509 = arith.constant 112 : index
        %parallel_loop3A_510 = tpu.vector_load %arg6[%parallel_loop3A_507, %parallel_loop3A_508, %parallel_loop3A_509] {strides = array<i32>} : memref<2x128x128xf32, #tpu.memory_space<vmem>>, vector<16xf32>,
        %parallel_loop3A_511 = arith.constant 8.000000e+00 : f32
        %parallel_loop3A_512 = vector.broadcast %parallel_loop3A_511 : f32 to vector<16xf32>
        %parallel_loop3A_513 = arith.mulf %parallel_loop3A_510, %parallel_loop3A_512 : vector<16xf32>
        %parallel_loop3A_514 = arith.constant 1 : i32
        %parallel_loop3A_515 = arith.index_cast %parallel_loop3A_514 : i32 to index
        %parallel_loop3A_516 = arith.index_cast %parallel_loop3A_414 : i32 to index
        %parallel_loop3A_517 = arith.constant 112 : index
        %parallel_loop3A_518 = tpu.vector_load %arg7[%parallel_loop3A_515, %parallel_loop3A_516, %parallel_loop3A_517] {strides = array<i32>} : memref<2x128x128xf32, #tpu.memory_space<vmem>>, vector<16xf32>,
        tpu.vector_store %arg7[%parallel_loop3A_515, %parallel_loop3A_516, %parallel_loop3A_517], %parallel_loop3A_513 {strides = array<i32>} : memref<2x128x128xf32, #tpu.memory_space<vmem>>, vector<16xf32>,
      } {sc.loop_unroll_factor = 4 : i64, sc.parallel_access}
      %dma_start3A_384 = arith.constant 1 : i32
      %dma_start3A_385 = arith.constant 0 : i32
      %dma_start3A_386 = arith.constant 0 : i32
      %dma_start3A_387 = tpu.memref_slice %arg7[%dma_start3A_384, %dma_start3A_385, %dma_start3A_386] : memref<2x128x128xf32, #tpu.memory_space<vmem>> -> memref<1x128x128xf32, #tpu.memory_space<vmem>>
      %dma_start3A_388 = tpu.memref_squeeze %dma_start3A_387 : memref<1x128x128xf32, #tpu.memory_space<vmem>> -> memref<128x128xf32, #tpu.memory_space<vmem>>
      %dma_start3A_389 = arith.constant 0 : i32
      %dma_start3A_390 = arith.constant 0 : i32
      %dma_start3A_391 = tpu.memref_slice %arg4[%add3A, %add3A_347, %dma_start3A_389, %dma_start3A_390] : memref<32x200x128x128xf32, #tpu.memory_space<hbm>> -> memref<1x1x128x128xf32, #tpu.memory_space<hbm>>
      %dma_start3A_392 = tpu.memref_squeeze %dma_start3A_391 : memref<1x1x128x128xf32, #tpu.memory_space<hbm>> -> memref<128x128xf32, #tpu.memory_space<hbm>>
      %dma_start3A_393 = arith.constant 0 : i32
      %dma_start3A_394 = arith.constant 0 : i32
      %dma_start3A_395 = tpu.memref_slice %arg4[%add3A, %add3A_347, %dma_start3A_393, %dma_start3A_394] : memref<32x200x128x128xf32, #tpu.memory_space<hbm>> -> memref<1x1x128x128xf32, #tpu.memory_space<hbm>>
      %dma_start3A_396 = tpu.memref_squeeze %dma_start3A_395 : memref<1x1x128x128xf32, #tpu.memory_space<hbm>> -> memref<128x128xf32, #tpu.memory_space<hbm>>
      %dma_start3A_397 = arith.constant 0 : i32
      %dma_start3A_398 = arith.constant 0 : i32
      %dma_start3A_399 = tpu.memref_slice %arg7[%dma_start3A_384, %dma_start3A_397, %dma_start3A_398] : memref<2x128x128xf32, #tpu.memory_space<vmem>> -> memref<1x128x128xf32, #tpu.memory_space<vmem>>
      %dma_start3A_400 = tpu.memref_squeeze %dma_start3A_399 : memref<1x128x128xf32, #tpu.memory_space<vmem>> -> memref<128x128xf32, #tpu.memory_space<vmem>>
      tpu.enqueue_dma source(%dma_start3A_400 : memref<128x128xf32, #tpu.memory_space<vmem>>) target(%dma_start3A_396 : memref<128x128xf32, #tpu.memory_space<hbm>>) target_semaphore(%arg11 : memref<!tpu.dma_semaphore, #tpu.memory_space<semaphore_mem>>)
      %add3A_401 = arith.constant 2 : i32
      %add3A_402 = arith.addi %add3A_347, %add3A_401 : i32
      %dma_start3A_403 = arith.constant 1 : i32
      %dma_start3A_404 = arith.constant 0 : i32
      %dma_start3A_405 = arith.constant 0 : i32
      %dma_start3A_406 = tpu.memref_slice %arg6[%dma_start3A_403, %dma_start3A_404, %dma_start3A_405] : memref<2x128x128xf32, #tpu.memory_space<vmem>> -> memref<1x128x128xf32, #tpu.memory_space<vmem>>
      %dma_start3A_407 = tpu.memref_squeeze %dma_start3A_406 : memref<1x128x128xf32, #tpu.memory_space<vmem>> -> memref<128x128xf32, #tpu.memory_space<vmem>>
      %dma_start3A_408 = arith.constant 0 : i32
      %dma_start3A_409 = tpu.memref_slice %arg5[%add3A_402, %dma_start3A_408] : memref<200x128xi32, #tpu.memory_space<vmem>> -> memref<1x128xi32, #tpu.memory_space<vmem>>
      %dma_start3A_410 = tpu.memref_squeeze %dma_start3A_409 : memref<1x128xi32, #tpu.memory_space<vmem>> -> memref<128xi32, #tpu.memory_space<vmem>>
      %dma_start3A_411 = arith.constant 0 : i32
      %dma_start3A_412 = arith.constant 0 : i32
      %dma_start3A_413 = tpu.memref_slice %arg3[%dma_start3A_411, %dma_start3A_412] : memref<1000000x128xf32, #tpu.memory_space<hbm>> -> memref<1000000x128xf32, #tpu.memory_space<hbm>>
      tpu.enqueue_indirect_dma source(%dma_start3A_413 : memref<1000000x128xf32, #tpu.memory_space<hbm>>) target(%dma_start3A_407 : memref<128x128xf32, #tpu.memory_space<vmem>>) offsets(%dma_start3A_410 : memref<128xi32, #tpu.memory_space<vmem>>) semaphore(%arg9 : memref<!tpu.dma_semaphore, #tpu.memory_space<semaphore_mem>>)
    }
    %scan3A_124 = arith.constant 98 : i32
    %dma_wait3A_125 = arith.constant 0 : i32
    %dma_wait3A_126 = arith.constant 0 : i32
    %dma_wait3A_127 = arith.constant 0 : i32
    %dma_wait3A_128 = tpu.memref_slice %arg6[%dma_wait3A_125, %dma_wait3A_126, %dma_wait3A_127] : memref<2x128x128xf32, #tpu.memory_space<vmem>> -> memref<1x128x128xf32, #tpu.memory_space<vmem>>
    %dma_wait3A_129 = tpu.memref_squeeze %dma_wait3A_128 : memref<1x128x128xf32, #tpu.memory_space<vmem>> -> memref<128x128xf32, #tpu.memory_space<vmem>>
    %dma_wait3A_130 = arith.constant 0 : i32
    %dma_wait3A_131 = arith.constant 0 : i32
    %dma_wait3A_132 = tpu.memref_slice %arg3[%dma_wait3A_130, %dma_wait3A_131] : memref<1000000x128xf32, #tpu.memory_space<hbm>> -> memref<128x128xf32, #tpu.memory_space<hbm>>
    %dma_wait3A_133 = arith.constant 0 : i32
    %dma_wait3A_134 = arith.constant 0 : i32
    %dma_wait3A_135 = tpu.memref_slice %arg6[%dma_wait3A_125, %dma_wait3A_133, %dma_wait3A_134] : memref<2x128x128xf32, #tpu.memory_space<vmem>> -> memref<1x128x128xf32, #tpu.memory_space<vmem>>
    %dma_wait3A_136 = tpu.memref_squeeze %dma_wait3A_135 : memref<1x128x128xf32, #tpu.memory_space<vmem>> -> memref<128x128xf32, #tpu.memory_space<vmem>>
    %dma_wait3A_137 = arith.constant 0 : i32
    %dma_wait3A_138 = arith.constant 0 : i32
    %dma_wait3A_139 = tpu.memref_slice %arg3[%dma_wait3A_137, %dma_wait3A_138] : memref<1000000x128xf32, #tpu.memory_space<hbm>> -> memref<128x128xf32, #tpu.memory_space<hbm>>
    tpu.wait_dma2 semaphore(%arg8 : memref<!tpu.dma_semaphore, #tpu.memory_space<semaphore_mem>>) src(%dma_wait3A_139 : memref<128x128xf32, #tpu.memory_space<hbm>>) dst(%dma_wait3A_136 : memref<128x128xf32, #tpu.memory_space<vmem>>)
    %dma_wait3A_140 = arith.constant 0 : i32
    %dma_wait3A_141 = arith.constant 0 : i32
    %dma_wait3A_142 = arith.constant 0 : i32
    %dma_wait3A_143 = arith.constant 0 : i32
    %dma_wait3A_144 = tpu.memref_slice %arg7[%dma_wait3A_140, %dma_wait3A_142, %dma_wait3A_143] : memref<2x128x128xf32, #tpu.memory_space<vmem>> -> memref<1x128x128xf32, #tpu.memory_space<vmem>>
    %dma_wait3A_145 = tpu.memref_squeeze %dma_wait3A_144 : memref<1x128x128xf32, #tpu.memory_space<vmem>> -> memref<128x128xf32, #tpu.memory_space<vmem>>
    %dma_wait3A_146 = arith.constant 0 : i32
    %dma_wait3A_147 = arith.constant 0 : i32
    %dma_wait3A_148 = tpu.memref_slice %arg4[%add3A, %dma_wait3A_141, %dma_wait3A_146, %dma_wait3A_147] : memref<32x200x128x128xf32, #tpu.memory_space<hbm>> -> memref<1x1x128x128xf32, #tpu.memory_space<hbm>>
    %dma_wait3A_149 = tpu.memref_squeeze %dma_wait3A_148 : memref<1x1x128x128xf32, #tpu.memory_space<hbm>> -> memref<128x128xf32, #tpu.memory_space<hbm>>
    %dma_wait3A_150 = arith.constant 0 : i32
    %dma_wait3A_151 = arith.constant 0 : i32
    %dma_wait3A_152 = tpu.memref_slice %arg4[%add3A, %dma_wait3A_141, %dma_wait3A_150, %dma_wait3A_151] : memref<32x200x128x128xf32, #tpu.memory_space<hbm>> -> memref<1x1x128x128xf32, #tpu.memory_space<hbm>>
    %dma_wait3A_153 = tpu.memref_squeeze %dma_wait3A_152 : memref<1x1x128x128xf32, #tpu.memory_space<hbm>> -> memref<128x128xf32, #tpu.memory_space<hbm>>
    %dma_wait3A_154 = arith.constant 0 : i32
    %dma_wait3A_155 = arith.constant 0 : i32
    %dma_wait3A_156 = tpu.memref_slice %arg7[%dma_wait3A_140, %dma_wait3A_154, %dma_wait3A_155] : memref<2x128x128xf32, #tpu.memory_space<vmem>> -> memref<1x128x128xf32, #tpu.memory_space<vmem>>
    %dma_wait3A_157 = tpu.memref_squeeze %dma_wait3A_156 : memref<1x128x128xf32, #tpu.memory_space<vmem>> -> memref<128x128xf32, #tpu.memory_space<vmem>>
    tpu.wait_dma2 semaphore(%arg10 : memref<!tpu.dma_semaphore, #tpu.memory_space<semaphore_mem>>) src(%dma_wait3A_157 : memref<128x128xf32, #tpu.memory_space<vmem>>) dst(%dma_wait3A_153 : memref<128x128xf32, #tpu.memory_space<hbm>>)
    %parallel_loop3A_158 = arith.constant 0 : i32
    %parallel_loop3A_159 = arith.constant 128 : i32
    %parallel_loop3A_160 = arith.constant 1 : i32
    scf.for %parallel_loop3A_269 = %parallel_loop3A_158 to %parallel_loop3A_159 step %parallel_loop3A_160  : i32 {
      %parallel_loop3A_270 = arith.constant 0 : i32
      %parallel_loop3A_271 = arith.index_cast %parallel_loop3A_270 : i32 to index
      %parallel_loop3A_272 = arith.index_cast %parallel_loop3A_269 : i32 to index
      %parallel_loop3A_273 = arith.constant 0 : index
      %parallel_loop3A_274 = tpu.vector_load %arg6[%parallel_loop3A_271, %parallel_loop3A_272, %parallel_loop3A_273] {strides = array<i32>} : memref<2x128x128xf32, #tpu.memory_space<vmem>>, vector<16xf32>,
      %parallel_loop3A_275 = arith.constant 8.000000e+00 : f32
      %parallel_loop3A_276 = vector.broadcast %parallel_loop3A_275 : f32 to vector<16xf32>
      %parallel_loop3A_277 = arith.mulf %parallel_loop3A_274, %parallel_loop3A_276 : vector<16xf32>
      %parallel_loop3A_278 = arith.constant 0 : i32
      %parallel_loop3A_279 = arith.index_cast %parallel_loop3A_278 : i32 to index
      %parallel_loop3A_280 = arith.index_cast %parallel_loop3A_269 : i32 to index
      %parallel_loop3A_281 = arith.constant 0 : index
      %parallel_loop3A_282 = tpu.vector_load %arg7[%parallel_loop3A_279, %parallel_loop3A_280, %parallel_loop3A_281] {strides = array<i32>} : memref<2x128x128xf32, #tpu.memory_space<vmem>>, vector<16xf32>,
      tpu.vector_store %arg7[%parallel_loop3A_279, %parallel_loop3A_280, %parallel_loop3A_281], %parallel_loop3A_277 {strides = array<i32>} : memref<2x128x128xf32, #tpu.memory_space<vmem>>, vector<16xf32>,
      %parallel_loop3A_283 = arith.constant 0 : i32
      %parallel_loop3A_284 = arith.index_cast %parallel_loop3A_283 : i32 to index
      %parallel_loop3A_285 = arith.index_cast %parallel_loop3A_269 : i32 to index
      %parallel_loop3A_286 = arith.constant 16 : index
      %parallel_loop3A_287 = tpu.vector_load %arg6[%parallel_loop3A_284, %parallel_loop3A_285, %parallel_loop3A_286] {strides = array<i32>} : memref<2x128x128xf32, #tpu.memory_space<vmem>>, vector<16xf32>,
      %parallel_loop3A_288 = arith.constant 8.000000e+00 : f32
      %parallel_loop3A_289 = vector.broadcast %parallel_loop3A_288 : f32 to vector<16xf32>
      %parallel_loop3A_290 = arith.mulf %parallel_loop3A_287, %parallel_loop3A_289 : vector<16xf32>
      %parallel_loop3A_291 = arith.constant 0 : i32
      %parallel_loop3A_292 = arith.index_cast %parallel_loop3A_291 : i32 to index
      %parallel_loop3A_293 = arith.index_cast %parallel_loop3A_269 : i32 to index
      %parallel_loop3A_294 = arith.constant 16 : index
      %parallel_loop3A_295 = tpu.vector_load %arg7[%parallel_loop3A_292, %parallel_loop3A_293, %parallel_loop3A_294] {strides = array<i32>} : memref<2x128x128xf32, #tpu.memory_space<vmem>>, vector<16xf32>,
      tpu.vector_store %arg7[%parallel_loop3A_292, %parallel_loop3A_293, %parallel_loop3A_294], %parallel_loop3A_290 {strides = array<i32>} : memref<2x128x128xf32, #tpu.memory_space<vmem>>, vector<16xf32>,
      %parallel_loop3A_296 = arith.constant 0 : i32
      %parallel_loop3A_297 = arith.index_cast %parallel_loop3A_296 : i32 to index
      %parallel_loop3A_298 = arith.index_cast %parallel_loop3A_269 : i32 to index
      %parallel_loop3A_299 = arith.constant 32 : index
      %parallel_loop3A_300 = tpu.vector_load %arg6[%parallel_loop3A_297, %parallel_loop3A_298, %parallel_loop3A_299] {strides = array<i32>} : memref<2x128x128xf32, #tpu.memory_space<vmem>>, vector<16xf32>,
      %parallel_loop3A_301 = arith.constant 8.000000e+00 : f32
      %parallel_loop3A_302 = vector.broadcast %parallel_loop3A_301 : f32 to vector<16xf32>
      %parallel_loop3A_303 = arith.mulf %parallel_loop3A_300, %parallel_loop3A_302 : vector<16xf32>
      %parallel_loop3A_304 = arith.constant 0 : i32
      %parallel_loop3A_305 = arith.index_cast %parallel_loop3A_304 : i32 to index
      %parallel_loop3A_306 = arith.index_cast %parallel_loop3A_269 : i32 to index
      %parallel_loop3A_307 = arith.constant 32 : index
      %parallel_loop3A_308 = tpu.vector_load %arg7[%parallel_loop3A_305, %parallel_loop3A_306, %parallel_loop3A_307] {strides = array<i32>} : memref<2x128x128xf32, #tpu.memory_space<vmem>>, vector<16xf32>,
      tpu.vector_store %arg7[%parallel_loop3A_305, %parallel_loop3A_306, %parallel_loop3A_307], %parallel_loop3A_303 {strides = array<i32>} : memref<2x128x128xf32, #tpu.memory_space<vmem>>, vector<16xf32>,
      %parallel_loop3A_309 = arith.constant 0 : i32
      %parallel_loop3A_310 = arith.index_cast %parallel_loop3A_309 : i32 to index
      %parallel_loop3A_311 = arith.index_cast %parallel_loop3A_269 : i32 to index
      %parallel_loop3A_312 = arith.constant 48 : index
      %parallel_loop3A_313 = tpu.vector_load %arg6[%parallel_loop3A_310, %parallel_loop3A_311, %parallel_loop3A_312] {strides = array<i32>} : memref<2x128x128xf32, #tpu.memory_space<vmem>>, vector<16xf32>,
      %parallel_loop3A_314 = arith.constant 8.000000e+00 : f32
      %parallel_loop3A_315 = vector.broadcast %parallel_loop3A_314 : f32 to vector<16xf32>
      %parallel_loop3A_316 = arith.mulf %parallel_loop3A_313, %parallel_loop3A_315 : vector<16xf32>
      %parallel_loop3A_317 = arith.constant 0 : i32
      %parallel_loop3A_318 = arith.index_cast %parallel_loop3A_317 : i32 to index
      %parallel_loop3A_319 = arith.index_cast %parallel_loop3A_269 : i32 to index
      %parallel_loop3A_320 = arith.constant 48 : index
      %parallel_loop3A_321 = tpu.vector_load %arg7[%parallel_loop3A_318, %parallel_loop3A_319, %parallel_loop3A_320] {strides = array<i32>} : memref<2x128x128xf32, #tpu.memory_space<vmem>>, vector<16xf32>,
      tpu.vector_store %arg7[%parallel_loop3A_318, %parallel_loop3A_319, %parallel_loop3A_320], %parallel_loop3A_316 {strides = array<i32>} : memref<2x128x128xf32, #tpu.memory_space<vmem>>, vector<16xf32>,
      %parallel_loop3A_322 = arith.constant 0 : i32
      %parallel_loop3A_323 = arith.index_cast %parallel_loop3A_322 : i32 to index
      %parallel_loop3A_324 = arith.index_cast %parallel_loop3A_269 : i32 to index
      %parallel_loop3A_325 = arith.constant 64 : index
      %parallel_loop3A_326 = tpu.vector_load %arg6[%parallel_loop3A_323, %parallel_loop3A_324, %parallel_loop3A_325] {strides = array<i32>} : memref<2x128x128xf32, #tpu.memory_space<vmem>>, vector<16xf32>,
      %parallel_loop3A_327 = arith.constant 8.000000e+00 : f32
      %parallel_loop3A_328 = vector.broadcast %parallel_loop3A_327 : f32 to vector<16xf32>
      %parallel_loop3A_329 = arith.mulf %parallel_loop3A_326, %parallel_loop3A_328 : vector<16xf32>
      %parallel_loop3A_330 = arith.constant 0 : i32
      %parallel_loop3A_331 = arith.index_cast %parallel_loop3A_330 : i32 to index
      %parallel_loop3A_332 = arith.index_cast %parallel_loop3A_269 : i32 to index
      %parallel_loop3A_333 = arith.constant 64 : index
      %parallel_loop3A_334 = tpu.vector_load %arg7[%parallel_loop3A_331, %parallel_loop3A_332, %parallel_loop3A_333] {strides = array<i32>} : memref<2x128x128xf32, #tpu.memory_space<vmem>>, vector<16xf32>,
      tpu.vector_store %arg7[%parallel_loop3A_331, %parallel_loop3A_332, %parallel_loop3A_333], %parallel_loop3A_329 {strides = array<i32>} : memref<2x128x128xf32, #tpu.memory_space<vmem>>, vector<16xf32>,
      %parallel_loop3A_335 = arith.constant 0 : i32
      %parallel_loop3A_336 = arith.index_cast %parallel_loop3A_335 : i32 to index
      %parallel_loop3A_337 = arith.index_cast %parallel_loop3A_269 : i32 to index
      %parallel_loop3A_338 = arith.constant 80 : index
      %parallel_loop3A_339 = tpu.vector_load %arg6[%parallel_loop3A_336, %parallel_loop3A_337, %parallel_loop3A_338] {strides = array<i32>} : memref<2x128x128xf32, #tpu.memory_space<vmem>>, vector<16xf32>,
      %parallel_loop3A_340 = arith.constant 8.000000e+00 : f32
      %parallel_loop3A_341 = vector.broadcast %parallel_loop3A_340 : f32 to vector<16xf32>
      %parallel_loop3A_342 = arith.mulf %parallel_loop3A_339, %parallel_loop3A_341 : vector<16xf32>
      %parallel_loop3A_343 = arith.constant 0 : i32
      %parallel_loop3A_344 = arith.index_cast %parallel_loop3A_343 : i32 to index
      %parallel_loop3A_345 = arith.index_cast %parallel_loop3A_269 : i32 to index
      %parallel_loop3A_346 = arith.constant 80 : index
      %parallel_loop3A_347 = tpu.vector_load %arg7[%parallel_loop3A_344, %parallel_loop3A_345, %parallel_loop3A_346] {strides = array<i32>} : memref<2x128x128xf32, #tpu.memory_space<vmem>>, vector<16xf32>,
      tpu.vector_store %arg7[%parallel_loop3A_344, %parallel_loop3A_345, %parallel_loop3A_346], %parallel_loop3A_342 {strides = array<i32>} : memref<2x128x128xf32, #tpu.memory_space<vmem>>, vector<16xf32>,
      %parallel_loop3A_348 = arith.constant 0 : i32
      %parallel_loop3A_349 = arith.index_cast %parallel_loop3A_348 : i32 to index
      %parallel_loop3A_350 = arith.index_cast %parallel_loop3A_269 : i32 to index
      %parallel_loop3A_351 = arith.constant 96 : index
      %parallel_loop3A_352 = tpu.vector_load %arg6[%parallel_loop3A_349, %parallel_loop3A_350, %parallel_loop3A_351] {strides = array<i32>} : memref<2x128x128xf32, #tpu.memory_space<vmem>>, vector<16xf32>,
      %parallel_loop3A_353 = arith.constant 8.000000e+00 : f32
      %parallel_loop3A_354 = vector.broadcast %parallel_loop3A_353 : f32 to vector<16xf32>
      %parallel_loop3A_355 = arith.mulf %parallel_loop3A_352, %parallel_loop3A_354 : vector<16xf32>
      %parallel_loop3A_356 = arith.constant 0 : i32
      %parallel_loop3A_357 = arith.index_cast %parallel_loop3A_356 : i32 to index
      %parallel_loop3A_358 = arith.index_cast %parallel_loop3A_269 : i32 to index
      %parallel_loop3A_359 = arith.constant 96 : index
      %parallel_loop3A_360 = tpu.vector_load %arg7[%parallel_loop3A_357, %parallel_loop3A_358, %parallel_loop3A_359] {strides = array<i32>} : memref<2x128x128xf32, #tpu.memory_space<vmem>>, vector<16xf32>,
      tpu.vector_store %arg7[%parallel_loop3A_357, %parallel_loop3A_358, %parallel_loop3A_359], %parallel_loop3A_355 {strides = array<i32>} : memref<2x128x128xf32, #tpu.memory_space<vmem>>, vector<16xf32>,
      %parallel_loop3A_361 = arith.constant 0 : i32
      %parallel_loop3A_362 = arith.index_cast %parallel_loop3A_361 : i32 to index
      %parallel_loop3A_363 = arith.index_cast %parallel_loop3A_269 : i32 to index
      %parallel_loop3A_364 = arith.constant 112 : index
      %parallel_loop3A_365 = tpu.vector_load %arg6[%parallel_loop3A_362, %parallel_loop3A_363, %parallel_loop3A_364] {strides = array<i32>} : memref<2x128x128xf32, #tpu.memory_space<vmem>>, vector<16xf32>,
      %parallel_loop3A_366 = arith.constant 8.000000e+00 : f32
      %parallel_loop3A_367 = vector.broadcast %parallel_loop3A_366 : f32 to vector<16xf32>
      %parallel_loop3A_368 = arith.mulf %parallel_loop3A_365, %parallel_loop3A_367 : vector<16xf32>
      %parallel_loop3A_369 = arith.constant 0 : i32
      %parallel_loop3A_370 = arith.index_cast %parallel_loop3A_369 : i32 to index
      %parallel_loop3A_371 = arith.index_cast %parallel_loop3A_269 : i32 to index
      %parallel_loop3A_372 = arith.constant 112 : index
      %parallel_loop3A_373 = tpu.vector_load %arg7[%parallel_loop3A_370, %parallel_loop3A_371, %parallel_loop3A_372] {strides = array<i32>} : memref<2x128x128xf32, #tpu.memory_space<vmem>>, vector<16xf32>,
      tpu.vector_store %arg7[%parallel_loop3A_370, %parallel_loop3A_371, %parallel_loop3A_372], %parallel_loop3A_368 {strides = array<i32>} : memref<2x128x128xf32, #tpu.memory_space<vmem>>, vector<16xf32>,
    } {sc.loop_unroll_factor = 4 : i64, sc.parallel_access}
    %dma_start3A_161 = arith.constant 0 : i32
    %dma_start3A_162 = arith.constant 198 : i32
    %dma_start3A_163 = arith.constant 0 : i32
    %dma_start3A_164 = arith.constant 0 : i32
    %dma_start3A_165 = tpu.memref_slice %arg7[%dma_start3A_161, %dma_start3A_163, %dma_start3A_164] : memref<2x128x128xf32, #tpu.memory_space<vmem>> -> memref<1x128x128xf32, #tpu.memory_space<vmem>>
    %dma_start3A_166 = tpu.memref_squeeze %dma_start3A_165 : memref<1x128x128xf32, #tpu.memory_space<vmem>> -> memref<128x128xf32, #tpu.memory_space<vmem>>
    %dma_start3A_167 = arith.constant 0 : i32
    %dma_start3A_168 = arith.constant 0 : i32
    %dma_start3A_169 = tpu.memref_slice %arg4[%add3A, %dma_start3A_162, %dma_start3A_167, %dma_start3A_168] : memref<32x200x128x128xf32, #tpu.memory_space<hbm>> -> memref<1x1x128x128xf32, #tpu.memory_space<hbm>>
    %dma_start3A_170 = tpu.memref_squeeze %dma_start3A_169 : memref<1x1x128x128xf32, #tpu.memory_space<hbm>> -> memref<128x128xf32, #tpu.memory_space<hbm>>
    %dma_start3A_171 = arith.constant 0 : i32
    %dma_start3A_172 = arith.constant 0 : i32
    %dma_start3A_173 = tpu.memref_slice %arg4[%add3A, %dma_start3A_162, %dma_start3A_171, %dma_start3A_172] : memref<32x200x128x128xf32, #tpu.memory_space<hbm>> -> memref<1x1x128x128xf32, #tpu.memory_space<hbm>>
    %dma_start3A_174 = tpu.memref_squeeze %dma_start3A_173 : memref<1x1x128x128xf32, #tpu.memory_space<hbm>> -> memref<128x128xf32, #tpu.memory_space<hbm>>
    %dma_start3A_175 = arith.constant 0 : i32
    %dma_start3A_176 = arith.constant 0 : i32
    %dma_start3A_177 = tpu.memref_slice %arg7[%dma_start3A_161, %dma_start3A_175, %dma_start3A_176] : memref<2x128x128xf32, #tpu.memory_space<vmem>> -> memref<1x128x128xf32, #tpu.memory_space<vmem>>
    %dma_start3A_178 = tpu.memref_squeeze %dma_start3A_177 : memref<1x128x128xf32, #tpu.memory_space<vmem>> -> memref<128x128xf32, #tpu.memory_space<vmem>>
    tpu.enqueue_dma source(%dma_start3A_178 : memref<128x128xf32, #tpu.memory_space<vmem>>) target(%dma_start3A_174 : memref<128x128xf32, #tpu.memory_space<hbm>>) target_semaphore(%arg10 : memref<!tpu.dma_semaphore, #tpu.memory_space<semaphore_mem>>)
    %dma_wait3A_179 = arith.constant 1 : i32
    %dma_wait3A_180 = arith.constant 0 : i32
    %dma_wait3A_181 = arith.constant 0 : i32
    %dma_wait3A_182 = tpu.memref_slice %arg6[%dma_wait3A_179, %dma_wait3A_180, %dma_wait3A_181] : memref<2x128x128xf32, #tpu.memory_space<vmem>> -> memref<1x128x128xf32, #tpu.memory_space<vmem>>
    %dma_wait3A_183 = tpu.memref_squeeze %dma_wait3A_182 : memref<1x128x128xf32, #tpu.memory_space<vmem>> -> memref<128x128xf32, #tpu.memory_space<vmem>>
    %dma_wait3A_184 = arith.constant 0 : i32
    %dma_wait3A_185 = arith.constant 0 : i32
    %dma_wait3A_186 = tpu.memref_slice %arg3[%dma_wait3A_184, %dma_wait3A_185] : memref<1000000x128xf32, #tpu.memory_space<hbm>> -> memref<128x128xf32, #tpu.memory_space<hbm>>
    %dma_wait3A_187 = arith.constant 0 : i32
    %dma_wait3A_188 = arith.constant 0 : i32
    %dma_wait3A_189 = tpu.memref_slice %arg6[%dma_wait3A_179, %dma_wait3A_187, %dma_wait3A_188] : memref<2x128x128xf32, #tpu.memory_space<vmem>> -> memref<1x128x128xf32, #tpu.memory_space<vmem>>
    %dma_wait3A_190 = tpu.memref_squeeze %dma_wait3A_189 : memref<1x128x128xf32, #tpu.memory_space<vmem>> -> memref<128x128xf32, #tpu.memory_space<vmem>>
    %dma_wait3A_191 = arith.constant 0 : i32
    %dma_wait3A_192 = arith.constant 0 : i32
    %dma_wait3A_193 = tpu.memref_slice %arg3[%dma_wait3A_191, %dma_wait3A_192] : memref<1000000x128xf32, #tpu.memory_space<hbm>> -> memref<128x128xf32, #tpu.memory_space<hbm>>
    tpu.wait_dma2 semaphore(%arg9 : memref<!tpu.dma_semaphore, #tpu.memory_space<semaphore_mem>>) src(%dma_wait3A_193 : memref<128x128xf32, #tpu.memory_space<hbm>>) dst(%dma_wait3A_190 : memref<128x128xf32, #tpu.memory_space<vmem>>)
    %dma_wait3A_194 = arith.constant 1 : i32
    %dma_wait3A_195 = arith.constant 0 : i32
    %dma_wait3A_196 = arith.constant 0 : i32
    %dma_wait3A_197 = arith.constant 0 : i32
    %dma_wait3A_198 = tpu.memref_slice %arg7[%dma_wait3A_194, %dma_wait3A_196, %dma_wait3A_197] : memref<2x128x128xf32, #tpu.memory_space<vmem>> -> memref<1x128x128xf32, #tpu.memory_space<vmem>>
    %dma_wait3A_199 = tpu.memref_squeeze %dma_wait3A_198 : memref<1x128x128xf32, #tpu.memory_space<vmem>> -> memref<128x128xf32, #tpu.memory_space<vmem>>
    %dma_wait3A_200 = arith.constant 0 : i32
    %dma_wait3A_201 = arith.constant 0 : i32
    %dma_wait3A_202 = tpu.memref_slice %arg4[%add3A, %dma_wait3A_195, %dma_wait3A_200, %dma_wait3A_201] : memref<32x200x128x128xf32, #tpu.memory_space<hbm>> -> memref<1x1x128x128xf32, #tpu.memory_space<hbm>>
    %dma_wait3A_203 = tpu.memref_squeeze %dma_wait3A_202 : memref<1x1x128x128xf32, #tpu.memory_space<hbm>> -> memref<128x128xf32, #tpu.memory_space<hbm>>
    %dma_wait3A_204 = arith.constant 0 : i32
    %dma_wait3A_205 = arith.constant 0 : i32
    %dma_wait3A_206 = tpu.memref_slice %arg4[%add3A, %dma_wait3A_195, %dma_wait3A_204, %dma_wait3A_205] : memref<32x200x128x128xf32, #tpu.memory_space<hbm>> -> memref<1x1x128x128xf32, #tpu.memory_space<hbm>>
    %dma_wait3A_207 = tpu.memref_squeeze %dma_wait3A_206 : memref<1x1x128x128xf32, #tpu.memory_space<hbm>> -> memref<128x128xf32, #tpu.memory_space<hbm>>
    %dma_wait3A_208 = arith.constant 0 : i32
    %dma_wait3A_209 = arith.constant 0 : i32
    %dma_wait3A_210 = tpu.memref_slice %arg7[%dma_wait3A_194, %dma_wait3A_208, %dma_wait3A_209] : memref<2x128x128xf32, #tpu.memory_space<vmem>> -> memref<1x128x128xf32, #tpu.memory_space<vmem>>
    %dma_wait3A_211 = tpu.memref_squeeze %dma_wait3A_210 : memref<1x128x128xf32, #tpu.memory_space<vmem>> -> memref<128x128xf32, #tpu.memory_space<vmem>>
    tpu.wait_dma2 semaphore(%arg11 : memref<!tpu.dma_semaphore, #tpu.memory_space<semaphore_mem>>) src(%dma_wait3A_211 : memref<128x128xf32, #tpu.memory_space<vmem>>) dst(%dma_wait3A_207 : memref<128x128xf32, #tpu.memory_space<hbm>>)
    %parallel_loop3A_212 = arith.constant 0 : i32
    %parallel_loop3A_213 = arith.constant 128 : i32
    %parallel_loop3A_214 = arith.constant 1 : i32
    scf.for %parallel_loop3A_269 = %parallel_loop3A_212 to %parallel_loop3A_213 step %parallel_loop3A_214  : i32 {
      %parallel_loop3A_270 = arith.constant 1 : i32
      %parallel_loop3A_271 = arith.index_cast %parallel_loop3A_270 : i32 to index
      %parallel_loop3A_272 = arith.index_cast %parallel_loop3A_269 : i32 to index
      %parallel_loop3A_273 = arith.constant 0 : index
      %parallel_loop3A_274 = tpu.vector_load %arg6[%parallel_loop3A_271, %parallel_loop3A_272, %parallel_loop3A_273] {strides = array<i32>} : memref<2x128x128xf32, #tpu.memory_space<vmem>>, vector<16xf32>,
      %parallel_loop3A_275 = arith.constant 8.000000e+00 : f32
      %parallel_loop3A_276 = vector.broadcast %parallel_loop3A_275 : f32 to vector<16xf32>
      %parallel_loop3A_277 = arith.mulf %parallel_loop3A_274, %parallel_loop3A_276 : vector<16xf32>
      %parallel_loop3A_278 = arith.constant 1 : i32
      %parallel_loop3A_279 = arith.index_cast %parallel_loop3A_278 : i32 to index
      %parallel_loop3A_280 = arith.index_cast %parallel_loop3A_269 : i32 to index
      %parallel_loop3A_281 = arith.constant 0 : index
      %parallel_loop3A_282 = tpu.vector_load %arg7[%parallel_loop3A_279, %parallel_loop3A_280, %parallel_loop3A_281] {strides = array<i32>} : memref<2x128x128xf32, #tpu.memory_space<vmem>>, vector<16xf32>,
      tpu.vector_store %arg7[%parallel_loop3A_279, %parallel_loop3A_280, %parallel_loop3A_281], %parallel_loop3A_277 {strides = array<i32>} : memref<2x128x128xf32, #tpu.memory_space<vmem>>, vector<16xf32>,
      %parallel_loop3A_283 = arith.constant 1 : i32
      %parallel_loop3A_284 = arith.index_cast %parallel_loop3A_283 : i32 to index
      %parallel_loop3A_285 = arith.index_cast %parallel_loop3A_269 : i32 to index
      %parallel_loop3A_286 = arith.constant 16 : index
      %parallel_loop3A_287 = tpu.vector_load %arg6[%parallel_loop3A_284, %parallel_loop3A_285, %parallel_loop3A_286] {strides = array<i32>} : memref<2x128x128xf32, #tpu.memory_space<vmem>>, vector<16xf32>,
      %parallel_loop3A_288 = arith.constant 8.000000e+00 : f32
      %parallel_loop3A_289 = vector.broadcast %parallel_loop3A_288 : f32 to vector<16xf32>
      %parallel_loop3A_290 = arith.mulf %parallel_loop3A_287, %parallel_loop3A_289 : vector<16xf32>
      %parallel_loop3A_291 = arith.constant 1 : i32
      %parallel_loop3A_292 = arith.index_cast %parallel_loop3A_291 : i32 to index
      %parallel_loop3A_293 = arith.index_cast %parallel_loop3A_269 : i32 to index
      %parallel_loop3A_294 = arith.constant 16 : index
      %parallel_loop3A_295 = tpu.vector_load %arg7[%parallel_loop3A_292, %parallel_loop3A_293, %parallel_loop3A_294] {strides = array<i32>} : memref<2x128x128xf32, #tpu.memory_space<vmem>>, vector<16xf32>,
      tpu.vector_store %arg7[%parallel_loop3A_292, %parallel_loop3A_293, %parallel_loop3A_294], %parallel_loop3A_290 {strides = array<i32>} : memref<2x128x128xf32, #tpu.memory_space<vmem>>, vector<16xf32>,
      %parallel_loop3A_296 = arith.constant 1 : i32
      %parallel_loop3A_297 = arith.index_cast %parallel_loop3A_296 : i32 to index
      %parallel_loop3A_298 = arith.index_cast %parallel_loop3A_269 : i32 to index
      %parallel_loop3A_299 = arith.constant 32 : index
      %parallel_loop3A_300 = tpu.vector_load %arg6[%parallel_loop3A_297, %parallel_loop3A_298, %parallel_loop3A_299] {strides = array<i32>} : memref<2x128x128xf32, #tpu.memory_space<vmem>>, vector<16xf32>,
      %parallel_loop3A_301 = arith.constant 8.000000e+00 : f32
      %parallel_loop3A_302 = vector.broadcast %parallel_loop3A_301 : f32 to vector<16xf32>
      %parallel_loop3A_303 = arith.mulf %parallel_loop3A_300, %parallel_loop3A_302 : vector<16xf32>
      %parallel_loop3A_304 = arith.constant 1 : i32
      %parallel_loop3A_305 = arith.index_cast %parallel_loop3A_304 : i32 to index
      %parallel_loop3A_306 = arith.index_cast %parallel_loop3A_269 : i32 to index
      %parallel_loop3A_307 = arith.constant 32 : index
      %parallel_loop3A_308 = tpu.vector_load %arg7[%parallel_loop3A_305, %parallel_loop3A_306, %parallel_loop3A_307] {strides = array<i32>} : memref<2x128x128xf32, #tpu.memory_space<vmem>>, vector<16xf32>,
      tpu.vector_store %arg7[%parallel_loop3A_305, %parallel_loop3A_306, %parallel_loop3A_307], %parallel_loop3A_303 {strides = array<i32>} : memref<2x128x128xf32, #tpu.memory_space<vmem>>, vector<16xf32>,
      %parallel_loop3A_309 = arith.constant 1 : i32
      %parallel_loop3A_310 = arith.index_cast %parallel_loop3A_309 : i32 to index
      %parallel_loop3A_311 = arith.index_cast %parallel_loop3A_269 : i32 to index
      %parallel_loop3A_312 = arith.constant 48 : index
      %parallel_loop3A_313 = tpu.vector_load %arg6[%parallel_loop3A_310, %parallel_loop3A_311, %parallel_loop3A_312] {strides = array<i32>} : memref<2x128x128xf32, #tpu.memory_space<vmem>>, vector<16xf32>,
      %parallel_loop3A_314 = arith.constant 8.000000e+00 : f32
      %parallel_loop3A_315 = vector.broadcast %parallel_loop3A_314 : f32 to vector<16xf32>
      %parallel_loop3A_316 = arith.mulf %parallel_loop3A_313, %parallel_loop3A_315 : vector<16xf32>
      %parallel_loop3A_317 = arith.constant 1 : i32
      %parallel_loop3A_318 = arith.index_cast %parallel_loop3A_317 : i32 to index
      %parallel_loop3A_319 = arith.index_cast %parallel_loop3A_269 : i32 to index
      %parallel_loop3A_320 = arith.constant 48 : index
      %parallel_loop3A_321 = tpu.vector_load %arg7[%parallel_loop3A_318, %parallel_loop3A_319, %parallel_loop3A_320] {strides = array<i32>} : memref<2x128x128xf32, #tpu.memory_space<vmem>>, vector<16xf32>,
      tpu.vector_store %arg7[%parallel_loop3A_318, %parallel_loop3A_319, %parallel_loop3A_320], %parallel_loop3A_316 {strides = array<i32>} : memref<2x128x128xf32, #tpu.memory_space<vmem>>, vector<16xf32>,
      %parallel_loop3A_322 = arith.constant 1 : i32
      %parallel_loop3A_323 = arith.index_cast %parallel_loop3A_322 : i32 to index
      %parallel_loop3A_324 = arith.index_cast %parallel_loop3A_269 : i32 to index
      %parallel_loop3A_325 = arith.constant 64 : index
      %parallel_loop3A_326 = tpu.vector_load %arg6[%parallel_loop3A_323, %parallel_loop3A_324, %parallel_loop3A_325] {strides = array<i32>} : memref<2x128x128xf32, #tpu.memory_space<vmem>>, vector<16xf32>,
      %parallel_loop3A_327 = arith.constant 8.000000e+00 : f32
      %parallel_loop3A_328 = vector.broadcast %parallel_loop3A_327 : f32 to vector<16xf32>
      %parallel_loop3A_329 = arith.mulf %parallel_loop3A_326, %parallel_loop3A_328 : vector<16xf32>
      %parallel_loop3A_330 = arith.constant 1 : i32
      %parallel_loop3A_331 = arith.index_cast %parallel_loop3A_330 : i32 to index
      %parallel_loop3A_332 = arith.index_cast %parallel_loop3A_269 : i32 to index
      %parallel_loop3A_333 = arith.constant 64 : index
      %parallel_loop3A_334 = tpu.vector_load %arg7[%parallel_loop3A_331, %parallel_loop3A_332, %parallel_loop3A_333] {strides = array<i32>} : memref<2x128x128xf32, #tpu.memory_space<vmem>>, vector<16xf32>,
      tpu.vector_store %arg7[%parallel_loop3A_331, %parallel_loop3A_332, %parallel_loop3A_333], %parallel_loop3A_329 {strides = array<i32>} : memref<2x128x128xf32, #tpu.memory_space<vmem>>, vector<16xf32>,
      %parallel_loop3A_335 = arith.constant 1 : i32
      %parallel_loop3A_336 = arith.index_cast %parallel_loop3A_335 : i32 to index
      %parallel_loop3A_337 = arith.index_cast %parallel_loop3A_269 : i32 to index
      %parallel_loop3A_338 = arith.constant 80 : index
      %parallel_loop3A_339 = tpu.vector_load %arg6[%parallel_loop3A_336, %parallel_loop3A_337, %parallel_loop3A_338] {strides = array<i32>} : memref<2x128x128xf32, #tpu.memory_space<vmem>>, vector<16xf32>,
      %parallel_loop3A_340 = arith.constant 8.000000e+00 : f32
      %parallel_loop3A_341 = vector.broadcast %parallel_loop3A_340 : f32 to vector<16xf32>
      %parallel_loop3A_342 = arith.mulf %parallel_loop3A_339, %parallel_loop3A_341 : vector<16xf32>
      %parallel_loop3A_343 = arith.constant 1 : i32
      %parallel_loop3A_344 = arith.index_cast %parallel_loop3A_343 : i32 to index
      %parallel_loop3A_345 = arith.index_cast %parallel_loop3A_269 : i32 to index
      %parallel_loop3A_346 = arith.constant 80 : index
      %parallel_loop3A_347 = tpu.vector_load %arg7[%parallel_loop3A_344, %parallel_loop3A_345, %parallel_loop3A_346] {strides = array<i32>} : memref<2x128x128xf32, #tpu.memory_space<vmem>>, vector<16xf32>,
      tpu.vector_store %arg7[%parallel_loop3A_344, %parallel_loop3A_345, %parallel_loop3A_346], %parallel_loop3A_342 {strides = array<i32>} : memref<2x128x128xf32, #tpu.memory_space<vmem>>, vector<16xf32>,
      %parallel_loop3A_348 = arith.constant 1 : i32
      %parallel_loop3A_349 = arith.index_cast %parallel_loop3A_348 : i32 to index
      %parallel_loop3A_350 = arith.index_cast %parallel_loop3A_269 : i32 to index
      %parallel_loop3A_351 = arith.constant 96 : index
      %parallel_loop3A_352 = tpu.vector_load %arg6[%parallel_loop3A_349, %parallel_loop3A_350, %parallel_loop3A_351] {strides = array<i32>} : memref<2x128x128xf32, #tpu.memory_space<vmem>>, vector<16xf32>,
      %parallel_loop3A_353 = arith.constant 8.000000e+00 : f32
      %parallel_loop3A_354 = vector.broadcast %parallel_loop3A_353 : f32 to vector<16xf32>
      %parallel_loop3A_355 = arith.mulf %parallel_loop3A_352, %parallel_loop3A_354 : vector<16xf32>
      %parallel_loop3A_356 = arith.constant 1 : i32
      %parallel_loop3A_357 = arith.index_cast %parallel_loop3A_356 : i32 to index
      %parallel_loop3A_358 = arith.index_cast %parallel_loop3A_269 : i32 to index
      %parallel_loop3A_359 = arith.constant 96 : index
      %parallel_loop3A_360 = tpu.vector_load %arg7[%parallel_loop3A_357, %parallel_loop3A_358, %parallel_loop3A_359] {strides = array<i32>} : memref<2x128x128xf32, #tpu.memory_space<vmem>>, vector<16xf32>,
      tpu.vector_store %arg7[%parallel_loop3A_357, %parallel_loop3A_358, %parallel_loop3A_359], %parallel_loop3A_355 {strides = array<i32>} : memref<2x128x128xf32, #tpu.memory_space<vmem>>, vector<16xf32>,
      %parallel_loop3A_361 = arith.constant 1 : i32
      %parallel_loop3A_362 = arith.index_cast %parallel_loop3A_361 : i32 to index
      %parallel_loop3A_363 = arith.index_cast %parallel_loop3A_269 : i32 to index
      %parallel_loop3A_364 = arith.constant 112 : index
      %parallel_loop3A_365 = tpu.vector_load %arg6[%parallel_loop3A_362, %parallel_loop3A_363, %parallel_loop3A_364] {strides = array<i32>} : memref<2x128x128xf32, #tpu.memory_space<vmem>>, vector<16xf32>,
      %parallel_loop3A_366 = arith.constant 8.000000e+00 : f32
      %parallel_loop3A_367 = vector.broadcast %parallel_loop3A_366 : f32 to vector<16xf32>
      %parallel_loop3A_368 = arith.mulf %parallel_loop3A_365, %parallel_loop3A_367 : vector<16xf32>
      %parallel_loop3A_369 = arith.constant 1 : i32
      %parallel_loop3A_370 = arith.index_cast %parallel_loop3A_369 : i32 to index
      %parallel_loop3A_371 = arith.index_cast %parallel_loop3A_269 : i32 to index
      %parallel_loop3A_372 = arith.constant 112 : index
      %parallel_loop3A_373 = tpu.vector_load %arg7[%parallel_loop3A_370, %parallel_loop3A_371, %parallel_loop3A_372] {strides = array<i32>} : memref<2x128x128xf32, #tpu.memory_space<vmem>>, vector<16xf32>,
      tpu.vector_store %arg7[%parallel_loop3A_370, %parallel_loop3A_371, %parallel_loop3A_372], %parallel_loop3A_368 {strides = array<i32>} : memref<2x128x128xf32, #tpu.memory_space<vmem>>, vector<16xf32>,
    } {sc.loop_unroll_factor = 4 : i64, sc.parallel_access}
    %dma_start3A_215 = arith.constant 1 : i32
    %dma_start3A_216 = arith.constant 199 : i32
    %dma_start3A_217 = arith.constant 0 : i32
    %dma_start3A_218 = arith.constant 0 : i32
    %dma_start3A_219 = tpu.memref_slice %arg7[%dma_start3A_215, %dma_start3A_217, %dma_start3A_218] : memref<2x128x128xf32, #tpu.memory_space<vmem>> -> memref<1x128x128xf32, #tpu.memory_space<vmem>>
    %dma_start3A_220 = tpu.memref_squeeze %dma_start3A_219 : memref<1x128x128xf32, #tpu.memory_space<vmem>> -> memref<128x128xf32, #tpu.memory_space<vmem>>
    %dma_start3A_221 = arith.constant 0 : i32
    %dma_start3A_222 = arith.constant 0 : i32
    %dma_start3A_223 = tpu.memref_slice %arg4[%add3A, %dma_start3A_216, %dma_start3A_221, %dma_start3A_222] : memref<32x200x128x128xf32, #tpu.memory_space<hbm>> -> memref<1x1x128x128xf32, #tpu.memory_space<hbm>>
    %dma_start3A_224 = tpu.memref_squeeze %dma_start3A_223 : memref<1x1x128x128xf32, #tpu.memory_space<hbm>> -> memref<128x128xf32, #tpu.memory_space<hbm>>
    %dma_start3A_225 = arith.constant 0 : i32
    %dma_start3A_226 = arith.constant 0 : i32
    %dma_start3A_227 = tpu.memref_slice %arg4[%add3A, %dma_start3A_216, %dma_start3A_225, %dma_start3A_226] : memref<32x200x128x128xf32, #tpu.memory_space<hbm>> -> memref<1x1x128x128xf32, #tpu.memory_space<hbm>>
    %dma_start3A_228 = tpu.memref_squeeze %dma_start3A_227 : memref<1x1x128x128xf32, #tpu.memory_space<hbm>> -> memref<128x128xf32, #tpu.memory_space<hbm>>
    %dma_start3A_229 = arith.constant 0 : i32
    %dma_start3A_230 = arith.constant 0 : i32
    %dma_start3A_231 = tpu.memref_slice %arg7[%dma_start3A_215, %dma_start3A_229, %dma_start3A_230] : memref<2x128x128xf32, #tpu.memory_space<vmem>> -> memref<1x128x128xf32, #tpu.memory_space<vmem>>
    %dma_start3A_232 = tpu.memref_squeeze %dma_start3A_231 : memref<1x128x128xf32, #tpu.memory_space<vmem>> -> memref<128x128xf32, #tpu.memory_space<vmem>>
    tpu.enqueue_dma source(%dma_start3A_232 : memref<128x128xf32, #tpu.memory_space<vmem>>) target(%dma_start3A_228 : memref<128x128xf32, #tpu.memory_space<hbm>>) target_semaphore(%arg11 : memref<!tpu.dma_semaphore, #tpu.memory_space<semaphore_mem>>)
    %dma_wait3A_233 = arith.constant 0 : i32
    %dma_wait3A_234 = arith.constant 0 : i32
    %dma_wait3A_235 = arith.constant 0 : i32
    %dma_wait3A_236 = arith.constant 0 : i32
    %dma_wait3A_237 = tpu.memref_slice %arg7[%dma_wait3A_233, %dma_wait3A_235, %dma_wait3A_236] : memref<2x128x128xf32, #tpu.memory_space<vmem>> -> memref<1x128x128xf32, #tpu.memory_space<vmem>>
    %dma_wait3A_238 = tpu.memref_squeeze %dma_wait3A_237 : memref<1x128x128xf32, #tpu.memory_space<vmem>> -> memref<128x128xf32, #tpu.memory_space<vmem>>
    %dma_wait3A_239 = arith.constant 0 : i32
    %dma_wait3A_240 = arith.constant 0 : i32
    %dma_wait3A_241 = tpu.memref_slice %arg4[%add3A, %dma_wait3A_234, %dma_wait3A_239, %dma_wait3A_240] : memref<32x200x128x128xf32, #tpu.memory_space<hbm>> -> memref<1x1x128x128xf32, #tpu.memory_space<hbm>>
    %dma_wait3A_242 = tpu.memref_squeeze %dma_wait3A_241 : memref<1x1x128x128xf32, #tpu.memory_space<hbm>> -> memref<128x128xf32, #tpu.memory_space<hbm>>
    %dma_wait3A_243 = arith.constant 0 : i32
    %dma_wait3A_244 = arith.constant 0 : i32
    %dma_wait3A_245 = tpu.memref_slice %arg4[%add3A, %dma_wait3A_234, %dma_wait3A_243, %dma_wait3A_244] : memref<32x200x128x128xf32, #tpu.memory_space<hbm>> -> memref<1x1x128x128xf32, #tpu.memory_space<hbm>>
    %dma_wait3A_246 = tpu.memref_squeeze %dma_wait3A_245 : memref<1x1x128x128xf32, #tpu.memory_space<hbm>> -> memref<128x128xf32, #tpu.memory_space<hbm>>
    %dma_wait3A_247 = arith.constant 0 : i32
    %dma_wait3A_248 = arith.constant 0 : i32
    %dma_wait3A_249 = tpu.memref_slice %arg7[%dma_wait3A_233, %dma_wait3A_247, %dma_wait3A_248] : memref<2x128x128xf32, #tpu.memory_space<vmem>> -> memref<1x128x128xf32, #tpu.memory_space<vmem>>
    %dma_wait3A_250 = tpu.memref_squeeze %dma_wait3A_249 : memref<1x128x128xf32, #tpu.memory_space<vmem>> -> memref<128x128xf32, #tpu.memory_space<vmem>>
    tpu.wait_dma2 semaphore(%arg10 : memref<!tpu.dma_semaphore, #tpu.memory_space<semaphore_mem>>) src(%dma_wait3A_250 : memref<128x128xf32, #tpu.memory_space<vmem>>) dst(%dma_wait3A_246 : memref<128x128xf32, #tpu.memory_space<hbm>>)
    %dma_wait3A_251 = arith.constant 1 : i32
    %dma_wait3A_252 = arith.constant 0 : i32
    %dma_wait3A_253 = arith.constant 0 : i32
    %dma_wait3A_254 = arith.constant 0 : i32
    %dma_wait3A_255 = tpu.memref_slice %arg7[%dma_wait3A_251, %dma_wait3A_253, %dma_wait3A_254] : memref<2x128x128xf32, #tpu.memory_space<vmem>> -> memref<1x128x128xf32, #tpu.memory_space<vmem>>
    %dma_wait3A_256 = tpu.memref_squeeze %dma_wait3A_255 : memref<1x128x128xf32, #tpu.memory_space<vmem>> -> memref<128x128xf32, #tpu.memory_space<vmem>>
    %dma_wait3A_257 = arith.constant 0 : i32
    %dma_wait3A_258 = arith.constant 0 : i32
    %dma_wait3A_259 = tpu.memref_slice %arg4[%add3A, %dma_wait3A_252, %dma_wait3A_257, %dma_wait3A_258] : memref<32x200x128x128xf32, #tpu.memory_space<hbm>> -> memref<1x1x128x128xf32, #tpu.memory_space<hbm>>
    %dma_wait3A_260 = tpu.memref_squeeze %dma_wait3A_259 : memref<1x1x128x128xf32, #tpu.memory_space<hbm>> -> memref<128x128xf32, #tpu.memory_space<hbm>>
    %dma_wait3A_261 = arith.constant 0 : i32
    %dma_wait3A_262 = arith.constant 0 : i32
    %dma_wait3A_263 = tpu.memref_slice %arg4[%add3A, %dma_wait3A_252, %dma_wait3A_261, %dma_wait3A_262] : memref<32x200x128x128xf32, #tpu.memory_space<hbm>> -> memref<1x1x128x128xf32, #tpu.memory_space<hbm>>
    %dma_wait3A_264 = tpu.memref_squeeze %dma_wait3A_263 : memref<1x1x128x128xf32, #tpu.memory_space<hbm>> -> memref<128x128xf32, #tpu.memory_space<hbm>>
    %dma_wait3A_265 = arith.constant 0 : i32
    %dma_wait3A_266 = arith.constant 0 : i32
    %dma_wait3A_267 = tpu.memref_slice %arg7[%dma_wait3A_251, %dma_wait3A_265, %dma_wait3A_266] : memref<2x128x128xf32, #tpu.memory_space<vmem>> -> memref<1x128x128xf32, #tpu.memory_space<vmem>>
    %dma_wait3A_268 = tpu.memref_squeeze %dma_wait3A_267 : memref<1x128x128xf32, #tpu.memory_space<vmem>> -> memref<128x128xf32, #tpu.memory_space<vmem>>
    tpu.wait_dma2 semaphore(%arg11 : memref<!tpu.dma_semaphore, #tpu.memory_space<semaphore_mem>>) src(%dma_wait3A_268 : memref<128x128xf32, #tpu.memory_space<vmem>>) dst(%dma_wait3A_264 : memref<128x128xf32, #tpu.memory_space<hbm>>)
    return
  }
}

</mosaic_0001>

<sc_bundles>
// kernel: _lookup.3.cloned.1.call-start
scs
__scs_entry_jumppad:
0x0: {  	(pc) =	sbr.rel $0x88, $3  }
0x1: {  	(tag) =	ssettag $0x0;
	lr =	simm.s32 $0x1  }
0x2: {  	[smem:$0x3F9F] =	sst lr;
	_ =	strace $0xD0000000  }
0x3: {  	_ = 	snop  }
0x4: {  	_ = 	snop  }
0x5: {  	_ = 	snop  }
0x6: {  	_ = 	snop  }
0x7: {  	_ = 	snop  }
__scs_overlays_trampoline_lowered:
0x8: {  	[smem:$0x3FAE] =	sst s0  }
0x9: {  	[smem:$0x3FAF] =	sst s1  }
0xa: {  	[smem:$0x3FB0] =	sst s2  }
0xb: {  	[smem:$0x3FB1] =	sst s3  }
0xc: {  	[smem:$0x3FB2] =	sst s4  }
0xd: {  	[smem:$0x3FB3] =	sst s5  }
0xe: {  	[smem:$0x3FB4] =	sst s6  }
0xf: {  	[smem:$0x3FB5] =	sst s7  }
0x10: {  	[smem:$0x3FB6] =	sst s8  }
0x11: {  	[smem:$0x3FB7] =	sst s9;
	s0 =	simm.s32 @!p0 $0x0  }
0x12: {  	s1 =	sld [smem:$0x3F9D];
	s0 =	simm.s32 @p0 $0x1  }
0x13: {  	[smem:$0x3FB8] =	sst s0;
	s0 =	simm.s32 @!p1 $0x0  }
0x14: {  	s2 =	sld [smem:$0x3F9C];
	s0 =	simm.s32 @p1 $0x1  }
0x15: {  	[smem:$0x3FB9] =	sst s0;
	s0 =	simm.s32 @!p2 $0x0  }
0x16: {  	s3 =	sld [smem:$0x3FDB];
	s0 =	simm.s32 @p2 $0x1  }
0x17: {  	s4 =	simm.s32 $0x1BF5;
	[smem:$0x3FBB] =	sst s0  }
0x18: {  	s0 =	sld [smem:$0x3F9E];
	_ =	swait.ge [sflag:s4], $0x0  }
0x19: {  	s7 =	sld [smem:$0x3F9F]  }
0x1a: {  	s8 =	sadd.s32 $0xFFFFE003, lr  }
0x1b: {  	s9 =	sadd.s32 $0xFFFFFEF7, lr;
	s5 =	simm.s32 $0xFFFFFFFF;
	p2 =	slt.u32 s8, $0xFFFFF086  }
0x1c: {  	p1 =	slt.u32 s9, $0xF7A;
	s5 =	simm.s32 @!p2 $0x0  }
0x1d: {  	s5 =	simm.s32 @p1 $0x1;
	p0 =	seq.s32 s7, s2  }
0x1e: {  	s7 =	smul.u32 @!p0 $0xF7A, s2;
	p2 =	seq.s32 @!p0 s5, $0x0  }
0x1f: {  	s9 =	smul.u32 $0xF7A, s1;
	s8 =	simm.s32 @!p0 $0x1BF5;
	p2 =	por !p2, p0  }
0x20: {  	[sflag:s8] =	ssyncset.s32 @!p0 $0xFFFFF086;
	s6 =	sadd.s32 @!p0 s3, s7;
	s7 =	simm.s32 @!p0 $0x108  }
0x21: {  	s3 =	sadd.s32 s3, s9;
	s6 =	sadd.s32 @!p0 $0x88, s6;
	s7 =	simm.s32 @p2 $0x1082  }
0x22: {  	[simem:s7], [sflag:s8] =	dma.local @!p0 [hbm:s6], $0xF7A  }
0x23: {  	s9 =	sor.u32 $0xD0000000, s2;
	s6 =	simm.s32 $0x108;
	_ =	swait.ge @!p0 [sflag:s8], $0x0  }
0x24: {  	s3 =	sadd.s32 $0x88, s3;
	s6 =	simm.s32 @!p1 $0x1082;
	[sflag:s4] =	ssyncset.s32 $0xFFFFF086  }
0x25: {  	[simem:s6], [sflag:s4] =	dma.local [hbm:s3], $0xF7A  }
0x26: {  	[smem:$0x3F9F] =	sst s1;
	(tag) =	ssettag s2;
	_ =	strace s9  }
0x27: {  	s1 =	sld [smem:$0x3FAF]  }
0x28: {  	s2 =	sld [smem:$0x3FB0]  }
0x29: {  	s4 =	sld [smem:$0x3FB2]  }
0x2a: {  	p0 =	seq.s32 s5, $0x0;
	s5 =	sld [smem:$0x3FB3]  }
0x2b: {  	s6 =	sld [smem:$0x3FB4]  }
0x2c: {  	s7 =	sld [smem:$0x3FB5]  }
0x2d: {  	s3 =	simm.s32 $0x108;
	s8 =	sld [smem:$0x3FB6]  }
0x2e: {  	s3 =	simm.s32 @!p0 $0x1082;
	s9 =	sld [smem:$0x3FB7]  }
0x2f: {  	lr =	sadd.s32 s0, s3;
	s0 =	sld [smem:$0x3FAE]  }
0x30: {  	s3 =	sld [smem:$0x3FB1]  }
0x31: {  	[smem:$0x3FBA] =	sst s10  }
0x32: {  	s10 =	sld [smem:$0x3FB8];
	_ =	sdelay $0x3  }
0x33: {  	p0 =	seq.s32 s10, $0x1;
	s10 =	sld [smem:$0x3FBA];
	_ =	sdelay $0x3  }
0x34: {  	[smem:$0x3FBA] =	sst s10  }
0x35: {  	s10 =	sld [smem:$0x3FB9];
	_ =	sdelay $0x3  }
0x36: {  	p1 =	seq.s32 s10, $0x1;
	s10 =	sld [smem:$0x3FBA];
	_ =	sdelay $0x3  }
0x37: {  	[smem:$0x3FBA] =	sst s10  }
0x38: {  	s10 =	sld [smem:$0x3FBB]  }
0x39: {  	_ = 	snop;
	(pc) =	sbr.ind lr, $3  }
0x3a: {  	_ = 	snop  }
0x3b: {  	_ = 	snop  }
0x3c: {  	p2 =	seq.s32 s10, $0x1;
	s10 =	sld [smem:$0x3FBA]  }
0x3d: {  	_ =	shalt  }
0x3e: {  	_ =	shalt  }
0x3f: {  	_ =	shalt  }
0x40: {  	_ =	shalt  }
0x41: {  	_ =	shalt  }
0x42: {  	_ =	shalt  }
0x43: {  	_ =	shalt  }
0x44: {  	_ =	shalt  }
0x45: {  	_ =	shalt  }
0x46: {  	_ =	shalt  }
0x47: {  	_ =	shalt  }
0x48: {  	_ =	shalt  }
0x49: {  	_ =	shalt  }
0x4a: {  	_ =	shalt  }
0x4b: {  	_ =	shalt  }
0x4c: {  	_ =	shalt  }
0x4d: {  	_ =	shalt  }
0x4e: {  	_ =	shalt  }
0x4f: {  	_ =	shalt  }
0x50: {  	_ =	shalt  }
0x51: {  	_ =	shalt  }
0x52: {  	_ =	shalt  }
0x53: {  	_ =	shalt  }
0x54: {  	_ =	shalt  }
0x55: {  	_ =	shalt  }
0x56: {  	_ =	shalt  }
0x57: {  	_ =	shalt  }
0x58: {  	_ =	shalt  }
0x59: {  	_ =	shalt  }
0x5a: {  	_ =	shalt  }
0x5b: {  	_ =	shalt  }
0x5c: {  	_ =	shalt  }
0x5d: {  	_ =	shalt  }
0x5e: {  	_ =	shalt  }
0x5f: {  	_ =	shalt  }
0x60: {  	_ =	shalt  }
0x61: {  	_ =	shalt  }
0x62: {  	_ =	shalt  }
0x63: {  	_ =	shalt  }
0x64: {  	_ =	shalt  }
0x65: {  	_ =	shalt  }
0x66: {  	_ =	shalt  }
0x67: {  	_ =	shalt  }
0x68: {  	_ =	shalt  }
0x69: {  	_ =	shalt  }
0x6a: {  	_ =	shalt  }
0x6b: {  	_ =	shalt  }
0x6c: {  	_ =	shalt  }
0x6d: {  	_ =	shalt  }
0x6e: {  	_ =	shalt  }
0x6f: {  	_ =	shalt  }
0x70: {  	_ =	shalt  }
0x71: {  	_ =	shalt  }
0x72: {  	_ =	shalt  }
0x73: {  	_ =	shalt  }
0x74: {  	_ =	shalt  }
0x75: {  	_ =	shalt  }
0x76: {  	_ =	shalt  }
0x77: {  	_ =	shalt  }
0x78: {  	_ =	shalt  }
0x79: {  	_ =	shalt  }
0x7a: {  	_ =	shalt  }
0x7b: {  	_ =	shalt  }
0x7c: {  	_ =	shalt  }
0x7d: {  	_ =	shalt  }
0x7e: {  	_ =	shalt  }
0x7f: {  	_ =	shalt  }
0x80: {  	_ =	shalt  }
0x81: {  	_ =	shalt  }
0x82: {  	_ =	shalt  }
0x83: {  	_ =	shalt  }
0x84: {  	_ =	shalt  }
0x85: {  	_ =	shalt  }
0x86: {  	_ =	shalt  }
0x87: {  	_ =	shalt  }
.Lfunc_end0:
.L_simem_size_0:
called_computation_lowered:
.L_overlay_start_0:
0x88: {  	s2 =	sld [smem:$0x3FD9]  }
0x89: {  	s3 =	sld [smem:$0x3FFE];
	_ =	sdelay $0x1  }
0x8a: {  	s1 =	srdreg.scid  }
0x8b: {  	s0 =	sand.u32 $0x1, s1  }
0x8c: {  	s17 =	sshll.u32 s0, $0xA;
	s2 =	sadd.s32 s3, s2  }
0x8d: {  	s2 =	sadd.s32 s2, s17  }
0x8e: {  	[smem:$0x3FC6] =	sst s2  }
0x8f: {  	_ = 	snop  }
0x90: {  	s2 =	sld [smem:$0x3FC8]  }
0x91: {  	s18 =	sld [smem:$0x3FD0];
	(tm) =	ssettm $0x1  }
0x92: {  	s4 =	sld [smem:$0x3FFB];
	_ =	sdelay $0x3  }
0x93: {  	_ =	strace s4  }
0x94: {  	s4 =	sld [smem:$0x3FFC];
	_ =	sdelay $0x3  }
0x95: {  	_ =	strace s4  }
0x96: {  	s4 =	sld [smem:$0x3FFD];
	_ =	sdelay $0x3  }
0x97: {  	_ =	strace s4  }
0x98: {  	_ =	strace $0x8FFFFFFF  }
0x99: {  	s19 =	sld [smem:$0x3FDB];
	_ =	sdelay $0x1  }
0x9a: {  	s5 =	simm.s32 $_scs_section_size  }
0x9b: {  	s6 =	simm.s32 $_size__tile_overlayer_lowered;
	s7 =	simm.s32 $_tile_overlayer_lowered  }
0x9c: {  	s22 =	simm.s32 $0x1BFF;
	s21 =	sshll.u32 s7, $0x1;
	s4 =	sadd.s32 s5, s19  }
0x9d: {  	s8 =	simm.s32 $0x0;
	s20 =	sshll.u32 s6, $0x1;
	s6 =	sadd.s32 s21, s4  }
0x9e: {  	[timem:s8], [sflag:s22] =	dma.local [hbm:s6], s20  }
0x9f: {  	_ =	swait.ge [sflag:s22], s20  }
0xa0: {  	s5 =	ssub.s32 $0x0, s20;
	[sflag:s22] =	ssyncset.done $0x0  }
0xa1: {  	[sflag:s22] =	ssyncadd.s32 s5;
	_ =	sdelay $0x1  }
0xa2: {  	s23 =	simm.s32 $0x1B8B  }
0xa3: {  	_ =	swait.ge [sflag:s23], $0x1  }
0xa4: {  	[sflag:s23] =	ssyncset.done $0x0  }
0xa5: {  	s25 =	simm.s32 $0x1B8E;
	s24 =	sld [smem:$0x3FFE];
	[sflag:s23] =	ssyncadd.s32 $0xFFFFFFFF  }
0xa6: {  	s26 =	simm.s32 $execute0_lowered;
	[smem:$0x3FD2] =	sst s25  }
0xa7: {  	s6 =	sshll.u32 s26, $0x1;
	_ =	strace $0x80000046;
	[dreg:$0x1] =	wrdreg $0xFFFFFFFF  }
0xa8: {  	s28 =	simm.s32 $_size_execute0_lowered;
	s4 =	sadd.s32 s4, s6;
	[dreg:$0x0] =	wrdreg $0x0  }
0xa9: {  	s6 =	sshll.u32 s28, $0x1;
	[dreg:$0x2] =	wrdreg s4  }
0xaa: {  	[dreg:$0x3] =	wrdreg s6  }
0xab: {  	[dreg:$0x4] =	wrdreg $0xC0  }
0xac: {  	_ =	task [dreg:s8], $0x5FFFF  }
0xad: {  	[dreg:$0x1] =	wrdreg $0xFFFFFFFF  }
0xae: {  	[dreg:$0x0] =	wrdreg $0x60  }
0xaf: {  	[dreg:$0x2] =	wrdreg s24  }
0xb0: {  	[dreg:$0x3] =	wrdreg s2  }
0xb1: {  	[dreg:$0x4] =	wrdreg s18  }
0xb2: {  	[dreg:$0x5] =	wrdreg $0x9  }
0xb3: {  	_ =	task.clear_ibuf [dreg:s8], $0x6FFFF;
	_ =	strace $0x90000046  }
0xb4: {  	s29 =	simm.s32 $0x9;
	_ =	strace $0x80000048  }
0xb5: {  	_ =	swait.ge [sflag:s29], $0x1  }
0xb6: {  	[sflag:s29] =	ssyncadd.s32 $0xFFFFFFFF  }
0xb7: {  	_ =	strace $0x90000048  }
0xb8: {  	_ =	sfence  }
0xb9: {  	s30 =	sld [smem:$0x0];
	_ =	sdelay $0x2  }
0xba: {  	s31 =	sshll.u32 s1, $0xD;
	s1 =	sshrl.u32 s1, $0x2  }
0xbb: {  	s3 =	sand.u32 $0x4000, s31;
	s1 =	sadd.s32 s1, s30  }
0xbc: {  	s0 =	sor.u32 s3, s0;
	s1 =	sshll.u32 s1, $0x11  }
0xbd: {  	s0 =	sor.u32 s1, s0  }
0xbe: {  	s0 =	sadd.s32 $0x8F2B, s0  }
0xbf: {  	[sflag:s0] =	ssyncadd.remote.s32 $0x1  }
0xc0: {  	_ =	sfence.sel $0xFFFF  }
0xc1: {  	[dreg:$0x0] =	wrdreg $0xFFFFFFFF;
	(pc) =	sbr.abs _section_cstart, $3  }
0xc2: {  	[dreg:$0x1] =	wrdreg $0xFFFFFFFF  }
0xc3: {  	_ =	task.clear_ibuf [dreg:s8], $0x2FFFF;
	_ =	strace $0x9FFFFFFF  }
0xc4: {  	(tm) =	ssettm $0x7FFFFFFF  }
0xc5: {  	_ =	shalt  }
tec
execute0_lowered:
.L_overlay_start_1:
0x0: {  	(tag) =	ssettag $0x1  }
0x1: {  	s0 =	rddreg [dreg:$0x0]  }
0x2: {  	s2 =	rddreg [dreg:$0x1];
	s1 =	srdreg.scid  }
0x3: {  	s4 =	stileid.u32;
	s3 =	rddreg [dreg:$0x2];
	s13 =	simm.s32 $0x80  }
0x4: {  	s15 =	simm.s32 $0x5;
	s16 =	simm.s32 $0x6400;
	s17 =	simm.s32 $0xA400  }
0x5: {  	s18 =	simm.s32 $0x1;
	s19 =	simm.s32 $0xE400;
	s20 =	simm.s32 $0x100  }
0x6: {  	s21 =	simm.s32 $0x2;
	s22 =	simm.s32 $0x12400;
	s23 =	simm.s32 $0x180  }
0x7: {  	s24 =	simm.s32 $0x3;
	s25 =	simm.s32 $0x4;
	s26 =	simm.s32 $0x0  }
0x8: {  	s1 =	sand.u32 $0x1, s1;
	s5 =	sshll.u32 s4, $0x1;
	s4 =	simm.s32 $0x0  }
0x9: {  	s5 =	sor.u32 s1, s5;
	[smem:$0x7FF] =	sst s4;
	s1 =	ssub.s32 $0x2, s1  }
0xa: {  	s9 =	smul.u32 $0x320000, s5;
	s5 =	sshll.u32 s5, $0x4;
	s6 =	sshrl.u32 s1, $0x1  }
0xb: {  	_ =	strace $0x80000047;
	s0 =	sadd.s32 s5, s0;
	s1 =	ssub.s32 s1, s6  }
0xc: {  	s7 =	sshrl.u32 s9, $0x3;
	s6 =	sadd.s32 $0x400, s0;
	s8 =	sor.u32 $0x8000, s9  }
0xd: {  	s9 =	sor.u32 $0xC000, s9;
	s12 =	smax.u32 s1, $0x1;
	s5 =	sadd.s32 s3, s7  }
0xe: {  	s7 =	sadd.s32 $0x800, s5;
	s10 =	sadd.s32 $0x63000, s5;
	s11 =	sadd.s32 $0x63800, s5  }
.LBB2_1:
0xf: {  	s0 =	simm.s32 $0x1000  }
0x10: {  	[tilespmem:s4], [sflag:$0x5] =	stream.strided.gather [hbm4b:s6+s13], $0x6400, s0, s13, $0x38;
	[tilespmem:$0x16400] =	vst v63  }
0x11: {  	_ =	swait.ge [sflag:s15], $0x6400  }
0x12: {  	[sflag:s15] =	ssyncset.done $0x0  }
0x13: {  	[sflag:s15] =	ssyncadd.s32 $0xFFFF9C00  }
0x14: {  	[tilespmem:s16], [sflag:$0x1] =	stream.indirect.gather [hbm4b:s2+s13], $0x80, s4, s13, $0xb8;
	[tilespmem:$0x16400] =	vst v63  }
0x15: {  	_ = 	snop  }
0x16: {  	[tilespmem:s17], [sflag:$0x2] =	stream.indirect.gather [hbm4b:s2+s13], $0x80, s13, s13, $0xb8;
	[tilespmem:$0x16400] =	vst v63  }
0x17: {  	_ =	swait.ge [sflag:s18], $0x4000  }
0x18: {  	[sflag:s18] =	ssyncset.done $0x0  }
0x19: {  	s14 =	simm.s32 $0x6500;
	[sflag:s18] =	ssyncadd.s32 $0xFFFFC000  }
0x1a: {  	v0 =	vld [tilespmem:s14+$0x80];
	_ =	sdelay $0x3  }
0x1b: {  	v1 =	vld [tilespmem:s14+$0xFFFFFF00]  }
0x1c: {  	v2 =	vld [tilespmem:s14+$0xFFFFFF80];
	v0 =	vmul.f32 $8.000000000e+00, v0  }
0x1d: {  	s28 =	simm.s32 $0xE500;
	v3 =	vld [tilespmem:s14+$0x0]  }
0x1e: {  	[tilespmem:s28+$0x80] =	vst v0  }
0x1f: {  	v0 =	vld [tilespmem:s14+$0x90]  }
0x20: {  	v1 =	vmul.f32 $8.000000000e+00, v1  }
0x21: {  	v2 =	vmul.f32 $8.000000000e+00, v2  }
0x22: {  	v3 =	vmul.f32 $8.000000000e+00, v3;
	[tilespmem:s28+$0xFFFFFF00] =	vst v1  }
0x23: {  	[tilespmem:s28+$0xFFFFFF80] =	vst v2;
	v1 =	vld [tilespmem:s14+$0xFFFFFF10]  }
0x24: {  	[tilespmem:s28+$0x0] =	vst v3;
	v2 =	vld [tilespmem:s14+$0xFFFFFF90];
	v0 =	vmul.f32 $8.000000000e+00, v0  }
0x25: {  	v3 =	vld [tilespmem:s14+$0x10]  }
0x26: {  	[tilespmem:s28+$0x90] =	vst v0  }
0x27: {  	v0 =	vld [tilespmem:s14+$0xA0]  }
0x28: {  	v1 =	vmul.f32 $8.000000000e+00, v1  }
0x29: {  	v2 =	vmul.f32 $8.000000000e+00, v2  }
0x2a: {  	v3 =	vmul.f32 $8.000000000e+00, v3;
	[tilespmem:s28+$0xFFFFFF10] =	vst v1  }
0x2b: {  	[tilespmem:s28+$0xFFFFFF90] =	vst v2;
	v1 =	vld [tilespmem:s14+$0xFFFFFF20]  }
0x2c: {  	[tilespmem:s28+$0x10] =	vst v3;
	v2 =	vld [tilespmem:s14+$0xFFFFFFA0];
	v0 =	vmul.f32 $8.000000000e+00, v0  }
0x2d: {  	v3 =	vld [tilespmem:s14+$0x20]  }
0x2e: {  	[tilespmem:s28+$0xA0] =	vst v0  }
0x2f: {  	v0 =	vld [tilespmem:s14+$0xB0]  }
0x30: {  	v1 =	vmul.f32 $8.000000000e+00, v1  }
0x31: {  	v2 =	vmul.f32 $8.000000000e+00, v2  }
0x32: {  	v3 =	vmul.f32 $8.000000000e+00, v3;
	[tilespmem:s28+$0xFFFFFF20] =	vst v1  }
0x33: {  	[tilespmem:s28+$0xFFFFFFA0] =	vst v2;
	v1 =	vld [tilespmem:s14+$0xFFFFFF30]  }
0x34: {  	[tilespmem:s28+$0x20] =	vst v3;
	v2 =	vld [tilespmem:s14+$0xFFFFFFB0];
	v0 =	vmul.f32 $8.000000000e+00, v0  }
0x35: {  	s29 =	simm.s32 $0x6700;
	v3 =	vld [tilespmem:s14+$0x30]  }
0x36: {  	[tilespmem:s28+$0xB0] =	vst v0;
	v0 =	vld [tilespmem:s29+$0x80]  }
0x37: {  	v4 =	vld [tilespmem:s14+$0xC0]  }
0x38: {  	v5 =	vld [tilespmem:s29+$0xFFFFFF80];
	v1 =	vmul.f32 $8.000000000e+00, v1  }
0x39: {  	v6 =	vld [tilespmem:s29+$0x0];
	v2 =	vmul.f32 $8.000000000e+00, v2  }
0x3a: {  	v3 =	vmul.f32 $8.000000000e+00, v3;
	[tilespmem:s28+$0xFFFFFF30] =	vst v1;
	v1 =	vld [tilespmem:s29+$0xFFFFFF00]  }
0x3b: {  	[tilespmem:s28+$0xFFFFFFB0] =	vst v2;
	v2 =	vld [tilespmem:s14+$0xFFFFFF40];
	v0 =	vmul.f32 $8.000000000e+00, v0  }
0x3c: {  	s30 =	simm.s32 $0xE700;
	[tilespmem:s28+$0x30] =	vst v3;
	v3 =	vld [tilespmem:s14+$0xFFFFFFC0];
	v4 =	vmul.f32 $8.000000000e+00, v4  }
0x3d: {  	v5 =	vmul.f32 $8.000000000e+00, v5;
	[tilespmem:s30+$0x80] =	vst v0;
	v0 =	vld [tilespmem:s14+$0x40]  }
0x3e: {  	v6 =	vmul.f32 $8.000000000e+00, v6;
	v7 =	vld [tilespmem:s29+$0x90];
	[tilespmem:s28+$0xC0] =	vst v4  }
0x3f: {  	[tilespmem:s30+$0xFFFFFF80] =	vst v5;
	v1 =	vmul.f32 $8.000000000e+00, v1;
	v4 =	vld [tilespmem:s14+$0xD0]  }
0x40: {  	[tilespmem:s30+$0x0] =	vst v6;
	v5 =	vld [tilespmem:s29+$0xFFFFFF90];
	v2 =	vmul.f32 $8.000000000e+00, v2  }
0x41: {  	v3 =	vmul.f32 $8.000000000e+00, v3;
	[tilespmem:s30+$0xFFFFFF00] =	vst v1;
	v1 =	vld [tilespmem:s29+$0x10]  }
0x42: {  	v6 =	vld [tilespmem:s29+$0xFFFFFF10];
	[tilespmem:s28+$0xFFFFFF40] =	vst v2;
	v0 =	vmul.f32 $8.000000000e+00, v0  }
0x43: {  	[tilespmem:s28+$0xFFFFFFC0] =	vst v3;
	v2 =	vmul.f32 $8.000000000e+00, v7;
	v7 =	vld [tilespmem:s14+$0xFFFFFF50]  }
0x44: {  	v3 =	vld [tilespmem:s14+$0xFFFFFFD0];
	[tilespmem:s28+$0x40] =	vst v0;
	v0 =	vmul.f32 $8.000000000e+00, v4  }
0x45: {  	v4 =	vmul.f32 $8.000000000e+00, v5;
	[tilespmem:s30+$0x90] =	vst v2;
	v2 =	vld [tilespmem:s14+$0x50]  }
0x46: {  	v1 =	vmul.f32 $8.000000000e+00, v1;
	v5 =	vld [tilespmem:s29+$0xA0];
	[tilespmem:s28+$0xD0] =	vst v0  }
0x47: {  	v0 =	vmul.f32 $8.000000000e+00, v6;
	[tilespmem:s30+$0xFFFFFF90] =	vst v4;
	v4 =	vld [tilespmem:s14+$0xE0]  }
0x48: {  	[tilespmem:s30+$0x10] =	vst v1;
	v6 =	vld [tilespmem:s29+$0xFFFFFFA0];
	v1 =	vmul.f32 $8.000000000e+00, v7  }
0x49: {  	v3 =	vmul.f32 $8.000000000e+00, v3;
	[tilespmem:s30+$0xFFFFFF10] =	vst v0;
	v0 =	vld [tilespmem:s29+$0x20]  }
0x4a: {  	v7 =	vld [tilespmem:s29+$0xFFFFFF20];
	[tilespmem:s28+$0xFFFFFF50] =	vst v1;
	v1 =	vmul.f32 $8.000000000e+00, v2  }
0x4b: {  	[tilespmem:s28+$0xFFFFFFD0] =	vst v3;
	v2 =	vmul.f32 $8.000000000e+00, v5;
	v5 =	vld [tilespmem:s14+$0xFFFFFF60]  }
0x4c: {  	v3 =	vld [tilespmem:s14+$0xFFFFFFE0];
	[tilespmem:s28+$0x50] =	vst v1;
	v1 =	vmul.f32 $8.000000000e+00, v4  }
0x4d: {  	v4 =	vmul.f32 $8.000000000e+00, v6;
	[tilespmem:s30+$0xA0] =	vst v2;
	v2 =	vld [tilespmem:s14+$0x60]  }
0x4e: {  	v0 =	vmul.f32 $8.000000000e+00, v0;
	v6 =	vld [tilespmem:s29+$0xB0];
	[tilespmem:s28+$0xE0] =	vst v1  }
0x4f: {  	v1 =	vmul.f32 $8.000000000e+00, v7;
	[tilespmem:s30+$0xFFFFFFA0] =	vst v4;
	v7 =	vld [tilespmem:s14+$0xF0]  }
0x50: {  	v8 =	vld [tilespmem:s29+$0xFFFFFFB0];
	[tilespmem:s30+$0x20] =	vst v0;
	v0 =	vmul.f32 $8.000000000e+00, v5  }
0x51: {  	v3 =	vmul.f32 $8.000000000e+00, v3;
	[tilespmem:s30+$0xFFFFFF20] =	vst v1;
	v4 =	vld [tilespmem:s29+$0x30]  }
0x52: {  	v5 =	vld [tilespmem:s29+$0xFFFFFF30];
	[tilespmem:s28+$0xFFFFFF60] =	vst v0;
	v2 =	vmul.f32 $8.000000000e+00, v2  }
0x53: {  	[tilespmem:s28+$0xFFFFFFE0] =	vst v3;
	v9 =	vmul.f32 $8.000000000e+00, v6;
	v1 =	vld [tilespmem:s14+$0xFFFFFF70]  }
0x54: {  	v0 =	vld [tilespmem:s14+$0xFFFFFFF0];
	[tilespmem:s28+$0x60] =	vst v2;
	v3 =	vmul.f32 $8.000000000e+00, v7  }
0x55: {  	s31 =	simm.s32 $0x4;
	s1 =	simm.s32 $0x6900;
	v6 =	vmul.f32 $8.000000000e+00, v8;
	[tilespmem:s30+$0xB0] =	vst v9;
	v2 =	vld [tilespmem:s14+$0x70]  }
.LBB2_2:
0x56: {  	v7 =	vld [tilespmem:s1+$0x80];
	v4 =	vmul.f32 $8.000000000e+00, v4;
	[tilespmem:s28+$0xF0] =	vst v3  }
0x57: {  	s31 =	sadd.s32 $0x4, s31;
	v3 =	vmul.f32 $8.000000000e+00, v5;
	[tilespmem:s30+$0xFFFFFFB0] =	vst v6;
	v5 =	vld [tilespmem:s29+$0xC0]  }
0x58: {  	p0 =	slt.u32 s31, $0x7C;
	v6 =	vld [tilespmem:s1+$0xFFFFFF80];
	[tilespmem:s30+$0x30] =	vst v4;
	v1 =	vmul.f32 $8.000000000e+00, v1  }
0x59: {  	v4 =	vld [tilespmem:s1+$0x0];
	[tilespmem:s30+$0xFFFFFF30] =	vst v3;
	v0 =	vmul.f32 $8.000000000e+00, v0  }
0x5a: {  	v3 =	vld [tilespmem:s1+$0xFFFFFF00];
	[tilespmem:s28+$0xFFFFFF70] =	vst v1;
	v1 =	vmul.f32 $8.000000000e+00, v2  }
0x5b: {  	v2 =	vmul.f32 $8.000000000e+00, v7;
	v7 =	vld [tilespmem:s29+$0xFFFFFF40];
	[tilespmem:s28+$0xFFFFFFF0] =	vst v0  }
0x5c: {  	v0 =	vld [tilespmem:s29+$0xFFFFFFC0];
	v5 =	vmul.f32 $8.000000000e+00, v5;
	[tilespmem:s28+$0x70] =	vst v1;
	s28 =	smov.u32 s30;
	s30 =	sadd.s32 $0x200, s30  }
0x5d: {  	v1 =	vmul.f32 $8.000000000e+00, v6;
	[tilespmem:s30+$0x80] =	vst v2;
	v2 =	vld [tilespmem:s29+$0x40]  }
0x5e: {  	v4 =	vmul.f32 $8.000000000e+00, v4;
	v6 =	vld [tilespmem:s1+$0x90];
	[tilespmem:s28+$0xC0] =	vst v5  }
0x5f: {  	v3 =	vmul.f32 $8.000000000e+00, v3;
	[tilespmem:s30+$0xFFFFFF80] =	vst v1;
	v1 =	vld [tilespmem:s29+$0xD0]  }
0x60: {  	v5 =	vld [tilespmem:s1+$0xFFFFFF90];
	[tilespmem:s30+$0x0] =	vst v4;
	v4 =	vmul.f32 $8.000000000e+00, v7  }
0x61: {  	[tilespmem:s30+$0xFFFFFF00] =	vst v3;
	v3 =	vld [tilespmem:s1+$0x10];
	v0 =	vmul.f32 $8.000000000e+00, v0  }
0x62: {  	v7 =	vld [tilespmem:s1+$0xFFFFFF10];
	[tilespmem:s28+$0xFFFFFF40] =	vst v4;
	v2 =	vmul.f32 $8.000000000e+00, v2  }
0x63: {  	v4 =	vmul.f32 $8.000000000e+00, v6;
	v6 =	vld [tilespmem:s29+$0xFFFFFF50];
	[tilespmem:s28+$0xFFFFFFC0] =	vst v0  }
0x64: {  	v0 =	vld [tilespmem:s29+$0xFFFFFFD0];
	[tilespmem:s28+$0x40] =	vst v2;
	v1 =	vmul.f32 $8.000000000e+00, v1  }
0x65: {  	v2 =	vmul.f32 $8.000000000e+00, v5;
	[tilespmem:s30+$0x90] =	vst v4;
	v4 =	vld [tilespmem:s29+$0x50]  }
0x66: {  	v3 =	vmul.f32 $8.000000000e+00, v3;
	v5 =	vld [tilespmem:s1+$0xA0];
	[tilespmem:s28+$0xD0] =	vst v1  }
0x67: {  	v1 =	vmul.f32 $8.000000000e+00, v7;
	[tilespmem:s30+$0xFFFFFF90] =	vst v2;
	v2 =	vld [tilespmem:s29+$0xE0]  }
0x68: {  	v7 =	vld [tilespmem:s1+$0xFFFFFFA0];
	[tilespmem:s30+$0x10] =	vst v3;
	v3 =	vmul.f32 $8.000000000e+00, v6  }
0x69: {  	[tilespmem:s30+$0xFFFFFF10] =	vst v1;
	v1 =	vld [tilespmem:s1+$0x20];
	v0 =	vmul.f32 $8.000000000e+00, v0  }
0x6a: {  	v6 =	vld [tilespmem:s1+$0xFFFFFF20];
	[tilespmem:s28+$0xFFFFFF50] =	vst v3;
	v3 =	vmul.f32 $8.000000000e+00, v4  }
0x6b: {  	v4 =	vmul.f32 $8.000000000e+00, v5;
	v5 =	vld [tilespmem:s29+$0xFFFFFF60];
	[tilespmem:s28+$0xFFFFFFD0] =	vst v0  }
0x6c: {  	v0 =	vld [tilespmem:s29+$0xFFFFFFE0];
	[tilespmem:s28+$0x50] =	vst v3;
	v2 =	vmul.f32 $8.000000000e+00, v2  }
0x6d: {  	v3 =	vmul.f32 $8.000000000e+00, v7;
	[tilespmem:s30+$0xA0] =	vst v4;
	v7 =	vld [tilespmem:s29+$0x60]  }
0x6e: {  	v1 =	vmul.f32 $8.000000000e+00, v1;
	v8 =	vld [tilespmem:s1+$0xB0];
	[tilespmem:s28+$0xE0] =	vst v2  }
0x6f: {  	v2 =	vmul.f32 $8.000000000e+00, v6;
	[tilespmem:s30+$0xFFFFFFA0] =	vst v3;
	v3 =	vld [tilespmem:s29+$0xF0]  }
0x70: {  	v6 =	vld [tilespmem:s1+$0xFFFFFFB0];
	[tilespmem:s30+$0x20] =	vst v1;
	v1 =	vmul.f32 $8.000000000e+00, v5  }
.Ltmp0:
0x71: {  	[tilespmem:s30+$0xFFFFFF20] =	vst v2;
	v4 =	vld [tilespmem:s1+$0x30];
	v0 =	vmul.f32 $8.000000000e+00, v0;
	(pc) =	sbr.rel @p0 .LBB2_2-.Ltmp0, $4  }
0x72: {  	v5 =	vld [tilespmem:s1+$0xFFFFFF30];
	[tilespmem:s28+$0xFFFFFF60] =	vst v1;
	v2 =	vmul.f32 $8.000000000e+00, v7  }
0x73: {  	v7 =	vmul.f32 $8.000000000e+00, v8;
	v1 =	vld [tilespmem:s29+$0xFFFFFF70];
	[tilespmem:s28+$0xFFFFFFE0] =	vst v0  }
0x74: {  	v0 =	vld [tilespmem:s29+$0xFFFFFFF0];
	[tilespmem:s28+$0x60] =	vst v2;
	v3 =	vmul.f32 $8.000000000e+00, v3  }
0x75: {  	v6 =	vmul.f32 $8.000000000e+00, v6;
	[tilespmem:s30+$0xB0] =	vst v7;
	v2 =	vld [tilespmem:s29+$0x70];
	s29 =	smov.u32 s1;
	s1 =	sadd.s32 $0x200, s1  }
0x76: {  	_ = 	snop  }
0x77: {  	v5 =	vmul.f32 $8.000000000e+00, v5;
	_ =	sdelay $0x1  }
0x78: {  	v4 =	vmul.f32 $8.000000000e+00, v4;
	v7 =	vld [tilespmem:s29+$0xC0];
	[tilespmem:s30+$0xFFFFFF30] =	vst v5  }
0x79: {  	[tilespmem:s30+$0xFFFFFFB0] =	vst v6;
	v5 =	vld [tilespmem:s29+$0xFFFFFF40]  }
0x7a: {  	[tilespmem:s30+$0x30] =	vst v4;
	v4 =	vld [tilespmem:s29+$0xFFFFFFC0]  }
0x7b: {  	v6 =	vld [tilespmem:s29+$0x40];
	_ =	sdelay $0x1  }
0x7c: {  	v7 =	vmul.f32 $8.000000000e+00, v7  }
0x7d: {  	v5 =	vmul.f32 $8.000000000e+00, v5  }
0x7e: {  	[tilespmem:s30+$0xC0] =	vst v7;
	v4 =	vmul.f32 $8.000000000e+00, v4  }
0x7f: {  	v7 =	vld [tilespmem:s29+$0xD0];
	[tilespmem:s30+$0xFFFFFF40] =	vst v5;
	v5 =	vmul.f32 $8.000000000e+00, v6  }
0x80: {  	[tilespmem:s30+$0xFFFFFFC0] =	vst v4;
	v6 =	vld [tilespmem:s29+$0xFFFFFF50]  }
0x81: {  	v4 =	vld [tilespmem:s29+$0xFFFFFFD0];
	[tilespmem:s30+$0x40] =	vst v5  }
0x82: {  	v5 =	vld [tilespmem:s29+$0x50];
	_ =	sdelay $0x1  }
0x83: {  	v7 =	vmul.f32 $8.000000000e+00, v7  }
0x84: {  	v6 =	vmul.f32 $8.000000000e+00, v6  }
0x85: {  	[tilespmem:s30+$0xD0] =	vst v7;
	v4 =	vmul.f32 $8.000000000e+00, v4  }
0x86: {  	v7 =	vld [tilespmem:s29+$0xE0];
	[tilespmem:s30+$0xFFFFFF50] =	vst v6;
	v5 =	vmul.f32 $8.000000000e+00, v5  }
0x87: {  	[tilespmem:s30+$0xFFFFFFD0] =	vst v4;
	v6 =	vld [tilespmem:s29+$0xFFFFFF60]  }
0x88: {  	v4 =	vld [tilespmem:s29+$0xFFFFFFE0];
	[tilespmem:s30+$0x50] =	vst v5  }
0x89: {  	v5 =	vld [tilespmem:s29+$0x60];
	_ =	sdelay $0x1  }
0x8a: {  	v7 =	vmul.f32 $8.000000000e+00, v7  }
0x8b: {  	v6 =	vmul.f32 $8.000000000e+00, v6  }
0x8c: {  	[tilespmem:s30+$0xE0] =	vst v7;
	v4 =	vmul.f32 $8.000000000e+00, v4  }
0x8d: {  	v7 =	vld [tilespmem:s29+$0xF0];
	[tilespmem:s30+$0xFFFFFF60] =	vst v6;
	v5 =	vmul.f32 $8.000000000e+00, v5  }
0x8e: {  	[tilespmem:s30+$0xFFFFFFE0] =	vst v4;
	v6 =	vld [tilespmem:s29+$0xFFFFFF70]  }
0x8f: {  	v1 =	vmul.f32 $8.000000000e+00, v1;
	v4 =	vld [tilespmem:s29+$0xFFFFFFF0];
	[tilespmem:s30+$0x60] =	vst v5  }
0x90: {  	[tilespmem:s28+$0xF0] =	vst v3;
	v0 =	vmul.f32 $8.000000000e+00, v0;
	v3 =	vld [tilespmem:s29+$0x70]  }
0x91: {  	[tilespmem:s28+$0xFFFFFF70] =	vst v1;
	v1 =	vmul.f32 $8.000000000e+00, v2  }
0x92: {  	[tilespmem:s28+$0xFFFFFFF0] =	vst v0;
	v0 =	vmul.f32 $8.000000000e+00, v7  }
0x93: {  	[tilespmem:s28+$0x70] =	vst v1;
	v1 =	vmul.f32 $8.000000000e+00, v6  }
0x94: {  	[tilespmem:s30+$0xF0] =	vst v0;
	v0 =	vmul.f32 $8.000000000e+00, v4  }
0x95: {  	[tilespmem:s30+$0xFFFFFF70] =	vst v1;
	v1 =	vmul.f32 $8.000000000e+00, v3  }
0x96: {  	[tilespmem:s30+$0xFFFFFFF0] =	vst v0  }
0x97: {  	s0 =	simm.s32 $0x0;
	[tilespmem:s30+$0x70] =	vst v1  }
0x98: {  	[hbm4b:s5+s0] =	stream.linear.scatter [tilespmem:s19], [sflag:$0x3], $0x4000, $0x38;
	[tilespmem:$0x16400] =	vst v63  }
0x99: {  	_ = 	snop  }
0x9a: {  	[tilespmem:s16], [sflag:$0x1] =	stream.indirect.gather [hbm4b:s2+s13], $0x80, s20, s13, $0xb8;
	[tilespmem:$0x16400] =	vst v63  }
0x9b: {  	_ =	swait.ge [sflag:s21], $0x4000  }
0x9c: {  	[sflag:s21] =	ssyncset.done $0x0  }
0x9d: {  	s28 =	simm.s32 $0x0;
	[sflag:s21] =	ssyncadd.s32 $0xFFFFC000  }
0x9e: {  	v1 =	vld [tilespmem:s28+$0xA400]  }
0x9f: {  	v0 =	vld [tilespmem:s28+$0xA5F0]  }
0xa0: {  	v2 =	vld [tilespmem:s28+$0xA410]  }
0xa1: {  	v3 =	vld [tilespmem:s28+$0xA420]  }
0xa2: {  	v7 =	vld [tilespmem:s28+$0xA460]  }
0xa3: {  	v5 =	vld [tilespmem:s28+$0xA440];
	v1 =	vmul.f32 $8.000000000e+00, v1  }
0xa4: {  	v4 =	vld [tilespmem:s28+$0xA430];
	v0 =	vmul.f32 $8.000000000e+00, v0  }
0xa5: {  	v8 =	vld [tilespmem:s28+$0xA480];
	v2 =	vmul.f32 $8.000000000e+00, v2;
	[tilespmem:s28+$0x12400] =	vst v1  }
0xa6: {  	v6 =	vld [tilespmem:s28+$0xA450];
	[tilespmem:s28+$0x125F0] =	vst v0;
	v0 =	vmul.f32 $8.000000000e+00, v3  }
0xa7: {  	v7 =	vmul.f32 $8.000000000e+00, v7;
	v1 =	vld [tilespmem:s28+$0xA470];
	[tilespmem:s28+$0x12410] =	vst v2  }
0xa8: {  	v3 =	vld [tilespmem:s28+$0xA490];
	[tilespmem:s28+$0x12420] =	vst v0;
	v0 =	vmul.f32 $8.000000000e+00, v5  }
0xa9: {  	v2 =	vmul.f32 $8.000000000e+00, v4;
	v4 =	vld [tilespmem:s28+$0xA4A0];
	[tilespmem:s28+$0x12460] =	vst v7  }
0xaa: {  	v5 =	vld [tilespmem:s28+$0xA4B0];
	[tilespmem:s28+$0x12440] =	vst v0;
	v0 =	vmul.f32 $8.000000000e+00, v8  }
0xab: {  	[tilespmem:s28+$0x12430] =	vst v2;
	v2 =	vmul.f32 $8.000000000e+00, v6;
	v6 =	vld [tilespmem:s28+$0xA4C0]  }
0xac: {  	v8 =	vld [tilespmem:s28+$0xA4D0];
	[tilespmem:s28+$0x12480] =	vst v0;
	v0 =	vmul.f32 $8.000000000e+00, v1  }
0xad: {  	[tilespmem:s28+$0x12450] =	vst v2;
	v1 =	vmul.f32 $8.000000000e+00, v3;
	v3 =	vld [tilespmem:s28+$0xA4F0]  }
0xae: {  	v2 =	vld [tilespmem:s28+$0xA4E0];
	[tilespmem:s28+$0x12470] =	vst v0;
	v0 =	vmul.f32 $8.000000000e+00, v4  }
0xaf: {  	v4 =	vld [tilespmem:s28+$0xA500];
	[tilespmem:s28+$0x12490] =	vst v1;
	v1 =	vmul.f32 $8.000000000e+00, v5  }
0xb0: {  	v5 =	vld [tilespmem:s28+$0xA510];
	[tilespmem:s28+$0x124A0] =	vst v0;
	v0 =	vmul.f32 $8.000000000e+00, v6  }
0xb1: {  	v6 =	vld [tilespmem:s28+$0xA520];
	[tilespmem:s28+$0x124B0] =	vst v1;
	v1 =	vmul.f32 $8.000000000e+00, v8  }
0xb2: {  	v7 =	vld [tilespmem:s28+$0xA530];
	v3 =	vmul.f32 $8.000000000e+00, v3;
	[tilespmem:s28+$0x124C0] =	vst v0  }
0xb3: {  	v0 =	vmul.f32 $8.000000000e+00, v2;
	v2 =	vld [tilespmem:s28+$0xA540];
	[tilespmem:s28+$0x124D0] =	vst v1  }
0xb4: {  	v1 =	vmul.f32 $8.000000000e+00, v4;
	v4 =	vld [tilespmem:s28+$0xA550];
	[tilespmem:s28+$0x124F0] =	vst v3  }
0xb5: {  	v8 =	vld [tilespmem:s28+$0xA560];
	[tilespmem:s28+$0x124E0] =	vst v0;
	v0 =	vmul.f32 $8.000000000e+00, v5  }
0xb6: {  	v5 =	vld [tilespmem:s28+$0xA570];
	[tilespmem:s28+$0x12500] =	vst v1;
	v1 =	vmul.f32 $8.000000000e+00, v6  }
0xb7: {  	[tilespmem:s28+$0x12510] =	vst v0;
	v0 =	vmul.f32 $8.000000000e+00, v7;
	v7 =	vld [tilespmem:s28+$0xA580]  }
0xb8: {  	v3 =	vld [tilespmem:s28+$0xA590];
	[tilespmem:s28+$0x12520] =	vst v1;
	v1 =	vmul.f32 $8.000000000e+00, v2  }
0xb9: {  	[tilespmem:s28+$0x12530] =	vst v0;
	v2 =	vmul.f32 $8.000000000e+00, v4;
	v0 =	vld [tilespmem:s28+$0xA5A0]  }
0xba: {  	v4 =	vmul.f32 $8.000000000e+00, v8;
	[tilespmem:s28+$0x12540] =	vst v1;
	v1 =	vld [tilespmem:s28+$0xA5B0]  }
0xbb: {  	v6 =	vmul.f32 $8.000000000e+00, v5;
	[tilespmem:s28+$0x12550] =	vst v2;
	v2 =	vld [tilespmem:s28+$0xA5C0]  }
0xbc: {  	s1 =	simm.s32 $0x0;
	s0 =	simm.s32 $0x800;
	[tilespmem:s28+$0x12560] =	vst v4;
	v4 =	vld [tilespmem:s28+$0xA5D0];
	v5 =	vmul.f32 $8.000000000e+00, v7  }
.LBB2_4:
0xbd: {  	s14 =	sshra.s32 s0, $0x2;
	s1 =	sadd.s32 $0x4, s1;
	[tilespmem:s28+$0x12570] =	vst v6;
	v3 =	vmul.f32 $8.000000000e+00, v3;
	v6 =	vld [tilespmem:s28+$0xA5E0]  }
0xbe: {  	v7 =	vld [tilespmem:s14+$0xA5F0];
	p0 =	slt.u32 s1, $0x7C;
	[tilespmem:s28+$0x12580] =	vst v5;
	v0 =	vmul.f32 $8.000000000e+00, v0  }
0xbf: {  	v5 =	vld [tilespmem:s14+$0xA400];
	[tilespmem:s28+$0x12590] =	vst v3;
	v1 =	vmul.f32 $8.000000000e+00, v1  }
0xc0: {  	v3 =	vld [tilespmem:s14+$0xA410];
	[tilespmem:s28+$0x125A0] =	vst v0;
	v0 =	vmul.f32 $8.000000000e+00, v2  }
0xc1: {  	v2 =	vld [tilespmem:s14+$0xA420];
	[tilespmem:s28+$0x125B0] =	vst v1;
	v1 =	vmul.f32 $8.000000000e+00, v4  }
0xc2: {  	v4 =	vld [tilespmem:s14+$0xA430];
	[tilespmem:s28+$0x125C0] =	vst v0;
	v0 =	vmul.f32 $8.000000000e+00, v6  }
0xc3: {  	v6 =	vld [tilespmem:s14+$0xA440];
	v7 =	vmul.f32 $8.000000000e+00, v7;
	[tilespmem:s28+$0x125D0] =	vst v1  }
0xc4: {  	v1 =	vmul.f32 $8.000000000e+00, v5;
	v5 =	vld [tilespmem:s14+$0xA450];
	[tilespmem:s28+$0x125E0] =	vst v0;
	s28 =	smov.u32 s14  }
0xc5: {  	v0 =	vmul.f32 $8.000000000e+00, v3;
	v3 =	vld [tilespmem:s28+$0xA460];
	[tilespmem:s28+$0x125F0] =	vst v7  }
0xc6: {  	[tilespmem:s28+$0x12400] =	vst v1;
	v1 =	vmul.f32 $8.000000000e+00, v2;
	v2 =	vld [tilespmem:s28+$0xA470]  }
0xc7: {  	[tilespmem:s28+$0x12410] =	vst v0;
	v0 =	vmul.f32 $8.000000000e+00, v4;
	v4 =	vld [tilespmem:s28+$0xA480]  }
0xc8: {  	[tilespmem:s28+$0x12420] =	vst v1;
	v1 =	vmul.f32 $8.000000000e+00, v6;
	v6 =	vld [tilespmem:s28+$0xA490]  }
0xc9: {  	[tilespmem:s28+$0x12430] =	vst v0;
	v0 =	vmul.f32 $8.000000000e+00, v5;
	v5 =	vld [tilespmem:s28+$0xA4A0]  }
0xca: {  	[tilespmem:s28+$0x12440] =	vst v1;
	v1 =	vmul.f32 $8.000000000e+00, v3;
	v3 =	vld [tilespmem:s28+$0xA4B0]  }
0xcb: {  	[tilespmem:s28+$0x12450] =	vst v0;
	v0 =	vmul.f32 $8.000000000e+00, v2;
	v2 =	vld [tilespmem:s28+$0xA4C0]  }
0xcc: {  	[tilespmem:s28+$0x12460] =	vst v1;
	v1 =	vmul.f32 $8.000000000e+00, v4;
	v4 =	vld [tilespmem:s28+$0xA4D0]  }
0xcd: {  	[tilespmem:s28+$0x12470] =	vst v0;
	v0 =	vmul.f32 $8.000000000e+00, v6;
	v6 =	vld [tilespmem:s28+$0xA4E0]  }
0xce: {  	[tilespmem:s28+$0x12480] =	vst v1;
	v1 =	vmul.f32 $8.000000000e+00, v5;
	v5 =	vld [tilespmem:s28+$0xA4F0]  }
0xcf: {  	[tilespmem:s28+$0x12490] =	vst v0;
	v0 =	vmul.f32 $8.000000000e+00, v3;
	v3 =	vld [tilespmem:s28+$0xA500]  }
0xd0: {  	[tilespmem:s28+$0x124A0] =	vst v1;
	v1 =	vmul.f32 $8.000000000e+00, v2;
	v2 =	vld [tilespmem:s28+$0xA510]  }
0xd1: {  	[tilespmem:s28+$0x124B0] =	vst v0;
	v0 =	vmul.f32 $8.000000000e+00, v4;
	v4 =	vld [tilespmem:s28+$0xA520]  }
0xd2: {  	[tilespmem:s28+$0x124C0] =	vst v1;
	v1 =	vmul.f32 $8.000000000e+00, v6;
	v6 =	vld [tilespmem:s28+$0xA530]  }
0xd3: {  	[tilespmem:s28+$0x124D0] =	vst v0;
	v0 =	vmul.f32 $8.000000000e+00, v5;
	v5 =	vld [tilespmem:s28+$0xA540]  }
0xd4: {  	[tilespmem:s28+$0x124E0] =	vst v1;
	v1 =	vmul.f32 $8.000000000e+00, v3;
	v7 =	vld [tilespmem:s28+$0xA550]  }
0xd5: {  	[tilespmem:s28+$0x124F0] =	vst v0;
	v0 =	vmul.f32 $8.000000000e+00, v2;
	v2 =	vld [tilespmem:s28+$0xA560]  }
0xd6: {  	[tilespmem:s28+$0x12500] =	vst v1;
	v1 =	vmul.f32 $8.000000000e+00, v4;
	v4 =	vld [tilespmem:s28+$0xA570]  }
0xd7: {  	[tilespmem:s28+$0x12510] =	vst v0;
	v0 =	vmul.f32 $8.000000000e+00, v6;
	v8 =	vld [tilespmem:s28+$0xA580]  }
.Ltmp1:
0xd8: {  	[tilespmem:s28+$0x12520] =	vst v1;
	v1 =	vmul.f32 $8.000000000e+00, v5;
	v3 =	vld [tilespmem:s28+$0xA590];
	(pc) =	sbr.rel @p0 .LBB2_4-.Ltmp1, $4  }
0xd9: {  	[tilespmem:s28+$0x12530] =	vst v0;
	v5 =	vmul.f32 $8.000000000e+00, v7;
	v0 =	vld [tilespmem:s28+$0xA5A0]  }
0xda: {  	[tilespmem:s28+$0x12540] =	vst v1;
	v7 =	vmul.f32 $8.000000000e+00, v2;
	v1 =	vld [tilespmem:s28+$0xA5B0]  }
0xdb: {  	[tilespmem:s28+$0x12550] =	vst v5;
	v6 =	vmul.f32 $8.000000000e+00, v4;
	v2 =	vld [tilespmem:s28+$0xA5C0]  }
0xdc: {  	s0 =	sadd.s32 $0x800, s0;
	[tilespmem:s28+$0x12560] =	vst v7;
	v5 =	vmul.f32 $8.000000000e+00, v8;
	v4 =	vld [tilespmem:s28+$0xA5D0]  }
0xdd: {  	[tilespmem:s28+$0x12570] =	vst v6;
	v3 =	vmul.f32 $8.000000000e+00, v3;
	v60 =	vld [tilespmem:s28+$0xA5E0]  }
0xde: {  	[tilespmem:s28+$0x12580] =	vst v5;
	v0 =	vmul.f32 $8.000000000e+00, v0  }
0xdf: {  	[tilespmem:s28+$0x12590] =	vst v3;
	v1 =	vmul.f32 $8.000000000e+00, v1  }
0xe0: {  	[tilespmem:s28+$0x125A0] =	vst v0;
	v61 =	vmul.f32 $8.000000000e+00, v2  }
0xe1: {  	[tilespmem:s28+$0x125B0] =	vst v1;
	v62 =	vmul.f32 $8.000000000e+00, v4  }
0xe2: {  	[tilespmem:s28+$0x125C0] =	vst v61;
	v63 =	vmul.f32 $8.000000000e+00, v60  }
0xe3: {  	[tilespmem:s28+$0x125D0] =	vst v62  }
0xe4: {  	[tilespmem:s28+$0x125E0] =	vst v63;
	s28 =	simm.s32 $0x0  }
0xe5: {  	[hbm4b:s7+s28] =	stream.linear.scatter [tilespmem:s22], [sflag:$0x4], $0x4000, $0x38;
	[tilespmem:$0x16400] =	vst v63  }
0xe6: {  	_ = 	snop  }
0xe7: {  	[tilespmem:s17], [sflag:$0x2] =	stream.indirect.gather [hbm4b:s2+s13], $0x80, s23, s13, $0xb8;
	[tilespmem:$0x16400] =	vst v63  }
.LBB2_6:
0xe8: {  	_ =	swait.ge [sflag:s18], $0x4000  }
0xe9: {  	[sflag:s18] =	ssyncset.done $0x0  }
0xea: {  	[sflag:s18] =	ssyncadd.s32 $0xFFFFC000  }
0xeb: {  	_ =	swait.ge [sflag:s24], $0x4000  }
0xec: {  	[sflag:s24] =	ssyncset.done $0x0  }
0xed: {  	s14 =	simm.s32 $0x6500;
	[sflag:s24] =	ssyncadd.s32 $0xFFFFC000  }
0xee: {  	v0 =	vld [tilespmem:s14+$0x80];
	_ =	sdelay $0x3  }
0xef: {  	v1 =	vld [tilespmem:s14+$0xFFFFFF00]  }
0xf0: {  	v2 =	vld [tilespmem:s14+$0xFFFFFF80];
	v0 =	vmul.f32 $8.000000000e+00, v0  }
0xf1: {  	s29 =	simm.s32 $0xE500;
	v3 =	vld [tilespmem:s14+$0x0]  }
0xf2: {  	[tilespmem:s29+$0x80] =	vst v0  }
0xf3: {  	v0 =	vld [tilespmem:s14+$0x90]  }
0xf4: {  	v1 =	vmul.f32 $8.000000000e+00, v1  }
0xf5: {  	v2 =	vmul.f32 $8.000000000e+00, v2  }
0xf6: {  	v3 =	vmul.f32 $8.000000000e+00, v3;
	[tilespmem:s29+$0xFFFFFF00] =	vst v1  }
0xf7: {  	[tilespmem:s29+$0xFFFFFF80] =	vst v2;
	v1 =	vld [tilespmem:s14+$0xFFFFFF10]  }
0xf8: {  	[tilespmem:s29+$0x0] =	vst v3;
	v2 =	vld [tilespmem:s14+$0xFFFFFF90];
	v0 =	vmul.f32 $8.000000000e+00, v0  }
0xf9: {  	v3 =	vld [tilespmem:s14+$0x10]  }
0xfa: {  	[tilespmem:s29+$0x90] =	vst v0  }
0xfb: {  	v0 =	vld [tilespmem:s14+$0xA0]  }
0xfc: {  	v1 =	vmul.f32 $8.000000000e+00, v1  }
0xfd: {  	v2 =	vmul.f32 $8.000000000e+00, v2  }
0xfe: {  	v3 =	vmul.f32 $8.000000000e+00, v3;
	[tilespmem:s29+$0xFFFFFF10] =	vst v1  }
0xff: {  	[tilespmem:s29+$0xFFFFFF90] =	vst v2;
	v1 =	vld [tilespmem:s14+$0xFFFFFF20]  }
0x100: {  	[tilespmem:s29+$0x10] =	vst v3;
	v2 =	vld [tilespmem:s14+$0xFFFFFFA0];
	v0 =	vmul.f32 $8.000000000e+00, v0  }
0x101: {  	v3 =	vld [tilespmem:s14+$0x20]  }
0x102: {  	[tilespmem:s29+$0xA0] =	vst v0  }
0x103: {  	v0 =	vld [tilespmem:s14+$0xB0]  }
0x104: {  	v1 =	vmul.f32 $8.000000000e+00, v1  }
0x105: {  	v2 =	vmul.f32 $8.000000000e+00, v2  }
0x106: {  	v3 =	vmul.f32 $8.000000000e+00, v3;
	[tilespmem:s29+$0xFFFFFF20] =	vst v1  }
0x107: {  	[tilespmem:s29+$0xFFFFFFA0] =	vst v2;
	v1 =	vld [tilespmem:s14+$0xFFFFFF30]  }
0x108: {  	[tilespmem:s29+$0x20] =	vst v3;
	v2 =	vld [tilespmem:s14+$0xFFFFFFB0];
	v0 =	vmul.f32 $8.000000000e+00, v0  }
0x109: {  	s30 =	simm.s32 $0x6700;
	v3 =	vld [tilespmem:s14+$0x30]  }
0x10a: {  	[tilespmem:s29+$0xB0] =	vst v0;
	v0 =	vld [tilespmem:s30+$0x80]  }
0x10b: {  	v4 =	vld [tilespmem:s14+$0xC0]  }
0x10c: {  	v5 =	vld [tilespmem:s30+$0xFFFFFF80];
	v1 =	vmul.f32 $8.000000000e+00, v1  }
0x10d: {  	v6 =	vld [tilespmem:s30+$0x0];
	v2 =	vmul.f32 $8.000000000e+00, v2  }
0x10e: {  	v3 =	vmul.f32 $8.000000000e+00, v3;
	[tilespmem:s29+$0xFFFFFF30] =	vst v1;
	v1 =	vld [tilespmem:s30+$0xFFFFFF00]  }
0x10f: {  	[tilespmem:s29+$0xFFFFFFB0] =	vst v2;
	v2 =	vld [tilespmem:s14+$0xFFFFFF40];
	v0 =	vmul.f32 $8.000000000e+00, v0  }
0x110: {  	s31 =	simm.s32 $0xE700;
	[tilespmem:s29+$0x30] =	vst v3;
	v3 =	vld [tilespmem:s14+$0xFFFFFFC0];
	v4 =	vmul.f32 $8.000000000e+00, v4  }
0x111: {  	v5 =	vmul.f32 $8.000000000e+00, v5;
	[tilespmem:s31+$0x80] =	vst v0;
	v0 =	vld [tilespmem:s14+$0x40]  }
0x112: {  	v6 =	vmul.f32 $8.000000000e+00, v6;
	v7 =	vld [tilespmem:s30+$0x90];
	[tilespmem:s29+$0xC0] =	vst v4  }
0x113: {  	[tilespmem:s31+$0xFFFFFF80] =	vst v5;
	v1 =	vmul.f32 $8.000000000e+00, v1;
	v4 =	vld [tilespmem:s14+$0xD0]  }
0x114: {  	[tilespmem:s31+$0x0] =	vst v6;
	v5 =	vld [tilespmem:s30+$0xFFFFFF90];
	v2 =	vmul.f32 $8.000000000e+00, v2  }
0x115: {  	v3 =	vmul.f32 $8.000000000e+00, v3;
	[tilespmem:s31+$0xFFFFFF00] =	vst v1;
	v1 =	vld [tilespmem:s30+$0x10]  }
0x116: {  	v6 =	vld [tilespmem:s30+$0xFFFFFF10];
	[tilespmem:s29+$0xFFFFFF40] =	vst v2;
	v0 =	vmul.f32 $8.000000000e+00, v0  }
0x117: {  	[tilespmem:s29+$0xFFFFFFC0] =	vst v3;
	v2 =	vmul.f32 $8.000000000e+00, v7;
	v7 =	vld [tilespmem:s14+$0xFFFFFF50]  }
0x118: {  	v3 =	vld [tilespmem:s14+$0xFFFFFFD0];
	[tilespmem:s29+$0x40] =	vst v0;
	v0 =	vmul.f32 $8.000000000e+00, v4  }
0x119: {  	v4 =	vmul.f32 $8.000000000e+00, v5;
	[tilespmem:s31+$0x90] =	vst v2;
	v2 =	vld [tilespmem:s14+$0x50]  }
0x11a: {  	v1 =	vmul.f32 $8.000000000e+00, v1;
	v5 =	vld [tilespmem:s30+$0xA0];
	[tilespmem:s29+$0xD0] =	vst v0  }
0x11b: {  	v0 =	vmul.f32 $8.000000000e+00, v6;
	[tilespmem:s31+$0xFFFFFF90] =	vst v4;
	v4 =	vld [tilespmem:s14+$0xE0]  }
0x11c: {  	[tilespmem:s31+$0x10] =	vst v1;
	v6 =	vld [tilespmem:s30+$0xFFFFFFA0];
	v1 =	vmul.f32 $8.000000000e+00, v7  }
0x11d: {  	v3 =	vmul.f32 $8.000000000e+00, v3;
	[tilespmem:s31+$0xFFFFFF10] =	vst v0;
	v0 =	vld [tilespmem:s30+$0x20]  }
0x11e: {  	v7 =	vld [tilespmem:s30+$0xFFFFFF20];
	[tilespmem:s29+$0xFFFFFF50] =	vst v1;
	v1 =	vmul.f32 $8.000000000e+00, v2  }
0x11f: {  	[tilespmem:s29+$0xFFFFFFD0] =	vst v3;
	v2 =	vmul.f32 $8.000000000e+00, v5;
	v5 =	vld [tilespmem:s14+$0xFFFFFF60]  }
0x120: {  	v3 =	vld [tilespmem:s14+$0xFFFFFFE0];
	[tilespmem:s29+$0x50] =	vst v1;
	v1 =	vmul.f32 $8.000000000e+00, v4  }
0x121: {  	v4 =	vmul.f32 $8.000000000e+00, v6;
	[tilespmem:s31+$0xA0] =	vst v2;
	v2 =	vld [tilespmem:s14+$0x60]  }
0x122: {  	v0 =	vmul.f32 $8.000000000e+00, v0;
	v6 =	vld [tilespmem:s30+$0xB0];
	[tilespmem:s29+$0xE0] =	vst v1  }
0x123: {  	v1 =	vmul.f32 $8.000000000e+00, v7;
	[tilespmem:s31+$0xFFFFFFA0] =	vst v4;
	v7 =	vld [tilespmem:s14+$0xF0]  }
0x124: {  	v8 =	vld [tilespmem:s30+$0xFFFFFFB0];
	[tilespmem:s31+$0x20] =	vst v0;
	v0 =	vmul.f32 $8.000000000e+00, v5  }
0x125: {  	v3 =	vmul.f32 $8.000000000e+00, v3;
	[tilespmem:s31+$0xFFFFFF20] =	vst v1;
	v4 =	vld [tilespmem:s30+$0x30]  }
0x126: {  	v5 =	vld [tilespmem:s30+$0xFFFFFF30];
	[tilespmem:s29+$0xFFFFFF60] =	vst v0;
	v2 =	vmul.f32 $8.000000000e+00, v2  }
0x127: {  	[tilespmem:s29+$0xFFFFFFE0] =	vst v3;
	v9 =	vmul.f32 $8.000000000e+00, v6;
	v1 =	vld [tilespmem:s14+$0xFFFFFF70]  }
0x128: {  	v0 =	vld [tilespmem:s14+$0xFFFFFFF0];
	[tilespmem:s29+$0x60] =	vst v2;
	v3 =	vmul.f32 $8.000000000e+00, v7  }
0x129: {  	s1 =	simm.s32 $0x4;
	s0 =	simm.s32 $0x6900;
	v6 =	vmul.f32 $8.000000000e+00, v8;
	[tilespmem:s31+$0xB0] =	vst v9;
	v2 =	vld [tilespmem:s14+$0x70]  }
.LBB2_7:
0x12a: {  	v7 =	vld [tilespmem:s0+$0x80];
	v4 =	vmul.f32 $8.000000000e+00, v4;
	[tilespmem:s29+$0xF0] =	vst v3  }
0x12b: {  	s1 =	sadd.s32 $0x4, s1;
	v3 =	vmul.f32 $8.000000000e+00, v5;
	[tilespmem:s31+$0xFFFFFFB0] =	vst v6;
	v5 =	vld [tilespmem:s30+$0xC0]  }
0x12c: {  	p0 =	slt.u32 s1, $0x7C;
	v6 =	vld [tilespmem:s0+$0xFFFFFF80];
	[tilespmem:s31+$0x30] =	vst v4;
	v1 =	vmul.f32 $8.000000000e+00, v1  }
0x12d: {  	v4 =	vld [tilespmem:s0+$0x0];
	[tilespmem:s31+$0xFFFFFF30] =	vst v3;
	v0 =	vmul.f32 $8.000000000e+00, v0  }
0x12e: {  	v3 =	vld [tilespmem:s0+$0xFFFFFF00];
	[tilespmem:s29+$0xFFFFFF70] =	vst v1;
	v1 =	vmul.f32 $8.000000000e+00, v2  }
0x12f: {  	v2 =	vmul.f32 $8.000000000e+00, v7;
	v7 =	vld [tilespmem:s30+$0xFFFFFF40];
	[tilespmem:s29+$0xFFFFFFF0] =	vst v0  }
0x130: {  	v0 =	vld [tilespmem:s30+$0xFFFFFFC0];
	v5 =	vmul.f32 $8.000000000e+00, v5;
	[tilespmem:s29+$0x70] =	vst v1;
	s29 =	smov.u32 s31;
	s31 =	sadd.s32 $0x200, s31  }
0x131: {  	v1 =	vmul.f32 $8.000000000e+00, v6;
	[tilespmem:s31+$0x80] =	vst v2;
	v2 =	vld [tilespmem:s30+$0x40]  }
0x132: {  	v4 =	vmul.f32 $8.000000000e+00, v4;
	v6 =	vld [tilespmem:s0+$0x90];
	[tilespmem:s29+$0xC0] =	vst v5  }
0x133: {  	v3 =	vmul.f32 $8.000000000e+00, v3;
	[tilespmem:s31+$0xFFFFFF80] =	vst v1;
	v1 =	vld [tilespmem:s30+$0xD0]  }
0x134: {  	v5 =	vld [tilespmem:s0+$0xFFFFFF90];
	[tilespmem:s31+$0x0] =	vst v4;
	v4 =	vmul.f32 $8.000000000e+00, v7  }
0x135: {  	[tilespmem:s31+$0xFFFFFF00] =	vst v3;
	v3 =	vld [tilespmem:s0+$0x10];
	v0 =	vmul.f32 $8.000000000e+00, v0  }
0x136: {  	v7 =	vld [tilespmem:s0+$0xFFFFFF10];
	[tilespmem:s29+$0xFFFFFF40] =	vst v4;
	v2 =	vmul.f32 $8.000000000e+00, v2  }
0x137: {  	v4 =	vmul.f32 $8.000000000e+00, v6;
	v6 =	vld [tilespmem:s30+$0xFFFFFF50];
	[tilespmem:s29+$0xFFFFFFC0] =	vst v0  }
0x138: {  	v0 =	vld [tilespmem:s30+$0xFFFFFFD0];
	[tilespmem:s29+$0x40] =	vst v2;
	v1 =	vmul.f32 $8.000000000e+00, v1  }
0x139: {  	v2 =	vmul.f32 $8.000000000e+00, v5;
	[tilespmem:s31+$0x90] =	vst v4;
	v4 =	vld [tilespmem:s30+$0x50]  }
0x13a: {  	v3 =	vmul.f32 $8.000000000e+00, v3;
	v5 =	vld [tilespmem:s0+$0xA0];
	[tilespmem:s29+$0xD0] =	vst v1  }
0x13b: {  	v1 =	vmul.f32 $8.000000000e+00, v7;
	[tilespmem:s31+$0xFFFFFF90] =	vst v2;
	v2 =	vld [tilespmem:s30+$0xE0]  }
0x13c: {  	v7 =	vld [tilespmem:s0+$0xFFFFFFA0];
	[tilespmem:s31+$0x10] =	vst v3;
	v3 =	vmul.f32 $8.000000000e+00, v6  }
0x13d: {  	[tilespmem:s31+$0xFFFFFF10] =	vst v1;
	v1 =	vld [tilespmem:s0+$0x20];
	v0 =	vmul.f32 $8.000000000e+00, v0  }
0x13e: {  	v6 =	vld [tilespmem:s0+$0xFFFFFF20];
	[tilespmem:s29+$0xFFFFFF50] =	vst v3;
	v3 =	vmul.f32 $8.000000000e+00, v4  }
0x13f: {  	v4 =	vmul.f32 $8.000000000e+00, v5;
	v5 =	vld [tilespmem:s30+$0xFFFFFF60];
	[tilespmem:s29+$0xFFFFFFD0] =	vst v0  }
0x140: {  	v0 =	vld [tilespmem:s30+$0xFFFFFFE0];
	[tilespmem:s29+$0x50] =	vst v3;
	v2 =	vmul.f32 $8.000000000e+00, v2  }
0x141: {  	v3 =	vmul.f32 $8.000000000e+00, v7;
	[tilespmem:s31+$0xA0] =	vst v4;
	v7 =	vld [tilespmem:s30+$0x60]  }
0x142: {  	v1 =	vmul.f32 $8.000000000e+00, v1;
	v8 =	vld [tilespmem:s0+$0xB0];
	[tilespmem:s29+$0xE0] =	vst v2  }
0x143: {  	v2 =	vmul.f32 $8.000000000e+00, v6;
	[tilespmem:s31+$0xFFFFFFA0] =	vst v3;
	v3 =	vld [tilespmem:s30+$0xF0]  }
0x144: {  	v6 =	vld [tilespmem:s0+$0xFFFFFFB0];
	[tilespmem:s31+$0x20] =	vst v1;
	v1 =	vmul.f32 $8.000000000e+00, v5  }
.Ltmp2:
0x145: {  	[tilespmem:s31+$0xFFFFFF20] =	vst v2;
	v4 =	vld [tilespmem:s0+$0x30];
	v0 =	vmul.f32 $8.000000000e+00, v0;
	(pc) =	sbr.rel @p0 .LBB2_7-.Ltmp2, $4  }
0x146: {  	v5 =	vld [tilespmem:s0+$0xFFFFFF30];
	[tilespmem:s29+$0xFFFFFF60] =	vst v1;
	v2 =	vmul.f32 $8.000000000e+00, v7  }
0x147: {  	v7 =	vmul.f32 $8.000000000e+00, v8;
	v1 =	vld [tilespmem:s30+$0xFFFFFF70];
	[tilespmem:s29+$0xFFFFFFE0] =	vst v0  }
0x148: {  	v0 =	vld [tilespmem:s30+$0xFFFFFFF0];
	[tilespmem:s29+$0x60] =	vst v2;
	v3 =	vmul.f32 $8.000000000e+00, v3  }
0x149: {  	v6 =	vmul.f32 $8.000000000e+00, v6;
	[tilespmem:s31+$0xB0] =	vst v7;
	v2 =	vld [tilespmem:s30+$0x70];
	s30 =	smov.u32 s0;
	s0 =	sadd.s32 $0x200, s0  }
0x14a: {  	_ = 	snop  }
0x14b: {  	v5 =	vmul.f32 $8.000000000e+00, v5;
	_ =	sdelay $0x1  }
0x14c: {  	v4 =	vmul.f32 $8.000000000e+00, v4;
	v7 =	vld [tilespmem:s30+$0xC0];
	[tilespmem:s31+$0xFFFFFF30] =	vst v5  }
0x14d: {  	[tilespmem:s31+$0xFFFFFFB0] =	vst v6;
	v5 =	vld [tilespmem:s30+$0xFFFFFF40]  }
0x14e: {  	[tilespmem:s31+$0x30] =	vst v4;
	v4 =	vld [tilespmem:s30+$0xFFFFFFC0]  }
0x14f: {  	v6 =	vld [tilespmem:s30+$0x40];
	_ =	sdelay $0x1  }
0x150: {  	v7 =	vmul.f32 $8.000000000e+00, v7  }
0x151: {  	v5 =	vmul.f32 $8.000000000e+00, v5  }
0x152: {  	[tilespmem:s31+$0xC0] =	vst v7;
	v4 =	vmul.f32 $8.000000000e+00, v4  }
0x153: {  	v7 =	vld [tilespmem:s30+$0xD0];
	[tilespmem:s31+$0xFFFFFF40] =	vst v5;
	v5 =	vmul.f32 $8.000000000e+00, v6  }
0x154: {  	[tilespmem:s31+$0xFFFFFFC0] =	vst v4;
	v6 =	vld [tilespmem:s30+$0xFFFFFF50]  }
0x155: {  	v4 =	vld [tilespmem:s30+$0xFFFFFFD0];
	[tilespmem:s31+$0x40] =	vst v5  }
0x156: {  	v5 =	vld [tilespmem:s30+$0x50];
	_ =	sdelay $0x1  }
0x157: {  	v7 =	vmul.f32 $8.000000000e+00, v7  }
0x158: {  	v6 =	vmul.f32 $8.000000000e+00, v6  }
0x159: {  	[tilespmem:s31+$0xD0] =	vst v7;
	v4 =	vmul.f32 $8.000000000e+00, v4  }
0x15a: {  	v7 =	vld [tilespmem:s30+$0xE0];
	[tilespmem:s31+$0xFFFFFF50] =	vst v6;
	v5 =	vmul.f32 $8.000000000e+00, v5  }
0x15b: {  	[tilespmem:s31+$0xFFFFFFD0] =	vst v4;
	v6 =	vld [tilespmem:s30+$0xFFFFFF60]  }
0x15c: {  	v4 =	vld [tilespmem:s30+$0xFFFFFFE0];
	[tilespmem:s31+$0x50] =	vst v5  }
0x15d: {  	v5 =	vld [tilespmem:s30+$0x60];
	_ =	sdelay $0x1  }
0x15e: {  	v7 =	vmul.f32 $8.000000000e+00, v7  }
0x15f: {  	v6 =	vmul.f32 $8.000000000e+00, v6  }
0x160: {  	[tilespmem:s31+$0xE0] =	vst v7;
	v4 =	vmul.f32 $8.000000000e+00, v4  }
0x161: {  	v7 =	vld [tilespmem:s30+$0xF0];
	[tilespmem:s31+$0xFFFFFF60] =	vst v6;
	v5 =	vmul.f32 $8.000000000e+00, v5  }
0x162: {  	[tilespmem:s31+$0xFFFFFFE0] =	vst v4;
	v6 =	vld [tilespmem:s30+$0xFFFFFF70]  }
0x163: {  	v1 =	vmul.f32 $8.000000000e+00, v1;
	v4 =	vld [tilespmem:s30+$0xFFFFFFF0];
	[tilespmem:s31+$0x60] =	vst v5  }
0x164: {  	[tilespmem:s29+$0xF0] =	vst v3;
	v0 =	vmul.f32 $8.000000000e+00, v0;
	v3 =	vld [tilespmem:s30+$0x70]  }
0x165: {  	[tilespmem:s29+$0xFFFFFF70] =	vst v1;
	v1 =	vmul.f32 $8.000000000e+00, v2  }
0x166: {  	[tilespmem:s29+$0xFFFFFFF0] =	vst v0;
	v0 =	vmul.f32 $8.000000000e+00, v7  }
0x167: {  	[tilespmem:s29+$0x70] =	vst v1;
	v1 =	vmul.f32 $8.000000000e+00, v6  }
0x168: {  	s29 =	sshll.u32 s28, $0xF;
	[tilespmem:s31+$0xF0] =	vst v0;
	v0 =	vmul.f32 $8.000000000e+00, v4  }
0x169: {  	s0 =	sadd.s32 s29, s8;
	[tilespmem:s31+$0xFFFFFF70] =	vst v1;
	v1 =	vmul.f32 $8.000000000e+00, v3  }
0x16a: {  	s14 =	sshll.u32 s28, $0x8;
	s0 =	sshrl.u32 s0, $0x3;
	[tilespmem:s31+$0xFFFFFFF0] =	vst v0  }
0x16b: {  	s1 =	simm.s32 $0x0;
	s0 =	sadd.s32 s3, s0;
	s30 =	sand.u32 $0x3FFFFF00, s14;
	[tilespmem:s31+$0x70] =	vst v1  }
0x16c: {  	[hbm4b:s0+s1] =	stream.linear.scatter [tilespmem:s19], [sflag:$0x3], $0x4000, $0x38;
	[tilespmem:$0x16400] =	vst v63  }
0x16d: {  	s0 =	sadd.s32 $0x200, s30  }
0x16e: {  	[tilespmem:s16], [sflag:$0x1] =	stream.indirect.gather [hbm4b:s2+s13], $0x80, s0, s13, $0xb8;
	[tilespmem:$0x16400] =	vst v63  }
0x16f: {  	_ =	swait.ge [sflag:s21], $0x4000  }
0x170: {  	[sflag:s21] =	ssyncset.done $0x0  }
0x171: {  	[sflag:s21] =	ssyncadd.s32 $0xFFFFC000  }
0x172: {  	_ =	swait.ge [sflag:s25], $0x4000  }
0x173: {  	[sflag:s25] =	ssyncset.done $0x0  }
0x174: {  	s31 =	simm.s32 $0x0;
	[sflag:s25] =	ssyncadd.s32 $0xFFFFC000  }
0x175: {  	v1 =	vld [tilespmem:s31+$0xA400]  }
0x176: {  	v0 =	vld [tilespmem:s31+$0xA5F0]  }
0x177: {  	v2 =	vld [tilespmem:s31+$0xA410]  }
0x178: {  	v3 =	vld [tilespmem:s31+$0xA420]  }
0x179: {  	v7 =	vld [tilespmem:s31+$0xA460]  }
0x17a: {  	v5 =	vld [tilespmem:s31+$0xA440];
	v1 =	vmul.f32 $8.000000000e+00, v1  }
0x17b: {  	v4 =	vld [tilespmem:s31+$0xA430];
	v0 =	vmul.f32 $8.000000000e+00, v0  }
0x17c: {  	v8 =	vld [tilespmem:s31+$0xA480];
	v2 =	vmul.f32 $8.000000000e+00, v2;
	[tilespmem:s31+$0x12400] =	vst v1  }
0x17d: {  	v6 =	vld [tilespmem:s31+$0xA450];
	[tilespmem:s31+$0x125F0] =	vst v0;
	v0 =	vmul.f32 $8.000000000e+00, v3  }
0x17e: {  	v7 =	vmul.f32 $8.000000000e+00, v7;
	v1 =	vld [tilespmem:s31+$0xA470];
	[tilespmem:s31+$0x12410] =	vst v2  }
0x17f: {  	v3 =	vld [tilespmem:s31+$0xA490];
	[tilespmem:s31+$0x12420] =	vst v0;
	v0 =	vmul.f32 $8.000000000e+00, v5  }
0x180: {  	v2 =	vmul.f32 $8.000000000e+00, v4;
	v4 =	vld [tilespmem:s31+$0xA4A0];
	[tilespmem:s31+$0x12460] =	vst v7  }
0x181: {  	v5 =	vld [tilespmem:s31+$0xA4B0];
	[tilespmem:s31+$0x12440] =	vst v0;
	v0 =	vmul.f32 $8.000000000e+00, v8  }
0x182: {  	[tilespmem:s31+$0x12430] =	vst v2;
	v2 =	vmul.f32 $8.000000000e+00, v6;
	v6 =	vld [tilespmem:s31+$0xA4C0]  }
0x183: {  	v8 =	vld [tilespmem:s31+$0xA4D0];
	[tilespmem:s31+$0x12480] =	vst v0;
	v0 =	vmul.f32 $8.000000000e+00, v1  }
0x184: {  	[tilespmem:s31+$0x12450] =	vst v2;
	v1 =	vmul.f32 $8.000000000e+00, v3;
	v3 =	vld [tilespmem:s31+$0xA4F0]  }
0x185: {  	v2 =	vld [tilespmem:s31+$0xA4E0];
	[tilespmem:s31+$0x12470] =	vst v0;
	v0 =	vmul.f32 $8.000000000e+00, v4  }
0x186: {  	v4 =	vld [tilespmem:s31+$0xA500];
	[tilespmem:s31+$0x12490] =	vst v1;
	v1 =	vmul.f32 $8.000000000e+00, v5  }
0x187: {  	v5 =	vld [tilespmem:s31+$0xA510];
	[tilespmem:s31+$0x124A0] =	vst v0;
	v0 =	vmul.f32 $8.000000000e+00, v6  }
0x188: {  	v6 =	vld [tilespmem:s31+$0xA520];
	[tilespmem:s31+$0x124B0] =	vst v1;
	v1 =	vmul.f32 $8.000000000e+00, v8  }
0x189: {  	v7 =	vld [tilespmem:s31+$0xA530];
	v3 =	vmul.f32 $8.000000000e+00, v3;
	[tilespmem:s31+$0x124C0] =	vst v0  }
0x18a: {  	v0 =	vmul.f32 $8.000000000e+00, v2;
	v2 =	vld [tilespmem:s31+$0xA540];
	[tilespmem:s31+$0x124D0] =	vst v1  }
0x18b: {  	v1 =	vmul.f32 $8.000000000e+00, v4;
	v4 =	vld [tilespmem:s31+$0xA550];
	[tilespmem:s31+$0x124F0] =	vst v3  }
0x18c: {  	v8 =	vld [tilespmem:s31+$0xA560];
	[tilespmem:s31+$0x124E0] =	vst v0;
	v0 =	vmul.f32 $8.000000000e+00, v5  }
0x18d: {  	v5 =	vld [tilespmem:s31+$0xA570];
	[tilespmem:s31+$0x12500] =	vst v1;
	v1 =	vmul.f32 $8.000000000e+00, v6  }
0x18e: {  	[tilespmem:s31+$0x12510] =	vst v0;
	v0 =	vmul.f32 $8.000000000e+00, v7;
	v7 =	vld [tilespmem:s31+$0xA580]  }
0x18f: {  	v3 =	vld [tilespmem:s31+$0xA590];
	[tilespmem:s31+$0x12520] =	vst v1;
	v1 =	vmul.f32 $8.000000000e+00, v2  }
0x190: {  	[tilespmem:s31+$0x12530] =	vst v0;
	v2 =	vmul.f32 $8.000000000e+00, v4;
	v0 =	vld [tilespmem:s31+$0xA5A0]  }
0x191: {  	v4 =	vmul.f32 $8.000000000e+00, v8;
	[tilespmem:s31+$0x12540] =	vst v1;
	v1 =	vld [tilespmem:s31+$0xA5B0]  }
0x192: {  	v6 =	vmul.f32 $8.000000000e+00, v5;
	[tilespmem:s31+$0x12550] =	vst v2;
	v2 =	vld [tilespmem:s31+$0xA5C0]  }
0x193: {  	s1 =	simm.s32 $0x0;
	s0 =	simm.s32 $0x800;
	[tilespmem:s31+$0x12560] =	vst v4;
	v4 =	vld [tilespmem:s31+$0xA5D0];
	v5 =	vmul.f32 $8.000000000e+00, v7  }
.LBB2_9:
0x194: {  	s14 =	sshra.s32 s0, $0x2;
	s1 =	sadd.s32 $0x4, s1;
	[tilespmem:s31+$0x12570] =	vst v6;
	v3 =	vmul.f32 $8.000000000e+00, v3;
	v6 =	vld [tilespmem:s31+$0xA5E0]  }
0x195: {  	v7 =	vld [tilespmem:s14+$0xA5F0];
	p0 =	slt.u32 s1, $0x7C;
	[tilespmem:s31+$0x12580] =	vst v5;
	v0 =	vmul.f32 $8.000000000e+00, v0  }
0x196: {  	v5 =	vld [tilespmem:s14+$0xA400];
	[tilespmem:s31+$0x12590] =	vst v3;
	v1 =	vmul.f32 $8.000000000e+00, v1  }
0x197: {  	v3 =	vld [tilespmem:s14+$0xA410];
	[tilespmem:s31+$0x125A0] =	vst v0;
	v0 =	vmul.f32 $8.000000000e+00, v2  }
0x198: {  	v2 =	vld [tilespmem:s14+$0xA420];
	[tilespmem:s31+$0x125B0] =	vst v1;
	v1 =	vmul.f32 $8.000000000e+00, v4  }
0x199: {  	v4 =	vld [tilespmem:s14+$0xA430];
	[tilespmem:s31+$0x125C0] =	vst v0;
	v0 =	vmul.f32 $8.000000000e+00, v6  }
0x19a: {  	v6 =	vld [tilespmem:s14+$0xA440];
	v7 =	vmul.f32 $8.000000000e+00, v7;
	[tilespmem:s31+$0x125D0] =	vst v1  }
0x19b: {  	v1 =	vmul.f32 $8.000000000e+00, v5;
	v5 =	vld [tilespmem:s14+$0xA450];
	[tilespmem:s31+$0x125E0] =	vst v0;
	s31 =	smov.u32 s14  }
0x19c: {  	v0 =	vmul.f32 $8.000000000e+00, v3;
	v3 =	vld [tilespmem:s31+$0xA460];
	[tilespmem:s31+$0x125F0] =	vst v7  }
0x19d: {  	[tilespmem:s31+$0x12400] =	vst v1;
	v1 =	vmul.f32 $8.000000000e+00, v2;
	v2 =	vld [tilespmem:s31+$0xA470]  }
0x19e: {  	[tilespmem:s31+$0x12410] =	vst v0;
	v0 =	vmul.f32 $8.000000000e+00, v4;
	v4 =	vld [tilespmem:s31+$0xA480]  }
0x19f: {  	[tilespmem:s31+$0x12420] =	vst v1;
	v1 =	vmul.f32 $8.000000000e+00, v6;
	v6 =	vld [tilespmem:s31+$0xA490]  }
0x1a0: {  	[tilespmem:s31+$0x12430] =	vst v0;
	v0 =	vmul.f32 $8.000000000e+00, v5;
	v5 =	vld [tilespmem:s31+$0xA4A0]  }
0x1a1: {  	[tilespmem:s31+$0x12440] =	vst v1;
	v1 =	vmul.f32 $8.000000000e+00, v3;
	v3 =	vld [tilespmem:s31+$0xA4B0]  }
0x1a2: {  	[tilespmem:s31+$0x12450] =	vst v0;
	v0 =	vmul.f32 $8.000000000e+00, v2;
	v2 =	vld [tilespmem:s31+$0xA4C0]  }
0x1a3: {  	[tilespmem:s31+$0x12460] =	vst v1;
	v1 =	vmul.f32 $8.000000000e+00, v4;
	v4 =	vld [tilespmem:s31+$0xA4D0]  }
0x1a4: {  	[tilespmem:s31+$0x12470] =	vst v0;
	v0 =	vmul.f32 $8.000000000e+00, v6;
	v6 =	vld [tilespmem:s31+$0xA4E0]  }
0x1a5: {  	[tilespmem:s31+$0x12480] =	vst v1;
	v1 =	vmul.f32 $8.000000000e+00, v5;
	v5 =	vld [tilespmem:s31+$0xA4F0]  }
0x1a6: {  	[tilespmem:s31+$0x12490] =	vst v0;
	v0 =	vmul.f32 $8.000000000e+00, v3;
	v3 =	vld [tilespmem:s31+$0xA500]  }
0x1a7: {  	[tilespmem:s31+$0x124A0] =	vst v1;
	v1 =	vmul.f32 $8.000000000e+00, v2;
	v2 =	vld [tilespmem:s31+$0xA510]  }
0x1a8: {  	[tilespmem:s31+$0x124B0] =	vst v0;
	v0 =	vmul.f32 $8.000000000e+00, v4;
	v4 =	vld [tilespmem:s31+$0xA520]  }
0x1a9: {  	[tilespmem:s31+$0x124C0] =	vst v1;
	v1 =	vmul.f32 $8.000000000e+00, v6;
	v6 =	vld [tilespmem:s31+$0xA530]  }
0x1aa: {  	[tilespmem:s31+$0x124D0] =	vst v0;
	v0 =	vmul.f32 $8.000000000e+00, v5;
	v5 =	vld [tilespmem:s31+$0xA540]  }
0x1ab: {  	[tilespmem:s31+$0x124E0] =	vst v1;
	v1 =	vmul.f32 $8.000000000e+00, v3;
	v7 =	vld [tilespmem:s31+$0xA550]  }
0x1ac: {  	[tilespmem:s31+$0x124F0] =	vst v0;
	v0 =	vmul.f32 $8.000000000e+00, v2;
	v2 =	vld [tilespmem:s31+$0xA560]  }
0x1ad: {  	[tilespmem:s31+$0x12500] =	vst v1;
	v1 =	vmul.f32 $8.000000000e+00, v4;
	v4 =	vld [tilespmem:s31+$0xA570]  }
0x1ae: {  	[tilespmem:s31+$0x12510] =	vst v0;
	v0 =	vmul.f32 $8.000000000e+00, v6;
	v8 =	vld [tilespmem:s31+$0xA580]  }
.Ltmp3:
0x1af: {  	[tilespmem:s31+$0x12520] =	vst v1;
	v1 =	vmul.f32 $8.000000000e+00, v5;
	v3 =	vld [tilespmem:s31+$0xA590];
	(pc) =	sbr.rel @p0 .LBB2_9-.Ltmp3, $4  }
0x1b0: {  	[tilespmem:s31+$0x12530] =	vst v0;
	v5 =	vmul.f32 $8.000000000e+00, v7;
	v0 =	vld [tilespmem:s31+$0xA5A0]  }
0x1b1: {  	[tilespmem:s31+$0x12540] =	vst v1;
	v7 =	vmul.f32 $8.000000000e+00, v2;
	v1 =	vld [tilespmem:s31+$0xA5B0]  }
0x1b2: {  	[tilespmem:s31+$0x12550] =	vst v5;
	v6 =	vmul.f32 $8.000000000e+00, v4;
	v2 =	vld [tilespmem:s31+$0xA5C0]  }
0x1b3: {  	s0 =	sadd.s32 $0x800, s0;
	[tilespmem:s31+$0x12560] =	vst v7;
	v5 =	vmul.f32 $8.000000000e+00, v8;
	v4 =	vld [tilespmem:s31+$0xA5D0]  }
0x1b4: {  	[tilespmem:s31+$0x12570] =	vst v6;
	v3 =	vmul.f32 $8.000000000e+00, v3;
	v60 =	vld [tilespmem:s31+$0xA5E0]  }
0x1b5: {  	[tilespmem:s31+$0x12580] =	vst v5;
	v0 =	vmul.f32 $8.000000000e+00, v0  }
0x1b6: {  	[tilespmem:s31+$0x12590] =	vst v3;
	v1 =	vmul.f32 $8.000000000e+00, v1  }
0x1b7: {  	[tilespmem:s31+$0x125A0] =	vst v0;
	v61 =	vmul.f32 $8.000000000e+00, v2  }
0x1b8: {  	s28 =	sadd.s32 $0x1, s28;
	[tilespmem:s31+$0x125B0] =	vst v1;
	v62 =	vmul.f32 $8.000000000e+00, v4  }
0x1b9: {  	s0 =	sadd.s32 s29, s9;
	p0 =	sne.s32 s28, $0x62;
	[tilespmem:s31+$0x125C0] =	vst v61;
	v63 =	vmul.f32 $8.000000000e+00, v60  }
.Ltmp4:
0x1ba: {  	s0 =	sshrl.u32 s0, $0x3;
	[tilespmem:s31+$0x125D0] =	vst v62;
	(pc) =	sbr.rel @p0 .LBB2_6-.Ltmp4, $4  }
0x1bb: {  	s0 =	sadd.s32 s3, s0;
	[tilespmem:s31+$0x125E0] =	vst v63  }
0x1bc: {  	[hbm4b:s0+s4] =	stream.linear.scatter [tilespmem:s22], [sflag:$0x4], $0x4000, $0x38;
	[tilespmem:$0x16400] =	vst v63  }
0x1bd: {  	s31 =	sadd.s32 $0x280, s30  }
0x1be: {  	[tilespmem:s17], [sflag:$0x2] =	stream.indirect.gather [hbm4b:s2+s13], $0x80, s31, s13, $0xb8;
	[tilespmem:$0x16400] =	vst v63  }
0x1bf: {  	_ =	swait.ge [sflag:s18], $0x4000  }
0x1c0: {  	[sflag:s18] =	ssyncset.done $0x0  }
0x1c1: {  	[sflag:s18] =	ssyncadd.s32 $0xFFFFC000  }
0x1c2: {  	_ =	swait.ge [sflag:s24], $0x4000  }
0x1c3: {  	[sflag:s24] =	ssyncset.done $0x0  }
0x1c4: {  	s14 =	simm.s32 $0x6500;
	[sflag:s24] =	ssyncadd.s32 $0xFFFFC000  }
0x1c5: {  	v0 =	vld [tilespmem:s14+$0x80];
	_ =	sdelay $0x3  }
0x1c6: {  	v1 =	vld [tilespmem:s14+$0xFFFFFF00]  }
0x1c7: {  	v2 =	vld [tilespmem:s14+$0xFFFFFF80];
	v0 =	vmul.f32 $8.000000000e+00, v0  }
0x1c8: {  	s28 =	simm.s32 $0xE500;
	v3 =	vld [tilespmem:s14+$0x0]  }
0x1c9: {  	[tilespmem:s28+$0x80] =	vst v0  }
0x1ca: {  	v0 =	vld [tilespmem:s14+$0x90]  }
0x1cb: {  	v1 =	vmul.f32 $8.000000000e+00, v1  }
0x1cc: {  	v2 =	vmul.f32 $8.000000000e+00, v2  }
0x1cd: {  	v3 =	vmul.f32 $8.000000000e+00, v3;
	[tilespmem:s28+$0xFFFFFF00] =	vst v1  }
0x1ce: {  	[tilespmem:s28+$0xFFFFFF80] =	vst v2;
	v1 =	vld [tilespmem:s14+$0xFFFFFF10]  }
0x1cf: {  	[tilespmem:s28+$0x0] =	vst v3;
	v2 =	vld [tilespmem:s14+$0xFFFFFF90];
	v0 =	vmul.f32 $8.000000000e+00, v0  }
0x1d0: {  	v3 =	vld [tilespmem:s14+$0x10]  }
0x1d1: {  	[tilespmem:s28+$0x90] =	vst v0  }
0x1d2: {  	v0 =	vld [tilespmem:s14+$0xA0]  }
0x1d3: {  	v1 =	vmul.f32 $8.000000000e+00, v1  }
0x1d4: {  	v2 =	vmul.f32 $8.000000000e+00, v2  }
0x1d5: {  	v3 =	vmul.f32 $8.000000000e+00, v3;
	[tilespmem:s28+$0xFFFFFF10] =	vst v1  }
0x1d6: {  	[tilespmem:s28+$0xFFFFFF90] =	vst v2;
	v1 =	vld [tilespmem:s14+$0xFFFFFF20]  }
0x1d7: {  	[tilespmem:s28+$0x10] =	vst v3;
	v2 =	vld [tilespmem:s14+$0xFFFFFFA0];
	v0 =	vmul.f32 $8.000000000e+00, v0  }
0x1d8: {  	v3 =	vld [tilespmem:s14+$0x20]  }
0x1d9: {  	[tilespmem:s28+$0xA0] =	vst v0  }
0x1da: {  	v0 =	vld [tilespmem:s14+$0xB0]  }
0x1db: {  	v1 =	vmul.f32 $8.000000000e+00, v1  }
0x1dc: {  	v2 =	vmul.f32 $8.000000000e+00, v2  }
0x1dd: {  	v3 =	vmul.f32 $8.000000000e+00, v3;
	[tilespmem:s28+$0xFFFFFF20] =	vst v1  }
0x1de: {  	[tilespmem:s28+$0xFFFFFFA0] =	vst v2;
	v1 =	vld [tilespmem:s14+$0xFFFFFF30]  }
0x1df: {  	[tilespmem:s28+$0x20] =	vst v3;
	v2 =	vld [tilespmem:s14+$0xFFFFFFB0];
	v0 =	vmul.f32 $8.000000000e+00, v0  }
0x1e0: {  	s29 =	simm.s32 $0x6700;
	v3 =	vld [tilespmem:s14+$0x30]  }
0x1e1: {  	[tilespmem:s28+$0xB0] =	vst v0;
	v0 =	vld [tilespmem:s29+$0x80]  }
0x1e2: {  	v4 =	vld [tilespmem:s14+$0xC0]  }
0x1e3: {  	v5 =	vld [tilespmem:s29+$0xFFFFFF80];
	v1 =	vmul.f32 $8.000000000e+00, v1  }
0x1e4: {  	v6 =	vld [tilespmem:s29+$0x0];
	v2 =	vmul.f32 $8.000000000e+00, v2  }
0x1e5: {  	v3 =	vmul.f32 $8.000000000e+00, v3;
	[tilespmem:s28+$0xFFFFFF30] =	vst v1;
	v1 =	vld [tilespmem:s29+$0xFFFFFF00]  }
0x1e6: {  	[tilespmem:s28+$0xFFFFFFB0] =	vst v2;
	v2 =	vld [tilespmem:s14+$0xFFFFFF40];
	v0 =	vmul.f32 $8.000000000e+00, v0  }
0x1e7: {  	s30 =	simm.s32 $0xE700;
	[tilespmem:s28+$0x30] =	vst v3;
	v3 =	vld [tilespmem:s14+$0xFFFFFFC0];
	v4 =	vmul.f32 $8.000000000e+00, v4  }
0x1e8: {  	v5 =	vmul.f32 $8.000000000e+00, v5;
	[tilespmem:s30+$0x80] =	vst v0;
	v0 =	vld [tilespmem:s14+$0x40]  }
0x1e9: {  	v6 =	vmul.f32 $8.000000000e+00, v6;
	v7 =	vld [tilespmem:s29+$0x90];
	[tilespmem:s28+$0xC0] =	vst v4  }
0x1ea: {  	[tilespmem:s30+$0xFFFFFF80] =	vst v5;
	v1 =	vmul.f32 $8.000000000e+00, v1;
	v4 =	vld [tilespmem:s14+$0xD0]  }
0x1eb: {  	[tilespmem:s30+$0x0] =	vst v6;
	v5 =	vld [tilespmem:s29+$0xFFFFFF90];
	v2 =	vmul.f32 $8.000000000e+00, v2  }
0x1ec: {  	v3 =	vmul.f32 $8.000000000e+00, v3;
	[tilespmem:s30+$0xFFFFFF00] =	vst v1;
	v1 =	vld [tilespmem:s29+$0x10]  }
0x1ed: {  	v6 =	vld [tilespmem:s29+$0xFFFFFF10];
	[tilespmem:s28+$0xFFFFFF40] =	vst v2;
	v0 =	vmul.f32 $8.000000000e+00, v0  }
0x1ee: {  	[tilespmem:s28+$0xFFFFFFC0] =	vst v3;
	v2 =	vmul.f32 $8.000000000e+00, v7;
	v7 =	vld [tilespmem:s14+$0xFFFFFF50]  }
0x1ef: {  	v3 =	vld [tilespmem:s14+$0xFFFFFFD0];
	[tilespmem:s28+$0x40] =	vst v0;
	v0 =	vmul.f32 $8.000000000e+00, v4  }
0x1f0: {  	v4 =	vmul.f32 $8.000000000e+00, v5;
	[tilespmem:s30+$0x90] =	vst v2;
	v2 =	vld [tilespmem:s14+$0x50]  }
0x1f1: {  	v1 =	vmul.f32 $8.000000000e+00, v1;
	v5 =	vld [tilespmem:s29+$0xA0];
	[tilespmem:s28+$0xD0] =	vst v0  }
0x1f2: {  	v0 =	vmul.f32 $8.000000000e+00, v6;
	[tilespmem:s30+$0xFFFFFF90] =	vst v4;
	v4 =	vld [tilespmem:s14+$0xE0]  }
0x1f3: {  	[tilespmem:s30+$0x10] =	vst v1;
	v6 =	vld [tilespmem:s29+$0xFFFFFFA0];
	v1 =	vmul.f32 $8.000000000e+00, v7  }
0x1f4: {  	v3 =	vmul.f32 $8.000000000e+00, v3;
	[tilespmem:s30+$0xFFFFFF10] =	vst v0;
	v0 =	vld [tilespmem:s29+$0x20]  }
0x1f5: {  	v7 =	vld [tilespmem:s29+$0xFFFFFF20];
	[tilespmem:s28+$0xFFFFFF50] =	vst v1;
	v1 =	vmul.f32 $8.000000000e+00, v2  }
0x1f6: {  	[tilespmem:s28+$0xFFFFFFD0] =	vst v3;
	v2 =	vmul.f32 $8.000000000e+00, v5;
	v5 =	vld [tilespmem:s14+$0xFFFFFF60]  }
0x1f7: {  	v3 =	vld [tilespmem:s14+$0xFFFFFFE0];
	[tilespmem:s28+$0x50] =	vst v1;
	v1 =	vmul.f32 $8.000000000e+00, v4  }
0x1f8: {  	v4 =	vmul.f32 $8.000000000e+00, v6;
	[tilespmem:s30+$0xA0] =	vst v2;
	v2 =	vld [tilespmem:s14+$0x60]  }
0x1f9: {  	v0 =	vmul.f32 $8.000000000e+00, v0;
	v6 =	vld [tilespmem:s29+$0xB0];
	[tilespmem:s28+$0xE0] =	vst v1  }
0x1fa: {  	v1 =	vmul.f32 $8.000000000e+00, v7;
	[tilespmem:s30+$0xFFFFFFA0] =	vst v4;
	v7 =	vld [tilespmem:s14+$0xF0]  }
0x1fb: {  	v8 =	vld [tilespmem:s29+$0xFFFFFFB0];
	[tilespmem:s30+$0x20] =	vst v0;
	v0 =	vmul.f32 $8.000000000e+00, v5  }
0x1fc: {  	v3 =	vmul.f32 $8.000000000e+00, v3;
	[tilespmem:s30+$0xFFFFFF20] =	vst v1;
	v4 =	vld [tilespmem:s29+$0x30]  }
0x1fd: {  	v5 =	vld [tilespmem:s29+$0xFFFFFF30];
	[tilespmem:s28+$0xFFFFFF60] =	vst v0;
	v2 =	vmul.f32 $8.000000000e+00, v2  }
0x1fe: {  	[tilespmem:s28+$0xFFFFFFE0] =	vst v3;
	v9 =	vmul.f32 $8.000000000e+00, v6;
	v1 =	vld [tilespmem:s14+$0xFFFFFF70]  }
0x1ff: {  	v0 =	vld [tilespmem:s14+$0xFFFFFFF0];
	[tilespmem:s28+$0x60] =	vst v2;
	v3 =	vmul.f32 $8.000000000e+00, v7  }
0x200: {  	s1 =	simm.s32 $0x4;
	s0 =	simm.s32 $0x6900;
	v6 =	vmul.f32 $8.000000000e+00, v8;
	[tilespmem:s30+$0xB0] =	vst v9;
	v2 =	vld [tilespmem:s14+$0x70]  }
.LBB2_12:
0x201: {  	v7 =	vld [tilespmem:s0+$0x80];
	v4 =	vmul.f32 $8.000000000e+00, v4;
	[tilespmem:s28+$0xF0] =	vst v3  }
0x202: {  	s1 =	sadd.s32 $0x4, s1;
	v3 =	vmul.f32 $8.000000000e+00, v5;
	[tilespmem:s30+$0xFFFFFFB0] =	vst v6;
	v5 =	vld [tilespmem:s29+$0xC0]  }
0x203: {  	p0 =	slt.u32 s1, $0x7C;
	v6 =	vld [tilespmem:s0+$0xFFFFFF80];
	[tilespmem:s30+$0x30] =	vst v4;
	v1 =	vmul.f32 $8.000000000e+00, v1  }
0x204: {  	v4 =	vld [tilespmem:s0+$0x0];
	[tilespmem:s30+$0xFFFFFF30] =	vst v3;
	v0 =	vmul.f32 $8.000000000e+00, v0  }
0x205: {  	v3 =	vld [tilespmem:s0+$0xFFFFFF00];
	[tilespmem:s28+$0xFFFFFF70] =	vst v1;
	v1 =	vmul.f32 $8.000000000e+00, v2  }
0x206: {  	v2 =	vmul.f32 $8.000000000e+00, v7;
	v7 =	vld [tilespmem:s29+$0xFFFFFF40];
	[tilespmem:s28+$0xFFFFFFF0] =	vst v0  }
0x207: {  	v0 =	vld [tilespmem:s29+$0xFFFFFFC0];
	v5 =	vmul.f32 $8.000000000e+00, v5;
	[tilespmem:s28+$0x70] =	vst v1;
	s28 =	smov.u32 s30;
	s30 =	sadd.s32 $0x200, s30  }
0x208: {  	v1 =	vmul.f32 $8.000000000e+00, v6;
	[tilespmem:s30+$0x80] =	vst v2;
	v2 =	vld [tilespmem:s29+$0x40]  }
0x209: {  	v4 =	vmul.f32 $8.000000000e+00, v4;
	v6 =	vld [tilespmem:s0+$0x90];
	[tilespmem:s28+$0xC0] =	vst v5  }
0x20a: {  	v3 =	vmul.f32 $8.000000000e+00, v3;
	[tilespmem:s30+$0xFFFFFF80] =	vst v1;
	v1 =	vld [tilespmem:s29+$0xD0]  }
0x20b: {  	v5 =	vld [tilespmem:s0+$0xFFFFFF90];
	[tilespmem:s30+$0x0] =	vst v4;
	v4 =	vmul.f32 $8.000000000e+00, v7  }
0x20c: {  	[tilespmem:s30+$0xFFFFFF00] =	vst v3;
	v3 =	vld [tilespmem:s0+$0x10];
	v0 =	vmul.f32 $8.000000000e+00, v0  }
0x20d: {  	v7 =	vld [tilespmem:s0+$0xFFFFFF10];
	[tilespmem:s28+$0xFFFFFF40] =	vst v4;
	v2 =	vmul.f32 $8.000000000e+00, v2  }
0x20e: {  	v4 =	vmul.f32 $8.000000000e+00, v6;
	v6 =	vld [tilespmem:s29+$0xFFFFFF50];
	[tilespmem:s28+$0xFFFFFFC0] =	vst v0  }
0x20f: {  	v0 =	vld [tilespmem:s29+$0xFFFFFFD0];
	[tilespmem:s28+$0x40] =	vst v2;
	v1 =	vmul.f32 $8.000000000e+00, v1  }
0x210: {  	v2 =	vmul.f32 $8.000000000e+00, v5;
	[tilespmem:s30+$0x90] =	vst v4;
	v4 =	vld [tilespmem:s29+$0x50]  }
0x211: {  	v3 =	vmul.f32 $8.000000000e+00, v3;
	v5 =	vld [tilespmem:s0+$0xA0];
	[tilespmem:s28+$0xD0] =	vst v1  }
0x212: {  	v1 =	vmul.f32 $8.000000000e+00, v7;
	[tilespmem:s30+$0xFFFFFF90] =	vst v2;
	v2 =	vld [tilespmem:s29+$0xE0]  }
0x213: {  	v7 =	vld [tilespmem:s0+$0xFFFFFFA0];
	[tilespmem:s30+$0x10] =	vst v3;
	v3 =	vmul.f32 $8.000000000e+00, v6  }
0x214: {  	[tilespmem:s30+$0xFFFFFF10] =	vst v1;
	v1 =	vld [tilespmem:s0+$0x20];
	v0 =	vmul.f32 $8.000000000e+00, v0  }
0x215: {  	v6 =	vld [tilespmem:s0+$0xFFFFFF20];
	[tilespmem:s28+$0xFFFFFF50] =	vst v3;
	v3 =	vmul.f32 $8.000000000e+00, v4  }
0x216: {  	v4 =	vmul.f32 $8.000000000e+00, v5;
	v5 =	vld [tilespmem:s29+$0xFFFFFF60];
	[tilespmem:s28+$0xFFFFFFD0] =	vst v0  }
0x217: {  	v0 =	vld [tilespmem:s29+$0xFFFFFFE0];
	[tilespmem:s28+$0x50] =	vst v3;
	v2 =	vmul.f32 $8.000000000e+00, v2  }
0x218: {  	v3 =	vmul.f32 $8.000000000e+00, v7;
	[tilespmem:s30+$0xA0] =	vst v4;
	v7 =	vld [tilespmem:s29+$0x60]  }
0x219: {  	v1 =	vmul.f32 $8.000000000e+00, v1;
	v8 =	vld [tilespmem:s0+$0xB0];
	[tilespmem:s28+$0xE0] =	vst v2  }
0x21a: {  	v2 =	vmul.f32 $8.000000000e+00, v6;
	[tilespmem:s30+$0xFFFFFFA0] =	vst v3;
	v3 =	vld [tilespmem:s29+$0xF0]  }
0x21b: {  	v6 =	vld [tilespmem:s0+$0xFFFFFFB0];
	[tilespmem:s30+$0x20] =	vst v1;
	v1 =	vmul.f32 $8.000000000e+00, v5  }
.Ltmp5:
0x21c: {  	[tilespmem:s30+$0xFFFFFF20] =	vst v2;
	v4 =	vld [tilespmem:s0+$0x30];
	v0 =	vmul.f32 $8.000000000e+00, v0;
	(pc) =	sbr.rel @p0 .LBB2_12-.Ltmp5, $4  }
0x21d: {  	v5 =	vld [tilespmem:s0+$0xFFFFFF30];
	[tilespmem:s28+$0xFFFFFF60] =	vst v1;
	v2 =	vmul.f32 $8.000000000e+00, v7  }
0x21e: {  	v7 =	vmul.f32 $8.000000000e+00, v8;
	v1 =	vld [tilespmem:s29+$0xFFFFFF70];
	[tilespmem:s28+$0xFFFFFFE0] =	vst v0  }
0x21f: {  	v0 =	vld [tilespmem:s29+$0xFFFFFFF0];
	[tilespmem:s28+$0x60] =	vst v2;
	v3 =	vmul.f32 $8.000000000e+00, v3  }
0x220: {  	v6 =	vmul.f32 $8.000000000e+00, v6;
	[tilespmem:s30+$0xB0] =	vst v7;
	v2 =	vld [tilespmem:s29+$0x70];
	s29 =	smov.u32 s0;
	s0 =	sadd.s32 $0x200, s0  }
0x221: {  	_ = 	snop  }
0x222: {  	v5 =	vmul.f32 $8.000000000e+00, v5;
	_ =	sdelay $0x1  }
0x223: {  	v4 =	vmul.f32 $8.000000000e+00, v4;
	v7 =	vld [tilespmem:s29+$0xC0];
	[tilespmem:s30+$0xFFFFFF30] =	vst v5  }
0x224: {  	[tilespmem:s30+$0xFFFFFFB0] =	vst v6;
	v5 =	vld [tilespmem:s29+$0xFFFFFF40]  }
0x225: {  	[tilespmem:s30+$0x30] =	vst v4;
	v4 =	vld [tilespmem:s29+$0xFFFFFFC0]  }
0x226: {  	v6 =	vld [tilespmem:s29+$0x40];
	_ =	sdelay $0x1  }
0x227: {  	v7 =	vmul.f32 $8.000000000e+00, v7  }
0x228: {  	v5 =	vmul.f32 $8.000000000e+00, v5  }
0x229: {  	[tilespmem:s30+$0xC0] =	vst v7;
	v4 =	vmul.f32 $8.000000000e+00, v4  }
0x22a: {  	v7 =	vld [tilespmem:s29+$0xD0];
	[tilespmem:s30+$0xFFFFFF40] =	vst v5;
	v5 =	vmul.f32 $8.000000000e+00, v6  }
0x22b: {  	[tilespmem:s30+$0xFFFFFFC0] =	vst v4;
	v6 =	vld [tilespmem:s29+$0xFFFFFF50]  }
0x22c: {  	v4 =	vld [tilespmem:s29+$0xFFFFFFD0];
	[tilespmem:s30+$0x40] =	vst v5  }
0x22d: {  	v5 =	vld [tilespmem:s29+$0x50];
	_ =	sdelay $0x1  }
0x22e: {  	v7 =	vmul.f32 $8.000000000e+00, v7  }
0x22f: {  	v6 =	vmul.f32 $8.000000000e+00, v6  }
0x230: {  	[tilespmem:s30+$0xD0] =	vst v7;
	v4 =	vmul.f32 $8.000000000e+00, v4  }
0x231: {  	v7 =	vld [tilespmem:s29+$0xE0];
	[tilespmem:s30+$0xFFFFFF50] =	vst v6;
	v5 =	vmul.f32 $8.000000000e+00, v5  }
0x232: {  	[tilespmem:s30+$0xFFFFFFD0] =	vst v4;
	v6 =	vld [tilespmem:s29+$0xFFFFFF60]  }
0x233: {  	v4 =	vld [tilespmem:s29+$0xFFFFFFE0];
	[tilespmem:s30+$0x50] =	vst v5  }
0x234: {  	v5 =	vld [tilespmem:s29+$0x60];
	_ =	sdelay $0x1  }
0x235: {  	v7 =	vmul.f32 $8.000000000e+00, v7  }
0x236: {  	v6 =	vmul.f32 $8.000000000e+00, v6  }
0x237: {  	[tilespmem:s30+$0xE0] =	vst v7;
	v4 =	vmul.f32 $8.000000000e+00, v4  }
0x238: {  	v7 =	vld [tilespmem:s29+$0xF0];
	[tilespmem:s30+$0xFFFFFF60] =	vst v6;
	v5 =	vmul.f32 $8.000000000e+00, v5  }
0x239: {  	[tilespmem:s30+$0xFFFFFFE0] =	vst v4;
	v6 =	vld [tilespmem:s29+$0xFFFFFF70]  }
0x23a: {  	v1 =	vmul.f32 $8.000000000e+00, v1;
	v4 =	vld [tilespmem:s29+$0xFFFFFFF0];
	[tilespmem:s30+$0x60] =	vst v5  }
0x23b: {  	[tilespmem:s28+$0xF0] =	vst v3;
	v0 =	vmul.f32 $8.000000000e+00, v0;
	v3 =	vld [tilespmem:s29+$0x70]  }
0x23c: {  	[tilespmem:s28+$0xFFFFFF70] =	vst v1;
	v1 =	vmul.f32 $8.000000000e+00, v2  }
0x23d: {  	[tilespmem:s28+$0xFFFFFFF0] =	vst v0;
	v0 =	vmul.f32 $8.000000000e+00, v7  }
0x23e: {  	[tilespmem:s28+$0x70] =	vst v1;
	v1 =	vmul.f32 $8.000000000e+00, v6  }
0x23f: {  	[tilespmem:s30+$0xF0] =	vst v0;
	v0 =	vmul.f32 $8.000000000e+00, v4  }
0x240: {  	[tilespmem:s30+$0xFFFFFF70] =	vst v1;
	v1 =	vmul.f32 $8.000000000e+00, v3  }
0x241: {  	[tilespmem:s30+$0xFFFFFFF0] =	vst v0  }
0x242: {  	s0 =	simm.s32 $0x0;
	[tilespmem:s30+$0x70] =	vst v1  }
0x243: {  	[hbm4b:s10+s0] =	stream.linear.scatter [tilespmem:s19], [sflag:$0x3], $0x4000, $0x38;
	[tilespmem:$0x16400] =	vst v63  }
0x244: {  	_ =	swait.ge [sflag:s21], $0x4000  }
0x245: {  	[sflag:s21] =	ssyncset.done $0x0  }
0x246: {  	[sflag:s21] =	ssyncadd.s32 $0xFFFFC000  }
0x247: {  	_ =	swait.ge [sflag:s25], $0x4000  }
0x248: {  	[sflag:s25] =	ssyncset.done $0x0  }
0x249: {  	s28 =	simm.s32 $0x0;
	[sflag:s25] =	ssyncadd.s32 $0xFFFFC000  }
0x24a: {  	v1 =	vld [tilespmem:s28+$0xA400]  }
0x24b: {  	v0 =	vld [tilespmem:s28+$0xA5F0]  }
0x24c: {  	v2 =	vld [tilespmem:s28+$0xA410]  }
0x24d: {  	v3 =	vld [tilespmem:s28+$0xA420]  }
0x24e: {  	v7 =	vld [tilespmem:s28+$0xA460]  }
0x24f: {  	v5 =	vld [tilespmem:s28+$0xA440];
	v1 =	vmul.f32 $8.000000000e+00, v1  }
0x250: {  	v4 =	vld [tilespmem:s28+$0xA430];
	v0 =	vmul.f32 $8.000000000e+00, v0  }
0x251: {  	v8 =	vld [tilespmem:s28+$0xA480];
	v2 =	vmul.f32 $8.000000000e+00, v2;
	[tilespmem:s28+$0x12400] =	vst v1  }
0x252: {  	v6 =	vld [tilespmem:s28+$0xA450];
	[tilespmem:s28+$0x125F0] =	vst v0;
	v0 =	vmul.f32 $8.000000000e+00, v3  }
0x253: {  	v7 =	vmul.f32 $8.000000000e+00, v7;
	v1 =	vld [tilespmem:s28+$0xA470];
	[tilespmem:s28+$0x12410] =	vst v2  }
0x254: {  	v3 =	vld [tilespmem:s28+$0xA490];
	[tilespmem:s28+$0x12420] =	vst v0;
	v0 =	vmul.f32 $8.000000000e+00, v5  }
0x255: {  	v2 =	vmul.f32 $8.000000000e+00, v4;
	v4 =	vld [tilespmem:s28+$0xA4A0];
	[tilespmem:s28+$0x12460] =	vst v7  }
0x256: {  	v5 =	vld [tilespmem:s28+$0xA4B0];
	[tilespmem:s28+$0x12440] =	vst v0;
	v0 =	vmul.f32 $8.000000000e+00, v8  }
0x257: {  	[tilespmem:s28+$0x12430] =	vst v2;
	v2 =	vmul.f32 $8.000000000e+00, v6;
	v6 =	vld [tilespmem:s28+$0xA4C0]  }
0x258: {  	v8 =	vld [tilespmem:s28+$0xA4D0];
	[tilespmem:s28+$0x12480] =	vst v0;
	v0 =	vmul.f32 $8.000000000e+00, v1  }
0x259: {  	[tilespmem:s28+$0x12450] =	vst v2;
	v1 =	vmul.f32 $8.000000000e+00, v3;
	v3 =	vld [tilespmem:s28+$0xA4F0]  }
0x25a: {  	v2 =	vld [tilespmem:s28+$0xA4E0];
	[tilespmem:s28+$0x12470] =	vst v0;
	v0 =	vmul.f32 $8.000000000e+00, v4  }
0x25b: {  	v4 =	vld [tilespmem:s28+$0xA500];
	[tilespmem:s28+$0x12490] =	vst v1;
	v1 =	vmul.f32 $8.000000000e+00, v5  }
0x25c: {  	v5 =	vld [tilespmem:s28+$0xA510];
	[tilespmem:s28+$0x124A0] =	vst v0;
	v0 =	vmul.f32 $8.000000000e+00, v6  }
0x25d: {  	v6 =	vld [tilespmem:s28+$0xA520];
	[tilespmem:s28+$0x124B0] =	vst v1;
	v1 =	vmul.f32 $8.000000000e+00, v8  }
0x25e: {  	v7 =	vld [tilespmem:s28+$0xA530];
	v3 =	vmul.f32 $8.000000000e+00, v3;
	[tilespmem:s28+$0x124C0] =	vst v0  }
0x25f: {  	v0 =	vmul.f32 $8.000000000e+00, v2;
	v2 =	vld [tilespmem:s28+$0xA540];
	[tilespmem:s28+$0x124D0] =	vst v1  }
0x260: {  	v1 =	vmul.f32 $8.000000000e+00, v4;
	v4 =	vld [tilespmem:s28+$0xA550];
	[tilespmem:s28+$0x124F0] =	vst v3  }
0x261: {  	v8 =	vld [tilespmem:s28+$0xA560];
	[tilespmem:s28+$0x124E0] =	vst v0;
	v0 =	vmul.f32 $8.000000000e+00, v5  }
0x262: {  	v5 =	vld [tilespmem:s28+$0xA570];
	[tilespmem:s28+$0x12500] =	vst v1;
	v1 =	vmul.f32 $8.000000000e+00, v6  }
0x263: {  	[tilespmem:s28+$0x12510] =	vst v0;
	v0 =	vmul.f32 $8.000000000e+00, v7;
	v7 =	vld [tilespmem:s28+$0xA580]  }
0x264: {  	v3 =	vld [tilespmem:s28+$0xA590];
	[tilespmem:s28+$0x12520] =	vst v1;
	v1 =	vmul.f32 $8.000000000e+00, v2  }
0x265: {  	[tilespmem:s28+$0x12530] =	vst v0;
	v2 =	vmul.f32 $8.000000000e+00, v4;
	v0 =	vld [tilespmem:s28+$0xA5A0]  }
0x266: {  	v4 =	vmul.f32 $8.000000000e+00, v8;
	[tilespmem:s28+$0x12540] =	vst v1;
	v1 =	vld [tilespmem:s28+$0xA5B0]  }
0x267: {  	v6 =	vmul.f32 $8.000000000e+00, v5;
	[tilespmem:s28+$0x12550] =	vst v2;
	v2 =	vld [tilespmem:s28+$0xA5C0]  }
0x268: {  	s1 =	simm.s32 $0x0;
	s0 =	simm.s32 $0x800;
	[tilespmem:s28+$0x12560] =	vst v4;
	v4 =	vld [tilespmem:s28+$0xA5D0];
	v5 =	vmul.f32 $8.000000000e+00, v7  }
.LBB2_14:
0x269: {  	s14 =	sshra.s32 s0, $0x2;
	s1 =	sadd.s32 $0x4, s1;
	[tilespmem:s28+$0x12570] =	vst v6;
	v3 =	vmul.f32 $8.000000000e+00, v3;
	v6 =	vld [tilespmem:s28+$0xA5E0]  }
0x26a: {  	v7 =	vld [tilespmem:s14+$0xA5F0];
	p0 =	slt.u32 s1, $0x7C;
	[tilespmem:s28+$0x12580] =	vst v5;
	v0 =	vmul.f32 $8.000000000e+00, v0  }
0x26b: {  	v5 =	vld [tilespmem:s14+$0xA400];
	[tilespmem:s28+$0x12590] =	vst v3;
	v1 =	vmul.f32 $8.000000000e+00, v1  }
0x26c: {  	v3 =	vld [tilespmem:s14+$0xA410];
	[tilespmem:s28+$0x125A0] =	vst v0;
	v0 =	vmul.f32 $8.000000000e+00, v2  }
0x26d: {  	v2 =	vld [tilespmem:s14+$0xA420];
	[tilespmem:s28+$0x125B0] =	vst v1;
	v1 =	vmul.f32 $8.000000000e+00, v4  }
0x26e: {  	v4 =	vld [tilespmem:s14+$0xA430];
	[tilespmem:s28+$0x125C0] =	vst v0;
	v0 =	vmul.f32 $8.000000000e+00, v6  }
0x26f: {  	v6 =	vld [tilespmem:s14+$0xA440];
	v7 =	vmul.f32 $8.000000000e+00, v7;
	[tilespmem:s28+$0x125D0] =	vst v1  }
0x270: {  	v1 =	vmul.f32 $8.000000000e+00, v5;
	v5 =	vld [tilespmem:s14+$0xA450];
	[tilespmem:s28+$0x125E0] =	vst v0;
	s28 =	smov.u32 s14  }
0x271: {  	v0 =	vmul.f32 $8.000000000e+00, v3;
	v3 =	vld [tilespmem:s28+$0xA460];
	[tilespmem:s28+$0x125F0] =	vst v7  }
0x272: {  	[tilespmem:s28+$0x12400] =	vst v1;
	v1 =	vmul.f32 $8.000000000e+00, v2;
	v2 =	vld [tilespmem:s28+$0xA470]  }
0x273: {  	[tilespmem:s28+$0x12410] =	vst v0;
	v0 =	vmul.f32 $8.000000000e+00, v4;
	v4 =	vld [tilespmem:s28+$0xA480]  }
0x274: {  	[tilespmem:s28+$0x12420] =	vst v1;
	v1 =	vmul.f32 $8.000000000e+00, v6;
	v6 =	vld [tilespmem:s28+$0xA490]  }
0x275: {  	[tilespmem:s28+$0x12430] =	vst v0;
	v0 =	vmul.f32 $8.000000000e+00, v5;
	v5 =	vld [tilespmem:s28+$0xA4A0]  }
0x276: {  	[tilespmem:s28+$0x12440] =	vst v1;
	v1 =	vmul.f32 $8.000000000e+00, v3;
	v3 =	vld [tilespmem:s28+$0xA4B0]  }
0x277: {  	[tilespmem:s28+$0x12450] =	vst v0;
	v0 =	vmul.f32 $8.000000000e+00, v2;
	v2 =	vld [tilespmem:s28+$0xA4C0]  }
0x278: {  	[tilespmem:s28+$0x12460] =	vst v1;
	v1 =	vmul.f32 $8.000000000e+00, v4;
	v4 =	vld [tilespmem:s28+$0xA4D0]  }
0x279: {  	[tilespmem:s28+$0x12470] =	vst v0;
	v0 =	vmul.f32 $8.000000000e+00, v6;
	v6 =	vld [tilespmem:s28+$0xA4E0]  }
0x27a: {  	[tilespmem:s28+$0x12480] =	vst v1;
	v1 =	vmul.f32 $8.000000000e+00, v5;
	v5 =	vld [tilespmem:s28+$0xA4F0]  }
0x27b: {  	[tilespmem:s28+$0x12490] =	vst v0;
	v0 =	vmul.f32 $8.000000000e+00, v3;
	v3 =	vld [tilespmem:s28+$0xA500]  }
0x27c: {  	[tilespmem:s28+$0x124A0] =	vst v1;
	v1 =	vmul.f32 $8.000000000e+00, v2;
	v2 =	vld [tilespmem:s28+$0xA510]  }
0x27d: {  	[tilespmem:s28+$0x124B0] =	vst v0;
	v0 =	vmul.f32 $8.000000000e+00, v4;
	v4 =	vld [tilespmem:s28+$0xA520]  }
0x27e: {  	[tilespmem:s28+$0x124C0] =	vst v1;
	v1 =	vmul.f32 $8.000000000e+00, v6;
	v6 =	vld [tilespmem:s28+$0xA530]  }
0x27f: {  	[tilespmem:s28+$0x124D0] =	vst v0;
	v0 =	vmul.f32 $8.000000000e+00, v5;
	v5 =	vld [tilespmem:s28+$0xA540]  }
0x280: {  	[tilespmem:s28+$0x124E0] =	vst v1;
	v1 =	vmul.f32 $8.000000000e+00, v3;
	v7 =	vld [tilespmem:s28+$0xA550]  }
0x281: {  	[tilespmem:s28+$0x124F0] =	vst v0;
	v0 =	vmul.f32 $8.000000000e+00, v2;
	v2 =	vld [tilespmem:s28+$0xA560]  }
0x282: {  	[tilespmem:s28+$0x12500] =	vst v1;
	v1 =	vmul.f32 $8.000000000e+00, v4;
	v4 =	vld [tilespmem:s28+$0xA570]  }
0x283: {  	[tilespmem:s28+$0x12510] =	vst v0;
	v0 =	vmul.f32 $8.000000000e+00, v6;
	v8 =	vld [tilespmem:s28+$0xA580]  }
.Ltmp6:
0x284: {  	[tilespmem:s28+$0x12520] =	vst v1;
	v1 =	vmul.f32 $8.000000000e+00, v5;
	v3 =	vld [tilespmem:s28+$0xA590];
	(pc) =	sbr.rel @p0 .LBB2_14-.Ltmp6, $4  }
0x285: {  	[tilespmem:s28+$0x12530] =	vst v0;
	v5 =	vmul.f32 $8.000000000e+00, v7;
	v0 =	vld [tilespmem:s28+$0xA5A0]  }
0x286: {  	[tilespmem:s28+$0x12540] =	vst v1;
	v7 =	vmul.f32 $8.000000000e+00, v2;
	v1 =	vld [tilespmem:s28+$0xA5B0]  }
0x287: {  	[tilespmem:s28+$0x12550] =	vst v5;
	v6 =	vmul.f32 $8.000000000e+00, v4;
	v2 =	vld [tilespmem:s28+$0xA5C0]  }
0x288: {  	s0 =	sadd.s32 $0x800, s0;
	[tilespmem:s28+$0x12560] =	vst v7;
	v5 =	vmul.f32 $8.000000000e+00, v8;
	v4 =	vld [tilespmem:s28+$0xA5D0]  }
0x289: {  	[tilespmem:s28+$0x12570] =	vst v6;
	v3 =	vmul.f32 $8.000000000e+00, v3;
	v60 =	vld [tilespmem:s28+$0xA5E0]  }
0x28a: {  	[tilespmem:s28+$0x12580] =	vst v5;
	v0 =	vmul.f32 $8.000000000e+00, v0  }
0x28b: {  	[tilespmem:s28+$0x12590] =	vst v3;
	v1 =	vmul.f32 $8.000000000e+00, v1  }
0x28c: {  	[tilespmem:s28+$0x125A0] =	vst v0;
	v61 =	vmul.f32 $8.000000000e+00, v2  }
0x28d: {  	[tilespmem:s28+$0x125B0] =	vst v1;
	v62 =	vmul.f32 $8.000000000e+00, v4  }
0x28e: {  	[tilespmem:s28+$0x125C0] =	vst v61;
	v63 =	vmul.f32 $8.000000000e+00, v60  }
0x28f: {  	[tilespmem:s28+$0x125D0] =	vst v62  }
0x290: {  	s26 =	sadd.s32 $0x1, s26;
	[tilespmem:s28+$0x125E0] =	vst v63  }
0x291: {  	[hbm4b:s11+s4] =	stream.linear.scatter [tilespmem:s22], [sflag:$0x4], $0x4000, $0x38;
	[tilespmem:$0x16400] =	vst v63  }
0x292: {  	p0 =	sne.s32 s26, s12;
	_ =	swait.ge [sflag:s24], $0x4000  }
.Ltmp7:
0x293: {  	[sflag:s24] =	ssyncset.done $0x0;
	(pc) =	sbr.rel @p0 .LBB2_1-.Ltmp7, $4  }
0x294: {  	[sflag:s24] =	ssyncadd.s32 $0xFFFFC000  }
0x295: {  	_ =	swait.ge [sflag:s25], $0x4000  }
0x296: {  	[sflag:s25] =	ssyncset.done $0x0  }
0x297: {  	[sflag:s25] =	ssyncadd.s32 $0xFFFFC000  }
0x298: {  	_ =	sfence.sel $0x180000  }
0x299: {  	[bflag:$0x0] =	sbarrier.arrive $0xFFFF  }
0x29a: {  	_ =	strace $0x90000047  }
0x29b: {  	s0 =	stileid.u32;
	[bflag:$0x2] =	sbarrier.arrive $0xFFFF  }
0x29c: {  	p0 =	sne.s32 s0, $0x0;
	s0 =	rddreg [dreg:$0x3]  }
0x29d: {  	s0 =	sadd.s32 @!p0 $0x100000, s0  }
0x29e: {  	[sflag:s0] =	ssyncadd.tile.s32 @!p0 $0x1;
	_ =	shalt  }
.Lfunc_end2:
_tile_overlayer_lowered:
.L_overlay_start_2:
0x29f: {  	(tag) =	ssettag $0x2  }
0x2a0: {  	s0 =	rddreg [dreg:$0x0];
	s2 =	stileid.u32  }
0x2a1: {  	s1 =	rddreg [dreg:$0x1];
	p0 =	sne.s32 s2, $0x0  }
0x2a2: {  	s3 =	rddreg [dreg:$0x2];
	[bflag:$0x3] =	sbarrier.arrive $0xFFFF;
	s2 =	simm.s32 @!p0 $0x1C05  }
0x2a3: {  	[timem:s3], [sflag:s2] =	dma.local @!p0 [hbm:s0], s1  }
0x2a4: {  	s0 =	simm.s32 @!p0 $0x5  }
0x2a5: {  	_ =	swait.ge @!p0 [sflag:s0], s1  }
0x2a6: {  	s1 =	ssub.s32 @!p0 $0x0, s1;
	[sflag:s0] =	ssyncset.done @!p0 $0x0  }
0x2a7: {  	[sflag:s0] =	ssyncadd.s32 @!p0 s1  }
0x2a8: {  	[bflag:$0x3] =	sbarrier.arrive $0xFFFF  }
0x2a9: {  	_ =	shalt  }

</sc_bundles>
